<compile_context>
chip_gen: v7x
topology: tpu7x:2x2x1
jax: 0.10.2.dev20260603
libtpu: 0.0.44.dev20260713+nightly
codegen_flags: <defaults>
</compile_context>

<pallas_src>
import functools

import jax
import jax.numpy as jnp
import numpy as _np
from jax import lax
from jax.experimental import pallas as pl
from jax.experimental.pallas import tpu as pltpu
from jax.experimental.pallas import tpu_sc as plsc

N = 10000
E = 320000
IN_DIM = 128
HID = 64
NUM_COLORS = 16

NC = 2
NS = 16
CHUNK = 128
NQ = E // CHUNK
NW = NC * NS
NC_EDGE = 2
N_CHUNKS = 79
N_PAD = 10240
ROWS_PER_TILE = N_PAD // NS

_mesh = plsc.VectorSubcoreMesh(
    core_axis_name="c", subcore_axis_name="s", num_cores=NC, num_subcores=NS)
_sc_params = pltpu.CompilerParams(use_tc_tiling_on_sc=False)


@functools.partial(
    pl.kernel,
    out_type=jax.ShapeDtypeStruct((NC, N_PAD), jnp.float32),
    mesh=_mesh,
    scratch_types=[
        pltpu.VMEM((N_CHUNKS, CHUNK), jnp.int32),
        pltpu.VMEM((CHUNK,), jnp.float32),
        pltpu.VMEM_SHARED((N_PAD,), jnp.float32),
        pltpu.SemaphoreType.DMA,
    ],
    compiler_params=_sc_params,
)
def _sc_degree(edges_hbm, ones_hbm, zeros_hbm, out_hbm, dst_v, ones_v, deg_sh, sem):
    c = lax.axis_index("c")
    s = lax.axis_index("s")
    wid = c * NS + s
    q_lo = (wid * NQ) // NW
    nq = ((wid + 1) * NQ) // NW - q_lo
    base = s * ROWS_PER_TILE
    pltpu.sync_copy(zeros_hbm, deg_sh.at[pl.ds(base, ROWS_PER_TILE)])
    pltpu.sync_copy(ones_hbm, ones_v)
    pltpu.sync_copy(edges_hbm.at[1, pl.ds(q_lo, N_CHUNKS)], dst_v)
    plsc.subcore_barrier()

    def body(j, carry):
        pltpu.sync_copy(ones_v, deg_sh.at[dst_v.at[j]], add=True)
        return carry

    lax.fori_loop(0, nq, body, 0)
    plsc.subcore_barrier()
    pltpu.sync_copy(deg_sh.at[pl.ds(base, ROWS_PER_TILE)],
                    out_hbm.at[c, pl.ds(base, ROWS_PER_TILE)])


@functools.partial(
    pl.kernel,
    out_type=jax.ShapeDtypeStruct((NC, N_PAD, HID), jnp.float32),
    mesh=_mesh,
    scratch_types=[
        pltpu.VMEM((N_CHUNKS, CHUNK), jnp.int32),
        pltpu.VMEM((N_CHUNKS, CHUNK), jnp.int32),
        pltpu.VMEM((6, CHUNK, HID), jnp.float32),
        pltpu.VMEM_SHARED((N_PAD, HID), jnp.float32),
        pltpu.SemaphoreType.DMA((6,)),
        pltpu.SemaphoreType.DMA((6,)),
    ],
    compiler_params=_sc_params,
)
def _sc_aggregate(edges_hbm, zeros_hbm, tab_hbm, out_hbm,
                  src_v, dst_v, rows_v, acc_sh, sem_g, sem_s):
    c = lax.axis_index("c")
    s = lax.axis_index("s")
    wid = c * NS + s
    q_lo = (wid * NQ) // NW
    nq = ((wid + 1) * NQ) // NW - q_lo
    base = s * ROWS_PER_TILE
    pltpu.sync_copy(zeros_hbm, acc_sh.at[pl.ds(base, ROWS_PER_TILE)])
    pltpu.sync_copy(edges_hbm.at[0, pl.ds(q_lo, N_CHUNKS)], src_v)
    pltpu.sync_copy(edges_hbm.at[1, pl.ds(q_lo, N_CHUNKS)], dst_v)
    plsc.subcore_barrier()

    NBUF = 6
    for j0 in range(NBUF - 1):
        pltpu.async_copy(tab_hbm.at[src_v.at[j0]], rows_v.at[j0], sem_g.at[j0])

    def body(j, carry):
        b = lax.rem(j, NBUF)
        pltpu.make_async_copy(tab_hbm.at[src_v.at[j]], rows_v.at[b],
                              sem_g.at[b]).wait()
        pltpu.async_copy(rows_v.at[b], acc_sh.at[dst_v.at[j]], sem_s.at[b],
                         add=True)
        k = j + NBUF - 1

        @pl.when(k < nq)
        def _():
            bk = lax.rem(k, NBUF)

            @pl.when(j >= 1)
            def _():
                pltpu.make_async_copy(rows_v.at[bk], acc_sh.at[dst_v.at[j - 1]],
                                      sem_s.at[bk]).wait()

            pltpu.async_copy(tab_hbm.at[src_v.at[k]], rows_v.at[bk], sem_g.at[bk])

        return carry

    lax.fori_loop(0, nq, body, 0)
    for i in range(NBUF):
        jj = nq - NBUF + i
        pltpu.make_async_copy(rows_v.at[jj % NBUF], acc_sh.at[dst_v.at[jj]],
                              sem_s.at[jj % NBUF]).wait()
    plsc.subcore_barrier()
    pltpu.sync_copy(acc_sh.at[pl.ds(base, ROWS_PER_TILE)],
                    out_hbm.at[c, pl.ds(base, ROWS_PER_TILE)])


GRID = 2
BLK = N_PAD // GRID


def _blk(shape2):
    return pl.BlockSpec((BLK,) + shape2, lambda i: (i,) + (0,) * len(shape2))


def _full(shape):
    return pl.BlockSpec(shape, lambda i: (0,) * len(shape))


def _tc1a_body(x_ref, w_ref, h_ref):
    h_ref[...] = jnp.dot(x_ref[...], w_ref[...],
                         preferred_element_type=jnp.float32)


def _dinv(deg_ref):
    d = deg_ref[:, 0:1] + deg_ref[:, 1:2] + 1.0
    return lax.rsqrt(d)


def _tc1b_body(deg_ref, h_ref, p_ref):
    p_ref[...] = h_ref[...] * _dinv(deg_ref)


def _tc2_body(acc_ref, p_ref, deg_ref, b_ref, w_ref, out_ref):
    dinv = _dinv(deg_ref)
    agg = acc_ref[0] + acc_ref[1] + p_ref[...]
    h = jnp.maximum(agg * dinv + b_ref[...], 0.0)
    out_ref[...] = jnp.dot(h, w_ref[...],
                           preferred_element_type=jnp.float32) * dinv


def _tc3_body(acc_ref, p_ref, deg_ref, b_ref, w_ref, bh_ref, mask_ref, out_ref):
    agg = acc_ref[0] + acc_ref[1] + p_ref[...]
    h = jnp.maximum(agg * _dinv(deg_ref) + b_ref[...], 0.0)
    logits = jnp.dot(h, w_ref[...], preferred_element_type=jnp.float32) + bh_ref[...]
    neg = jnp.float32(jnp.finfo(jnp.float32).min)
    out_ref[...] = jnp.where(mask_ref[...] > 0, logits, neg)


def kernel(x, edge_index, action_mask, W1, b1, W2, b2, Wh, bh):
    f32 = jnp.float32
    edge3 = edge_index.reshape(NC_EDGE, NQ, CHUNK)
    xpad = jnp.pad(x, ((0, N_PAD - N), (0, 0)))
    maskp = jnp.pad(action_mask, ((0, N_PAD - N), (0, 0))).astype(jnp.int32)
    zeros1 = _np.zeros((ROWS_PER_TILE,), _np.float32)
    zeros2 = _np.zeros((ROWS_PER_TILE, HID), _np.float32)
    ones_c = _np.ones((CHUNK,), _np.float32)
    b1r = b1.reshape(1, HID)
    b2r = b2.reshape(1, HID)
    bhr = bh.reshape(1, NUM_COLORS)

    deg = _sc_degree(edge3, ones_c, zeros1)
    degT = deg.T
    acc_spec = pl.BlockSpec((NC, BLK, HID), lambda i: (0, i, 0))
    h1 = pl.pallas_call(
        _tc1a_body,
        grid=(GRID,),
        in_specs=[_blk((IN_DIM,)), _full((IN_DIM, HID))],
        out_specs=_blk((HID,)),
        out_shape=jax.ShapeDtypeStruct((N_PAD, HID), f32),
    )(xpad, W1)

    p1s = pl.pallas_call(
        _tc1b_body,
        grid=(GRID,),
        in_specs=[_blk((2,)), _blk((HID,))],
        out_specs=_blk((HID,)),
        out_shape=jax.ShapeDtypeStruct((N_PAD, HID), f32),
    )(degT, h1)
    acc1 = _sc_aggregate(edge3, zeros2, p1s)

    p2s = pl.pallas_call(
        _tc2_body,
        grid=(GRID,),
        in_specs=[acc_spec, _blk((HID,)), _blk((2,)), _full((1, HID)),
                  _full((HID, HID))],
        out_specs=_blk((HID,)),
        out_shape=jax.ShapeDtypeStruct((N_PAD, HID), f32),
    )(acc1, p1s, degT, b1r, W2)
    acc2 = _sc_aggregate(edge3, zeros2, p2s)

    outp = pl.pallas_call(
        _tc3_body,
        grid=(GRID,),
        in_specs=[acc_spec, _blk((HID,)), _blk((2,)), _full((1, HID)),
                  _full((HID, NUM_COLORS)), _full((1, NUM_COLORS)),
                  _blk((NUM_COLORS,))],
        out_specs=_blk((NUM_COLORS,)),
        out_shape=jax.ShapeDtypeStruct((N_PAD, NUM_COLORS), f32),
    )(acc2, p2s, degT, b2r, Wh, bhr, maskp)
    return outp[:N].reshape(-1)

# --- scband reference (transcript-rebuilt; emitter-appended) ---
"""Pipeline reference for scband-graph-coloring-policy-20212116095331 (READ-ONLY COPY).

The authoritative reference and input builder live on the scoring server;
editing this copy changes nothing except your own understanding.
"""

import jax, jax.numpy as jnp
import numpy as np

N = 10000
E = 320000
IN_DIM = 128
HID = 64
NUM_COLORS = 16


def setup_inputs(seed: int = 0) -> dict:
    key = jax.random.key(seed)
    ks = jax.random.split(key, 10)
    x = jax.random.normal(ks[0], (N, IN_DIM), dtype=jnp.float32)
    edge_index = jax.random.randint(ks[1], (2, E), 0, N, dtype=jnp.int32)
    action_mask = jax.random.randint(ks[2], (N, NUM_COLORS), 0, 2) > 0
    W1 = jax.random.normal(ks[3], (IN_DIM, HID), dtype=jnp.float32) * (1.0 / np.sqrt(IN_DIM))
    b1 = jnp.zeros((HID,), dtype=jnp.float32)
    W2 = jax.random.normal(ks[4], (HID, HID), dtype=jnp.float32) * (1.0 / np.sqrt(HID))
    b2 = jnp.zeros((HID,), dtype=jnp.float32)
    Wh = jax.random.normal(ks[5], (HID, NUM_COLORS), dtype=jnp.float32) * (1.0 / np.sqrt(HID))
    bh = jnp.zeros((NUM_COLORS,), dtype=jnp.float32)
    return {"x": x, "edge_index": edge_index, "action_mask": action_mask,
            "W1": W1, "b1": b1, "W2": W2, "b2": b2, "Wh": Wh, "bh": bh}


def _gcn_layer(h, src, dst, dinv, W, b):
    # PyG GCNConv: x' = D^{-1/2} (A + I) D^{-1/2} (X W) + b
    h = h @ W
    norm = dinv[src] * dinv[dst]
    msg = h[src] * norm[:, None]
    out = jnp.zeros_like(h).at[dst].add(msg)
    return out + b


def reference(x, edge_index, action_mask, W1, b1, W2, b2, Wh, bh):
    loop = jnp.arange(N, dtype=edge_index.dtype)
    src = jnp.concatenate([edge_index[0], loop])
    dst = jnp.concatenate([edge_index[1], loop])
    # degree with self-loops (unit edge weights), scatter on dst
    deg = jnp.zeros((N,), dtype=jnp.float32).at[dst].add(1.0)
    dinv = jnp.where(deg > 0, deg ** -0.5, 0.0)
    h = jax.nn.relu(_gcn_layer(x, src, dst, dinv, W1, b1))
    h = jax.nn.relu(_gcn_layer(h, src, dst, dinv, W2, b2))
    logits = h @ Wh + bh
    logits_flat = logits.reshape(-1)
    mask_flat = action_mask.reshape(-1)
    neg = jnp.finfo(logits_flat.dtype).min
    return jnp.where(mask_flat, logits_flat, neg)

if __name__ == "__main__":
    import jax
    _d = setup_inputs()
    print(jax.jit(kernel)(*tuple(_d.values())))

</pallas_src>

<mosaic_0001>
#map = affine_map<(d0, d1) -> (0, 0, 0)>
#map1 = affine_map<(d0, d1) -> (0)>
#map2 = affine_map<(d0, d1) -> (0, 0)>
module attributes {stable_mosaic.version = 14 : i64} {
  func.func @_sc_degree(%arg0: i32, %arg1: i32, %arg2: memref<2x2500x128xi32, #tpu.memory_space<hbm>>, %arg3: memref<128xf32, #tpu.memory_space<hbm>>, %arg4: memref<640xf32, #tpu.memory_space<hbm>>, %arg5: memref<2x10240xf32, #tpu.memory_space<hbm>>, %arg6: memref<79x128xi32, #tpu.memory_space<vmem>>, %arg7: memref<128xf32, #tpu.memory_space<vmem>>, %arg8: memref<10240xf32, #tpu.memory_space<vmem_shared>>, %arg9: memref<!tpu.dma_semaphore, #tpu.memory_space<semaphore_mem>>) attributes {dimension_semantics = [#tpu.dimension_semantics<core_parallel>, #tpu.dimension_semantics<subcore_parallel>], iteration_bounds = array<i64: 2, 16>, scalar_prefetch = 0 : i64, scratch_operands = 4 : i64, tpu.core_type = #tpu.core_type<sc_vector_subcore>, window_params = [{transform_indices = #map}, {transform_indices = #map1}, {transform_indices = #map1}, {transform_indices = #map2}]} {
    %mul3A = arith.constant 16 : i32
    %mul3A_0 = arith.muli %arg0, %mul3A : i32
    %add3A = arith.addi %mul3A_0, %arg1 : i32
    %mul3A_1 = arith.constant 2500 : i32
    %mul3A_2 = arith.muli %add3A, %mul3A_1 : i32
    %jit3A = arith.constant 32 : i32
    %div3A = arith.divsi %mul3A_2, %jit3A : i32
    %sign3A = arith.constant 0 : i32
    %sign3A_3 = arith.cmpi sgt, %mul3A_2, %sign3A : i32
    %sign3A_4 = arith.extui %sign3A_3 : i1 to i32
    %sign3A_5 = arith.constant 0 : i32
    %sign3A_6 = arith.cmpi slt, %mul3A_2, %sign3A_5 : i32
    %sign3A_7 = arith.extui %sign3A_6 : i1 to i32
    %sign3A_8 = arith.subi %sign3A_4, %sign3A_7 : i32
    %sign3A_9 = arith.constant 0 : i32
    %sign3A_10 = arith.cmpi sgt, %jit3A, %sign3A_9 : i32
    %sign3A_11 = arith.extui %sign3A_10 : i1 to i32
    %sign3A_12 = arith.constant 0 : i32
    %sign3A_13 = arith.cmpi slt, %jit3A, %sign3A_12 : i32
    %sign3A_14 = arith.extui %sign3A_13 : i1 to i32
    %sign3A_15 = arith.subi %sign3A_11, %sign3A_14 : i32
    %ne3A = arith.cmpi ne, %sign3A_8, %sign3A_15 : i32
    %rem3A = arith.remsi %mul3A_2, %jit3A : i32
    %ne3A_16 = arith.constant 0 : i32
    %ne3A_17 = arith.cmpi ne, %rem3A, %ne3A_16 : i32
    %and3A = arith.andi %ne3A, %ne3A_17 : i1
    %sub3A = arith.constant 1 : i32
    %sub3A_18 = arith.subi %div3A, %sub3A : i32
    %select_n3A = arith.select %and3A, %sub3A_18, %div3A : i32
    %add3A_19 = arith.constant 1 : i32
    %add3A_20 = arith.addi %add3A, %add3A_19 : i32
    %mul3A_21 = arith.constant 2500 : i32
    %mul3A_22 = arith.muli %add3A_20, %mul3A_21 : i32
    %jit3A_23 = arith.constant 32 : i32
    %div3A_24 = arith.divsi %mul3A_22, %jit3A_23 : i32
    %sign3A_25 = arith.constant 0 : i32
    %sign3A_26 = arith.cmpi sgt, %mul3A_22, %sign3A_25 : i32
    %sign3A_27 = arith.extui %sign3A_26 : i1 to i32
    %sign3A_28 = arith.constant 0 : i32
    %sign3A_29 = arith.cmpi slt, %mul3A_22, %sign3A_28 : i32
    %sign3A_30 = arith.extui %sign3A_29 : i1 to i32
    %sign3A_31 = arith.subi %sign3A_27, %sign3A_30 : i32
    %sign3A_32 = arith.constant 0 : i32
    %sign3A_33 = arith.cmpi sgt, %jit3A_23, %sign3A_32 : i32
    %sign3A_34 = arith.extui %sign3A_33 : i1 to i32
    %sign3A_35 = arith.constant 0 : i32
    %sign3A_36 = arith.cmpi slt, %jit3A_23, %sign3A_35 : i32
    %sign3A_37 = arith.extui %sign3A_36 : i1 to i32
    %sign3A_38 = arith.subi %sign3A_34, %sign3A_37 : i32
    %ne3A_39 = arith.cmpi ne, %sign3A_31, %sign3A_38 : i32
    %rem3A_40 = arith.remsi %mul3A_22, %jit3A_23 : i32
    %ne3A_41 = arith.constant 0 : i32
    %ne3A_42 = arith.cmpi ne, %rem3A_40, %ne3A_41 : i32
    %and3A_43 = arith.andi %ne3A_39, %ne3A_42 : i1
    %sub3A_44 = arith.constant 1 : i32
    %sub3A_45 = arith.subi %div3A_24, %sub3A_44 : i32
    %select_n3A_46 = arith.select %and3A_43, %sub3A_45, %div3A_24 : i32
    %sub3A_47 = arith.subi %select_n3A_46, %select_n3A : i32
    %mul3A_48 = arith.constant 640 : i32
    %mul3A_49 = arith.muli %arg1, %mul3A_48 : i32
    "tpu.region"() ({
      %run_scoped3A_60 = tpu.sem_alloc : memref<!tpu.dma_semaphore, #tpu.memory_space<semaphore_mem>>
      %dma_start3A = tpu.memref_slice %arg8[%mul3A_49] : memref<10240xf32, #tpu.memory_space<vmem_shared>> -> memref<640xf32, #tpu.memory_space<vmem_shared>>
      tpu.enqueue_dma source(%arg4 : memref<640xf32, #tpu.memory_space<hbm>>) target(%dma_start3A : memref<640xf32, #tpu.memory_space<vmem_shared>>) target_semaphore(%run_scoped3A_60 : memref<!tpu.dma_semaphore, #tpu.memory_space<semaphore_mem>>)
      %dma_wait3A = tpu.memref_slice %arg8[%mul3A_49] : memref<10240xf32, #tpu.memory_space<vmem_shared>> -> memref<640xf32, #tpu.memory_space<vmem_shared>>
      tpu.wait_dma2 semaphore(%run_scoped3A_60 : memref<!tpu.dma_semaphore, #tpu.memory_space<semaphore_mem>>) src(%arg4 : memref<640xf32, #tpu.memory_space<hbm>>) dst(%dma_wait3A : memref<640xf32, #tpu.memory_space<vmem_shared>>)
      tpu.yield
    }) : () -> ()
    "tpu.region"() ({
      %run_scoped3A_60 = tpu.sem_alloc : memref<!tpu.dma_semaphore, #tpu.memory_space<semaphore_mem>>
      tpu.enqueue_dma source(%arg3 : memref<128xf32, #tpu.memory_space<hbm>>) target(%arg7 : memref<128xf32, #tpu.memory_space<vmem>>) target_semaphore(%run_scoped3A_60 : memref<!tpu.dma_semaphore, #tpu.memory_space<semaphore_mem>>)
      tpu.wait_dma2 semaphore(%run_scoped3A_60 : memref<!tpu.dma_semaphore, #tpu.memory_space<semaphore_mem>>) src(%arg3 : memref<128xf32, #tpu.memory_space<hbm>>) dst(%arg7 : memref<128xf32, #tpu.memory_space<vmem>>)
      tpu.yield
    }) : () -> ()
    %run_scoped3A = arith.constant 1 : i32
    "tpu.region"() ({
      %run_scoped3A_60 = tpu.sem_alloc : memref<!tpu.dma_semaphore, #tpu.memory_space<semaphore_mem>>
      %dma_start3A = arith.constant 0 : i32
      %dma_start3A_61 = tpu.memref_slice %arg2[%run_scoped3A, %select_n3A, %dma_start3A] : memref<2x2500x128xi32, #tpu.memory_space<hbm>> -> memref<1x79x128xi32, #tpu.memory_space<hbm>>
      %dma_start3A_62 = tpu.memref_squeeze %dma_start3A_61 : memref<1x79x128xi32, #tpu.memory_space<hbm>> -> memref<79x128xi32, #tpu.memory_space<hbm>>
      %dma_start3A_63 = arith.constant 0 : i32
      %dma_start3A_64 = tpu.memref_slice %arg2[%run_scoped3A, %select_n3A, %dma_start3A_63] : memref<2x2500x128xi32, #tpu.memory_space<hbm>> -> memref<1x79x128xi32, #tpu.memory_space<hbm>>
      %dma_start3A_65 = tpu.memref_squeeze %dma_start3A_64 : memref<1x79x128xi32, #tpu.memory_space<hbm>> -> memref<79x128xi32, #tpu.memory_space<hbm>>
      tpu.enqueue_dma source(%dma_start3A_65 : memref<79x128xi32, #tpu.memory_space<hbm>>) target(%arg6 : memref<79x128xi32, #tpu.memory_space<vmem>>) target_semaphore(%run_scoped3A_60 : memref<!tpu.dma_semaphore, #tpu.memory_space<semaphore_mem>>)
      %dma_wait3A = arith.constant 0 : i32
      %dma_wait3A_66 = tpu.memref_slice %arg2[%run_scoped3A, %select_n3A, %dma_wait3A] : memref<2x2500x128xi32, #tpu.memory_space<hbm>> -> memref<1x79x128xi32, #tpu.memory_space<hbm>>
      %dma_wait3A_67 = tpu.memref_squeeze %dma_wait3A_66 : memref<1x79x128xi32, #tpu.memory_space<hbm>> -> memref<79x128xi32, #tpu.memory_space<hbm>>
      %dma_wait3A_68 = arith.constant 0 : i32
      %dma_wait3A_69 = tpu.memref_slice %arg2[%run_scoped3A, %select_n3A, %dma_wait3A_68] : memref<2x2500x128xi32, #tpu.memory_space<hbm>> -> memref<1x79x128xi32, #tpu.memory_space<hbm>>
      %dma_wait3A_70 = tpu.memref_squeeze %dma_wait3A_69 : memref<1x79x128xi32, #tpu.memory_space<hbm>> -> memref<79x128xi32, #tpu.memory_space<hbm>>
      tpu.wait_dma2 semaphore(%run_scoped3A_60 : memref<!tpu.dma_semaphore, #tpu.memory_space<semaphore_mem>>) src(%dma_wait3A_70 : memref<79x128xi32, #tpu.memory_space<hbm>>) dst(%arg6 : memref<79x128xi32, #tpu.memory_space<vmem>>)
      tpu.yield
    }) : () -> ()
    %barrier3A = arith.constant 0 : index
    tpu.barrier barrier_id(%barrier3A)
    %while3A = arith.constant 0 : i32
    %while3A_50 = arith.constant 0 : i32
    %while3A_51 = arith.subi %sub3A_47, %while3A_50 : i32
    %while3A_52 = arith.addi %while3A_50, %while3A_51 : i32
    %while3A_53 = arith.constant 1 : i32
    %while3A_54 = arith.divsi %while3A_51, %while3A_53 : i32
    %while3A_55 = arith.muli %while3A_54, %while3A_53 : i32
    %while3A_56 = arith.addi %while3A_50, %while3A_55 : i32
    %while3A_57 = arith.constant 1 : i32
    scf.for %while3A_60 = %while3A_50 to %while3A_56 step %while3A_57  : i32 {
      "tpu.region"() ({
        %run_scoped3A_61 = tpu.sem_alloc : memref<!tpu.dma_semaphore, #tpu.memory_space<semaphore_mem>>
        %dma_start3A = arith.constant 0 : i32
        %dma_start3A_62 = tpu.memref_slice %arg6[%while3A_60, %dma_start3A] : memref<79x128xi32, #tpu.memory_space<vmem>> -> memref<1x128xi32, #tpu.memory_space<vmem>>
        %dma_start3A_63 = tpu.memref_squeeze %dma_start3A_62 : memref<1x128xi32, #tpu.memory_space<vmem>> -> memref<128xi32, #tpu.memory_space<vmem>>
        %dma_start3A_64 = arith.constant 0 : i32
        %dma_start3A_65 = tpu.memref_slice %arg8[%dma_start3A_64] : memref<10240xf32, #tpu.memory_space<vmem_shared>> -> memref<10240xf32, #tpu.memory_space<vmem_shared>>
        tpu.enqueue_indirect_dma source(%arg7 : memref<128xf32, #tpu.memory_space<vmem>>) target(%dma_start3A_65 : memref<10240xf32, #tpu.memory_space<vmem_shared>>) offsets(%dma_start3A_63 : memref<128xi32, #tpu.memory_space<vmem>>) semaphore(%run_scoped3A_61 : memref<!tpu.dma_semaphore, #tpu.memory_space<semaphore_mem>>) {add = true}
        %dma_wait3A = arith.constant 0 : i32
        %dma_wait3A_66 = tpu.memref_slice %arg6[%while3A_60, %dma_wait3A] : memref<79x128xi32, #tpu.memory_space<vmem>> -> memref<1x128xi32, #tpu.memory_space<vmem>>
        %dma_wait3A_67 = tpu.memref_squeeze %dma_wait3A_66 : memref<1x128xi32, #tpu.memory_space<vmem>> -> memref<128xi32, #tpu.memory_space<vmem>>
        %dma_wait3A_68 = arith.constant 0 : i32
        %dma_wait3A_69 = tpu.memref_slice %arg8[%dma_wait3A_68] : memref<10240xf32, #tpu.memory_space<vmem_shared>> -> memref<10240xf32, #tpu.memory_space<vmem_shared>>
        tpu.wait_indirect_dma semaphore(%run_scoped3A_61 : memref<!tpu.dma_semaphore, #tpu.memory_space<semaphore_mem>>) src(%arg7 : memref<128xf32, #tpu.memory_space<vmem>>) dst(%dma_wait3A_69 : memref<10240xf32, #tpu.memory_space<vmem_shared>>)
        tpu.yield
      }) : () -> ()
    }
    %while3A_58 = arith.constant 1 : i32
    scf.for %while3A_60 = %while3A_56 to %while3A_52 step %while3A_58  : i32 {
      "tpu.region"() ({
        %run_scoped3A_61 = tpu.sem_alloc : memref<!tpu.dma_semaphore, #tpu.memory_space<semaphore_mem>>
        %dma_start3A = arith.constant 0 : i32
        %dma_start3A_62 = tpu.memref_slice %arg6[%while3A_60, %dma_start3A] : memref<79x128xi32, #tpu.memory_space<vmem>> -> memref<1x128xi32, #tpu.memory_space<vmem>>
        %dma_start3A_63 = tpu.memref_squeeze %dma_start3A_62 : memref<1x128xi32, #tpu.memory_space<vmem>> -> memref<128xi32, #tpu.memory_space<vmem>>
        %dma_start3A_64 = arith.constant 0 : i32
        %dma_start3A_65 = tpu.memref_slice %arg8[%dma_start3A_64] : memref<10240xf32, #tpu.memory_space<vmem_shared>> -> memref<10240xf32, #tpu.memory_space<vmem_shared>>
        tpu.enqueue_indirect_dma source(%arg7 : memref<128xf32, #tpu.memory_space<vmem>>) target(%dma_start3A_65 : memref<10240xf32, #tpu.memory_space<vmem_shared>>) offsets(%dma_start3A_63 : memref<128xi32, #tpu.memory_space<vmem>>) semaphore(%run_scoped3A_61 : memref<!tpu.dma_semaphore, #tpu.memory_space<semaphore_mem>>) {add = true}
        %dma_wait3A = arith.constant 0 : i32
        %dma_wait3A_66 = tpu.memref_slice %arg6[%while3A_60, %dma_wait3A] : memref<79x128xi32, #tpu.memory_space<vmem>> -> memref<1x128xi32, #tpu.memory_space<vmem>>
        %dma_wait3A_67 = tpu.memref_squeeze %dma_wait3A_66 : memref<1x128xi32, #tpu.memory_space<vmem>> -> memref<128xi32, #tpu.memory_space<vmem>>
        %dma_wait3A_68 = arith.constant 0 : i32
        %dma_wait3A_69 = tpu.memref_slice %arg8[%dma_wait3A_68] : memref<10240xf32, #tpu.memory_space<vmem_shared>> -> memref<10240xf32, #tpu.memory_space<vmem_shared>>
        tpu.wait_indirect_dma semaphore(%run_scoped3A_61 : memref<!tpu.dma_semaphore, #tpu.memory_space<semaphore_mem>>) src(%arg7 : memref<128xf32, #tpu.memory_space<vmem>>) dst(%dma_wait3A_69 : memref<10240xf32, #tpu.memory_space<vmem_shared>>)
        tpu.yield
      }) : () -> ()
    }
    %barrier3A_59 = arith.constant 0 : index
    tpu.barrier barrier_id(%barrier3A_59)
    "tpu.region"() ({
      %run_scoped3A_60 = tpu.sem_alloc : memref<!tpu.dma_semaphore, #tpu.memory_space<semaphore_mem>>
      %dma_start3A = tpu.memref_slice %arg5[%arg0, %mul3A_49] : memref<2x10240xf32, #tpu.memory_space<hbm>> -> memref<1x640xf32, #tpu.memory_space<hbm>>
      %dma_start3A_61 = tpu.memref_squeeze %dma_start3A : memref<1x640xf32, #tpu.memory_space<hbm>> -> memref<640xf32, #tpu.memory_space<hbm>>
      %dma_start3A_62 = tpu.memref_slice %arg8[%mul3A_49] : memref<10240xf32, #tpu.memory_space<vmem_shared>> -> memref<640xf32, #tpu.memory_space<vmem_shared>>
      tpu.enqueue_dma source(%dma_start3A_62 : memref<640xf32, #tpu.memory_space<vmem_shared>>) target(%dma_start3A_61 : memref<640xf32, #tpu.memory_space<hbm>>) target_semaphore(%run_scoped3A_60 : memref<!tpu.dma_semaphore, #tpu.memory_space<semaphore_mem>>)
      %dma_wait3A = tpu.memref_slice %arg5[%arg0, %mul3A_49] : memref<2x10240xf32, #tpu.memory_space<hbm>> -> memref<1x640xf32, #tpu.memory_space<hbm>>
      %dma_wait3A_63 = tpu.memref_squeeze %dma_wait3A : memref<1x640xf32, #tpu.memory_space<hbm>> -> memref<640xf32, #tpu.memory_space<hbm>>
      %dma_wait3A_64 = tpu.memref_slice %arg8[%mul3A_49] : memref<10240xf32, #tpu.memory_space<vmem_shared>> -> memref<640xf32, #tpu.memory_space<vmem_shared>>
      tpu.wait_dma2 semaphore(%run_scoped3A_60 : memref<!tpu.dma_semaphore, #tpu.memory_space<semaphore_mem>>) src(%dma_wait3A_64 : memref<640xf32, #tpu.memory_space<vmem_shared>>) dst(%dma_wait3A_63 : memref<640xf32, #tpu.memory_space<hbm>>)
      tpu.yield
    }) : () -> ()
    return
  }
}

#map = affine_map<(d0, d1) -> (0, 0, 0)>
#map1 = affine_map<(d0, d1) -> (0, 0)>
module attributes {stable_mosaic.version = 14 : i64} {
  func.func @_sc_aggregate(%arg0: i32, %arg1: i32, %arg2: memref<2x2500x128xi32, #tpu.memory_space<hbm>>, %arg3: memref<640x64xf32, #tpu.memory_space<hbm>>, %arg4: memref<10240x64xf32, #tpu.memory_space<hbm>>, %arg5: memref<2x10240x64xf32, #tpu.memory_space<hbm>>, %arg6: memref<79x128xi32, #tpu.memory_space<vmem>>, %arg7: memref<79x128xi32, #tpu.memory_space<vmem>>, %arg8: memref<6x128x64xf32, #tpu.memory_space<vmem>>, %arg9: memref<10240x64xf32, #tpu.memory_space<vmem_shared>>, %arg10: memref<6x!tpu.dma_semaphore, #tpu.memory_space<semaphore_mem>>, %arg11: memref<6x!tpu.dma_semaphore, #tpu.memory_space<semaphore_mem>>) attributes {dimension_semantics = [#tpu.dimension_semantics<core_parallel>, #tpu.dimension_semantics<subcore_parallel>], iteration_bounds = array<i64: 2, 16>, scalar_prefetch = 0 : i64, scratch_operands = 6 : i64, tpu.core_type = #tpu.core_type<sc_vector_subcore>, window_params = [{transform_indices = #map}, {transform_indices = #map1}, {transform_indices = #map1}, {transform_indices = #map}]} {
    %mul3A = arith.constant 16 : i32
    %mul3A_0 = arith.muli %arg0, %mul3A : i32
    %add3A = arith.addi %mul3A_0, %arg1 : i32
    %mul3A_1 = arith.constant 2500 : i32
    %mul3A_2 = arith.muli %add3A, %mul3A_1 : i32
    %jit3A = arith.constant 32 : i32
    %div3A = arith.divsi %mul3A_2, %jit3A : i32
    %sign3A = arith.constant 0 : i32
    %sign3A_3 = arith.cmpi sgt, %mul3A_2, %sign3A : i32
    %sign3A_4 = arith.extui %sign3A_3 : i1 to i32
    %sign3A_5 = arith.constant 0 : i32
    %sign3A_6 = arith.cmpi slt, %mul3A_2, %sign3A_5 : i32
    %sign3A_7 = arith.extui %sign3A_6 : i1 to i32
    %sign3A_8 = arith.subi %sign3A_4, %sign3A_7 : i32
    %sign3A_9 = arith.constant 0 : i32
    %sign3A_10 = arith.cmpi sgt, %jit3A, %sign3A_9 : i32
    %sign3A_11 = arith.extui %sign3A_10 : i1 to i32
    %sign3A_12 = arith.constant 0 : i32
    %sign3A_13 = arith.cmpi slt, %jit3A, %sign3A_12 : i32
    %sign3A_14 = arith.extui %sign3A_13 : i1 to i32
    %sign3A_15 = arith.subi %sign3A_11, %sign3A_14 : i32
    %ne3A = arith.cmpi ne, %sign3A_8, %sign3A_15 : i32
    %rem3A = arith.remsi %mul3A_2, %jit3A : i32
    %ne3A_16 = arith.constant 0 : i32
    %ne3A_17 = arith.cmpi ne, %rem3A, %ne3A_16 : i32
    %and3A = arith.andi %ne3A, %ne3A_17 : i1
    %sub3A = arith.constant 1 : i32
    %sub3A_18 = arith.subi %div3A, %sub3A : i32
    %select_n3A = arith.select %and3A, %sub3A_18, %div3A : i32
    %add3A_19 = arith.constant 1 : i32
    %add3A_20 = arith.addi %add3A, %add3A_19 : i32
    %mul3A_21 = arith.constant 2500 : i32
    %mul3A_22 = arith.muli %add3A_20, %mul3A_21 : i32
    %jit3A_23 = arith.constant 32 : i32
    %div3A_24 = arith.divsi %mul3A_22, %jit3A_23 : i32
    %sign3A_25 = arith.constant 0 : i32
    %sign3A_26 = arith.cmpi sgt, %mul3A_22, %sign3A_25 : i32
    %sign3A_27 = arith.extui %sign3A_26 : i1 to i32
    %sign3A_28 = arith.constant 0 : i32
    %sign3A_29 = arith.cmpi slt, %mul3A_22, %sign3A_28 : i32
    %sign3A_30 = arith.extui %sign3A_29 : i1 to i32
    %sign3A_31 = arith.subi %sign3A_27, %sign3A_30 : i32
    %sign3A_32 = arith.constant 0 : i32
    %sign3A_33 = arith.cmpi sgt, %jit3A_23, %sign3A_32 : i32
    %sign3A_34 = arith.extui %sign3A_33 : i1 to i32
    %sign3A_35 = arith.constant 0 : i32
    %sign3A_36 = arith.cmpi slt, %jit3A_23, %sign3A_35 : i32
    %sign3A_37 = arith.extui %sign3A_36 : i1 to i32
    %sign3A_38 = arith.subi %sign3A_34, %sign3A_37 : i32
    %ne3A_39 = arith.cmpi ne, %sign3A_31, %sign3A_38 : i32
    %rem3A_40 = arith.remsi %mul3A_22, %jit3A_23 : i32
    %ne3A_41 = arith.constant 0 : i32
    %ne3A_42 = arith.cmpi ne, %rem3A_40, %ne3A_41 : i32
    %and3A_43 = arith.andi %ne3A_39, %ne3A_42 : i1
    %sub3A_44 = arith.constant 1 : i32
    %sub3A_45 = arith.subi %div3A_24, %sub3A_44 : i32
    %select_n3A_46 = arith.select %and3A_43, %sub3A_45, %div3A_24 : i32
    %sub3A_47 = arith.subi %select_n3A_46, %select_n3A : i32
    %mul3A_48 = arith.constant 640 : i32
    %mul3A_49 = arith.muli %arg1, %mul3A_48 : i32
    "tpu.region"() ({
      %run_scoped3A_420 = tpu.sem_alloc : memref<!tpu.dma_semaphore, #tpu.memory_space<semaphore_mem>>
      %dma_start3A_421 = arith.constant 0 : i32
      %dma_start3A_422 = tpu.memref_slice %arg9[%mul3A_49, %dma_start3A_421] : memref<10240x64xf32, #tpu.memory_space<vmem_shared>> -> memref<640x64xf32, #tpu.memory_space<vmem_shared>>
      tpu.enqueue_dma source(%arg3 : memref<640x64xf32, #tpu.memory_space<hbm>>) target(%dma_start3A_422 : memref<640x64xf32, #tpu.memory_space<vmem_shared>>) target_semaphore(%run_scoped3A_420 : memref<!tpu.dma_semaphore, #tpu.memory_space<semaphore_mem>>)
      %dma_wait3A_423 = arith.constant 0 : i32
      %dma_wait3A_424 = tpu.memref_slice %arg9[%mul3A_49, %dma_wait3A_423] : memref<10240x64xf32, #tpu.memory_space<vmem_shared>> -> memref<640x64xf32, #tpu.memory_space<vmem_shared>>
      tpu.wait_dma2 semaphore(%run_scoped3A_420 : memref<!tpu.dma_semaphore, #tpu.memory_space<semaphore_mem>>) src(%arg3 : memref<640x64xf32, #tpu.memory_space<hbm>>) dst(%dma_wait3A_424 : memref<640x64xf32, #tpu.memory_space<vmem_shared>>)
      tpu.yield
    }) : () -> ()
    %run_scoped3A = arith.constant 0 : i32
    "tpu.region"() ({
      %run_scoped3A_420 = tpu.sem_alloc : memref<!tpu.dma_semaphore, #tpu.memory_space<semaphore_mem>>
      %dma_start3A_421 = arith.constant 0 : i32
      %dma_start3A_422 = tpu.memref_slice %arg2[%run_scoped3A, %select_n3A, %dma_start3A_421] : memref<2x2500x128xi32, #tpu.memory_space<hbm>> -> memref<1x79x128xi32, #tpu.memory_space<hbm>>
      %dma_start3A_423 = tpu.memref_squeeze %dma_start3A_422 : memref<1x79x128xi32, #tpu.memory_space<hbm>> -> memref<79x128xi32, #tpu.memory_space<hbm>>
      %dma_start3A_424 = arith.constant 0 : i32
      %dma_start3A_425 = tpu.memref_slice %arg2[%run_scoped3A, %select_n3A, %dma_start3A_424] : memref<2x2500x128xi32, #tpu.memory_space<hbm>> -> memref<1x79x128xi32, #tpu.memory_space<hbm>>
      %dma_start3A_426 = tpu.memref_squeeze %dma_start3A_425 : memref<1x79x128xi32, #tpu.memory_space<hbm>> -> memref<79x128xi32, #tpu.memory_space<hbm>>
      tpu.enqueue_dma source(%dma_start3A_426 : memref<79x128xi32, #tpu.memory_space<hbm>>) target(%arg6 : memref<79x128xi32, #tpu.memory_space<vmem>>) target_semaphore(%run_scoped3A_420 : memref<!tpu.dma_semaphore, #tpu.memory_space<semaphore_mem>>)
      %dma_wait3A_427 = arith.constant 0 : i32
      %dma_wait3A_428 = tpu.memref_slice %arg2[%run_scoped3A, %select_n3A, %dma_wait3A_427] : memref<2x2500x128xi32, #tpu.memory_space<hbm>> -> memref<1x79x128xi32, #tpu.memory_space<hbm>>
      %dma_wait3A_429 = tpu.memref_squeeze %dma_wait3A_428 : memref<1x79x128xi32, #tpu.memory_space<hbm>> -> memref<79x128xi32, #tpu.memory_space<hbm>>
      %dma_wait3A_430 = arith.constant 0 : i32
      %dma_wait3A_431 = tpu.memref_slice %arg2[%run_scoped3A, %select_n3A, %dma_wait3A_430] : memref<2x2500x128xi32, #tpu.memory_space<hbm>> -> memref<1x79x128xi32, #tpu.memory_space<hbm>>
      %dma_wait3A_432 = tpu.memref_squeeze %dma_wait3A_431 : memref<1x79x128xi32, #tpu.memory_space<hbm>> -> memref<79x128xi32, #tpu.memory_space<hbm>>
      tpu.wait_dma2 semaphore(%run_scoped3A_420 : memref<!tpu.dma_semaphore, #tpu.memory_space<semaphore_mem>>) src(%dma_wait3A_432 : memref<79x128xi32, #tpu.memory_space<hbm>>) dst(%arg6 : memref<79x128xi32, #tpu.memory_space<vmem>>)
      tpu.yield
    }) : () -> ()
    %run_scoped3A_50 = arith.constant 1 : i32
    "tpu.region"() ({
      %run_scoped3A_420 = tpu.sem_alloc : memref<!tpu.dma_semaphore, #tpu.memory_space<semaphore_mem>>
      %dma_start3A_421 = arith.constant 0 : i32
      %dma_start3A_422 = tpu.memref_slice %arg2[%run_scoped3A_50, %select_n3A, %dma_start3A_421] : memref<2x2500x128xi32, #tpu.memory_space<hbm>> -> memref<1x79x128xi32, #tpu.memory_space<hbm>>
      %dma_start3A_423 = tpu.memref_squeeze %dma_start3A_422 : memref<1x79x128xi32, #tpu.memory_space<hbm>> -> memref<79x128xi32, #tpu.memory_space<hbm>>
      %dma_start3A_424 = arith.constant 0 : i32
      %dma_start3A_425 = tpu.memref_slice %arg2[%run_scoped3A_50, %select_n3A, %dma_start3A_424] : memref<2x2500x128xi32, #tpu.memory_space<hbm>> -> memref<1x79x128xi32, #tpu.memory_space<hbm>>
      %dma_start3A_426 = tpu.memref_squeeze %dma_start3A_425 : memref<1x79x128xi32, #tpu.memory_space<hbm>> -> memref<79x128xi32, #tpu.memory_space<hbm>>
      tpu.enqueue_dma source(%dma_start3A_426 : memref<79x128xi32, #tpu.memory_space<hbm>>) target(%arg7 : memref<79x128xi32, #tpu.memory_space<vmem>>) target_semaphore(%run_scoped3A_420 : memref<!tpu.dma_semaphore, #tpu.memory_space<semaphore_mem>>)
      %dma_wait3A_427 = arith.constant 0 : i32
      %dma_wait3A_428 = tpu.memref_slice %arg2[%run_scoped3A_50, %select_n3A, %dma_wait3A_427] : memref<2x2500x128xi32, #tpu.memory_space<hbm>> -> memref<1x79x128xi32, #tpu.memory_space<hbm>>
      %dma_wait3A_429 = tpu.memref_squeeze %dma_wait3A_428 : memref<1x79x128xi32, #tpu.memory_space<hbm>> -> memref<79x128xi32, #tpu.memory_space<hbm>>
      %dma_wait3A_430 = arith.constant 0 : i32
      %dma_wait3A_431 = tpu.memref_slice %arg2[%run_scoped3A_50, %select_n3A, %dma_wait3A_430] : memref<2x2500x128xi32, #tpu.memory_space<hbm>> -> memref<1x79x128xi32, #tpu.memory_space<hbm>>
      %dma_wait3A_432 = tpu.memref_squeeze %dma_wait3A_431 : memref<1x79x128xi32, #tpu.memory_space<hbm>> -> memref<79x128xi32, #tpu.memory_space<hbm>>
      tpu.wait_dma2 semaphore(%run_scoped3A_420 : memref<!tpu.dma_semaphore, #tpu.memory_space<semaphore_mem>>) src(%dma_wait3A_432 : memref<79x128xi32, #tpu.memory_space<hbm>>) dst(%arg7 : memref<79x128xi32, #tpu.memory_space<vmem>>)
      tpu.yield
    }) : () -> ()
    %barrier3A = arith.constant 0 : index
    tpu.barrier barrier_id(%barrier3A)
    %dma_start3A = arith.constant 0 : i32
    %dma_start3A_51 = arith.constant 0 : i32
    %dma_start3A_52 = arith.constant 0 : i32
    %dma_start3A_53 = arith.constant 0 : i32
    %dma_start3A_54 = arith.constant 0 : i32
    %dma_start3A_55 = tpu.memref_slice %arg8[%dma_start3A_51, %dma_start3A_53, %dma_start3A_54] : memref<6x128x64xf32, #tpu.memory_space<vmem>> -> memref<1x128x64xf32, #tpu.memory_space<vmem>>
    %dma_start3A_56 = tpu.memref_squeeze %dma_start3A_55 : memref<1x128x64xf32, #tpu.memory_space<vmem>> -> memref<128x64xf32, #tpu.memory_space<vmem>>
    %dma_start3A_57 = arith.constant 0 : i32
    %dma_start3A_58 = tpu.memref_slice %arg6[%dma_start3A, %dma_start3A_57] : memref<79x128xi32, #tpu.memory_space<vmem>> -> memref<1x128xi32, #tpu.memory_space<vmem>>
    %dma_start3A_59 = tpu.memref_squeeze %dma_start3A_58 : memref<1x128xi32, #tpu.memory_space<vmem>> -> memref<128xi32, #tpu.memory_space<vmem>>
    %dma_start3A_60 = arith.constant 0 : i32
    %dma_start3A_61 = arith.constant 0 : i32
    %dma_start3A_62 = tpu.memref_slice %arg4[%dma_start3A_60, %dma_start3A_61] : memref<10240x64xf32, #tpu.memory_space<hbm>> -> memref<10240x64xf32, #tpu.memory_space<hbm>>
    %dma_start3A_63 = tpu.memref_slice %arg10[%dma_start3A_52] : memref<6x!tpu.dma_semaphore, #tpu.memory_space<semaphore_mem>> -> memref<1x!tpu.dma_semaphore, #tpu.memory_space<semaphore_mem>>
    %dma_start3A_64 = tpu.memref_squeeze %dma_start3A_63 : memref<1x!tpu.dma_semaphore, #tpu.memory_space<semaphore_mem>> -> memref<!tpu.dma_semaphore, #tpu.memory_space<semaphore_mem>>
    tpu.enqueue_indirect_dma source(%dma_start3A_62 : memref<10240x64xf32, #tpu.memory_space<hbm>>) target(%dma_start3A_56 : memref<128x64xf32, #tpu.memory_space<vmem>>) offsets(%dma_start3A_59 : memref<128xi32, #tpu.memory_space<vmem>>) semaphore(%dma_start3A_64 : memref<!tpu.dma_semaphore, #tpu.memory_space<semaphore_mem>>)
    %dma_start3A_65 = arith.constant 1 : i32
    %dma_start3A_66 = arith.constant 1 : i32
    %dma_start3A_67 = arith.constant 1 : i32
    %dma_start3A_68 = arith.constant 0 : i32
    %dma_start3A_69 = arith.constant 0 : i32
    %dma_start3A_70 = tpu.memref_slice %arg8[%dma_start3A_66, %dma_start3A_68, %dma_start3A_69] : memref<6x128x64xf32, #tpu.memory_space<vmem>> -> memref<1x128x64xf32, #tpu.memory_space<vmem>>
    %dma_start3A_71 = tpu.memref_squeeze %dma_start3A_70 : memref<1x128x64xf32, #tpu.memory_space<vmem>> -> memref<128x64xf32, #tpu.memory_space<vmem>>
    %dma_start3A_72 = arith.constant 0 : i32
    %dma_start3A_73 = tpu.memref_slice %arg6[%dma_start3A_65, %dma_start3A_72] : memref<79x128xi32, #tpu.memory_space<vmem>> -> memref<1x128xi32, #tpu.memory_space<vmem>>
    %dma_start3A_74 = tpu.memref_squeeze %dma_start3A_73 : memref<1x128xi32, #tpu.memory_space<vmem>> -> memref<128xi32, #tpu.memory_space<vmem>>
    %dma_start3A_75 = arith.constant 0 : i32
    %dma_start3A_76 = arith.constant 0 : i32
    %dma_start3A_77 = tpu.memref_slice %arg4[%dma_start3A_75, %dma_start3A_76] : memref<10240x64xf32, #tpu.memory_space<hbm>> -> memref<10240x64xf32, #tpu.memory_space<hbm>>
    %dma_start3A_78 = tpu.memref_slice %arg10[%dma_start3A_67] : memref<6x!tpu.dma_semaphore, #tpu.memory_space<semaphore_mem>> -> memref<1x!tpu.dma_semaphore, #tpu.memory_space<semaphore_mem>>
    %dma_start3A_79 = tpu.memref_squeeze %dma_start3A_78 : memref<1x!tpu.dma_semaphore, #tpu.memory_space<semaphore_mem>> -> memref<!tpu.dma_semaphore, #tpu.memory_space<semaphore_mem>>
    tpu.enqueue_indirect_dma source(%dma_start3A_77 : memref<10240x64xf32, #tpu.memory_space<hbm>>) target(%dma_start3A_71 : memref<128x64xf32, #tpu.memory_space<vmem>>) offsets(%dma_start3A_74 : memref<128xi32, #tpu.memory_space<vmem>>) semaphore(%dma_start3A_79 : memref<!tpu.dma_semaphore, #tpu.memory_space<semaphore_mem>>)
    %dma_start3A_80 = arith.constant 2 : i32
    %dma_start3A_81 = arith.constant 2 : i32
    %dma_start3A_82 = arith.constant 2 : i32
    %dma_start3A_83 = arith.constant 0 : i32
    %dma_start3A_84 = arith.constant 0 : i32
    %dma_start3A_85 = tpu.memref_slice %arg8[%dma_start3A_81, %dma_start3A_83, %dma_start3A_84] : memref<6x128x64xf32, #tpu.memory_space<vmem>> -> memref<1x128x64xf32, #tpu.memory_space<vmem>>
    %dma_start3A_86 = tpu.memref_squeeze %dma_start3A_85 : memref<1x128x64xf32, #tpu.memory_space<vmem>> -> memref<128x64xf32, #tpu.memory_space<vmem>>
    %dma_start3A_87 = arith.constant 0 : i32
    %dma_start3A_88 = tpu.memref_slice %arg6[%dma_start3A_80, %dma_start3A_87] : memref<79x128xi32, #tpu.memory_space<vmem>> -> memref<1x128xi32, #tpu.memory_space<vmem>>
    %dma_start3A_89 = tpu.memref_squeeze %dma_start3A_88 : memref<1x128xi32, #tpu.memory_space<vmem>> -> memref<128xi32, #tpu.memory_space<vmem>>
    %dma_start3A_90 = arith.constant 0 : i32
    %dma_start3A_91 = arith.constant 0 : i32
    %dma_start3A_92 = tpu.memref_slice %arg4[%dma_start3A_90, %dma_start3A_91] : memref<10240x64xf32, #tpu.memory_space<hbm>> -> memref<10240x64xf32, #tpu.memory_space<hbm>>
    %dma_start3A_93 = tpu.memref_slice %arg10[%dma_start3A_82] : memref<6x!tpu.dma_semaphore, #tpu.memory_space<semaphore_mem>> -> memref<1x!tpu.dma_semaphore, #tpu.memory_space<semaphore_mem>>
    %dma_start3A_94 = tpu.memref_squeeze %dma_start3A_93 : memref<1x!tpu.dma_semaphore, #tpu.memory_space<semaphore_mem>> -> memref<!tpu.dma_semaphore, #tpu.memory_space<semaphore_mem>>
    tpu.enqueue_indirect_dma source(%dma_start3A_92 : memref<10240x64xf32, #tpu.memory_space<hbm>>) target(%dma_start3A_86 : memref<128x64xf32, #tpu.memory_space<vmem>>) offsets(%dma_start3A_89 : memref<128xi32, #tpu.memory_space<vmem>>) semaphore(%dma_start3A_94 : memref<!tpu.dma_semaphore, #tpu.memory_space<semaphore_mem>>)
    %dma_start3A_95 = arith.constant 3 : i32
    %dma_start3A_96 = arith.constant 3 : i32
    %dma_start3A_97 = arith.constant 3 : i32
    %dma_start3A_98 = arith.constant 0 : i32
    %dma_start3A_99 = arith.constant 0 : i32
    %dma_start3A_100 = tpu.memref_slice %arg8[%dma_start3A_96, %dma_start3A_98, %dma_start3A_99] : memref<6x128x64xf32, #tpu.memory_space<vmem>> -> memref<1x128x64xf32, #tpu.memory_space<vmem>>
    %dma_start3A_101 = tpu.memref_squeeze %dma_start3A_100 : memref<1x128x64xf32, #tpu.memory_space<vmem>> -> memref<128x64xf32, #tpu.memory_space<vmem>>
    %dma_start3A_102 = arith.constant 0 : i32
    %dma_start3A_103 = tpu.memref_slice %arg6[%dma_start3A_95, %dma_start3A_102] : memref<79x128xi32, #tpu.memory_space<vmem>> -> memref<1x128xi32, #tpu.memory_space<vmem>>
    %dma_start3A_104 = tpu.memref_squeeze %dma_start3A_103 : memref<1x128xi32, #tpu.memory_space<vmem>> -> memref<128xi32, #tpu.memory_space<vmem>>
    %dma_start3A_105 = arith.constant 0 : i32
    %dma_start3A_106 = arith.constant 0 : i32
    %dma_start3A_107 = tpu.memref_slice %arg4[%dma_start3A_105, %dma_start3A_106] : memref<10240x64xf32, #tpu.memory_space<hbm>> -> memref<10240x64xf32, #tpu.memory_space<hbm>>
    %dma_start3A_108 = tpu.memref_slice %arg10[%dma_start3A_97] : memref<6x!tpu.dma_semaphore, #tpu.memory_space<semaphore_mem>> -> memref<1x!tpu.dma_semaphore, #tpu.memory_space<semaphore_mem>>
    %dma_start3A_109 = tpu.memref_squeeze %dma_start3A_108 : memref<1x!tpu.dma_semaphore, #tpu.memory_space<semaphore_mem>> -> memref<!tpu.dma_semaphore, #tpu.memory_space<semaphore_mem>>
    tpu.enqueue_indirect_dma source(%dma_start3A_107 : memref<10240x64xf32, #tpu.memory_space<hbm>>) target(%dma_start3A_101 : memref<128x64xf32, #tpu.memory_space<vmem>>) offsets(%dma_start3A_104 : memref<128xi32, #tpu.memory_space<vmem>>) semaphore(%dma_start3A_109 : memref<!tpu.dma_semaphore, #tpu.memory_space<semaphore_mem>>)
    %dma_start3A_110 = arith.constant 4 : i32
    %dma_start3A_111 = arith.constant 4 : i32
    %dma_start3A_112 = arith.constant 4 : i32
    %dma_start3A_113 = arith.constant 0 : i32
    %dma_start3A_114 = arith.constant 0 : i32
    %dma_start3A_115 = tpu.memref_slice %arg8[%dma_start3A_111, %dma_start3A_113, %dma_start3A_114] : memref<6x128x64xf32, #tpu.memory_space<vmem>> -> memref<1x128x64xf32, #tpu.memory_space<vmem>>
    %dma_start3A_116 = tpu.memref_squeeze %dma_start3A_115 : memref<1x128x64xf32, #tpu.memory_space<vmem>> -> memref<128x64xf32, #tpu.memory_space<vmem>>
    %dma_start3A_117 = arith.constant 0 : i32
    %dma_start3A_118 = tpu.memref_slice %arg6[%dma_start3A_110, %dma_start3A_117] : memref<79x128xi32, #tpu.memory_space<vmem>> -> memref<1x128xi32, #tpu.memory_space<vmem>>
    %dma_start3A_119 = tpu.memref_squeeze %dma_start3A_118 : memref<1x128xi32, #tpu.memory_space<vmem>> -> memref<128xi32, #tpu.memory_space<vmem>>
    %dma_start3A_120 = arith.constant 0 : i32
    %dma_start3A_121 = arith.constant 0 : i32
    %dma_start3A_122 = tpu.memref_slice %arg4[%dma_start3A_120, %dma_start3A_121] : memref<10240x64xf32, #tpu.memory_space<hbm>> -> memref<10240x64xf32, #tpu.memory_space<hbm>>
    %dma_start3A_123 = tpu.memref_slice %arg10[%dma_start3A_112] : memref<6x!tpu.dma_semaphore, #tpu.memory_space<semaphore_mem>> -> memref<1x!tpu.dma_semaphore, #tpu.memory_space<semaphore_mem>>
    %dma_start3A_124 = tpu.memref_squeeze %dma_start3A_123 : memref<1x!tpu.dma_semaphore, #tpu.memory_space<semaphore_mem>> -> memref<!tpu.dma_semaphore, #tpu.memory_space<semaphore_mem>>
    tpu.enqueue_indirect_dma source(%dma_start3A_122 : memref<10240x64xf32, #tpu.memory_space<hbm>>) target(%dma_start3A_116 : memref<128x64xf32, #tpu.memory_space<vmem>>) offsets(%dma_start3A_119 : memref<128xi32, #tpu.memory_space<vmem>>) semaphore(%dma_start3A_124 : memref<!tpu.dma_semaphore, #tpu.memory_space<semaphore_mem>>)
    %while3A = arith.constant 0 : i32
    %while3A_125 = arith.constant 0 : i32
    %while3A_126 = arith.subi %sub3A_47, %while3A_125 : i32
    %while3A_127 = arith.addi %while3A_125, %while3A_126 : i32
    %while3A_128 = arith.constant 1 : i32
    %while3A_129 = arith.divsi %while3A_126, %while3A_128 : i32
    %while3A_130 = arith.muli %while3A_129, %while3A_128 : i32
    %while3A_131 = arith.addi %while3A_125, %while3A_130 : i32
    %while3A_132 = arith.constant 1 : i32
    scf.for %while3A_420 = %while3A_125 to %while3A_131 step %while3A_132  : i32 {
      %rem3A_421 = arith.constant 6 : i32
      %rem3A_422 = arith.remsi %while3A_420, %rem3A_421 : i32
      %dma_wait3A_423 = arith.constant 0 : i32
      %dma_wait3A_424 = arith.constant 0 : i32
      %dma_wait3A_425 = tpu.memref_slice %arg8[%rem3A_422, %dma_wait3A_423, %dma_wait3A_424] : memref<6x128x64xf32, #tpu.memory_space<vmem>> -> memref<1x128x64xf32, #tpu.memory_space<vmem>>
      %dma_wait3A_426 = tpu.memref_squeeze %dma_wait3A_425 : memref<1x128x64xf32, #tpu.memory_space<vmem>> -> memref<128x64xf32, #tpu.memory_space<vmem>>
      %dma_wait3A_427 = arith.constant 0 : i32
      %dma_wait3A_428 = tpu.memref_slice %arg6[%while3A_420, %dma_wait3A_427] : memref<79x128xi32, #tpu.memory_space<vmem>> -> memref<1x128xi32, #tpu.memory_space<vmem>>
      %dma_wait3A_429 = tpu.memref_squeeze %dma_wait3A_428 : memref<1x128xi32, #tpu.memory_space<vmem>> -> memref<128xi32, #tpu.memory_space<vmem>>
      %dma_wait3A_430 = arith.constant 0 : i32
      %dma_wait3A_431 = arith.constant 0 : i32
      %dma_wait3A_432 = tpu.memref_slice %arg4[%dma_wait3A_430, %dma_wait3A_431] : memref<10240x64xf32, #tpu.memory_space<hbm>> -> memref<10240x64xf32, #tpu.memory_space<hbm>>
      %dma_wait3A_433 = tpu.memref_slice %arg10[%rem3A_422] : memref<6x!tpu.dma_semaphore, #tpu.memory_space<semaphore_mem>> -> memref<1x!tpu.dma_semaphore, #tpu.memory_space<semaphore_mem>>
      %dma_wait3A_434 = tpu.memref_squeeze %dma_wait3A_433 : memref<1x!tpu.dma_semaphore, #tpu.memory_space<semaphore_mem>> -> memref<!tpu.dma_semaphore, #tpu.memory_space<semaphore_mem>>
      tpu.wait_indirect_dma semaphore(%dma_wait3A_434 : memref<!tpu.dma_semaphore, #tpu.memory_space<semaphore_mem>>) src(%dma_wait3A_432 : memref<10240x64xf32, #tpu.memory_space<hbm>>) dst(%dma_wait3A_426 : memref<128x64xf32, #tpu.memory_space<vmem>>)
      %dma_start3A_435 = arith.constant 0 : i32
      %dma_start3A_436 = arith.constant 0 : i32
      %dma_start3A_437 = tpu.memref_slice %arg8[%rem3A_422, %dma_start3A_435, %dma_start3A_436] : memref<6x128x64xf32, #tpu.memory_space<vmem>> -> memref<1x128x64xf32, #tpu.memory_space<vmem>>
      %dma_start3A_438 = tpu.memref_squeeze %dma_start3A_437 : memref<1x128x64xf32, #tpu.memory_space<vmem>> -> memref<128x64xf32, #tpu.memory_space<vmem>>
      %dma_start3A_439 = arith.constant 0 : i32
      %dma_start3A_440 = tpu.memref_slice %arg7[%while3A_420, %dma_start3A_439] : memref<79x128xi32, #tpu.memory_space<vmem>> -> memref<1x128xi32, #tpu.memory_space<vmem>>
      %dma_start3A_441 = tpu.memref_squeeze %dma_start3A_440 : memref<1x128xi32, #tpu.memory_space<vmem>> -> memref<128xi32, #tpu.memory_space<vmem>>
      %dma_start3A_442 = arith.constant 0 : i32
      %dma_start3A_443 = arith.constant 0 : i32
      %dma_start3A_444 = tpu.memref_slice %arg9[%dma_start3A_442, %dma_start3A_443] : memref<10240x64xf32, #tpu.memory_space<vmem_shared>> -> memref<10240x64xf32, #tpu.memory_space<vmem_shared>>
      %dma_start3A_445 = tpu.memref_slice %arg11[%rem3A_422] : memref<6x!tpu.dma_semaphore, #tpu.memory_space<semaphore_mem>> -> memref<1x!tpu.dma_semaphore, #tpu.memory_space<semaphore_mem>>
      %dma_start3A_446 = tpu.memref_squeeze %dma_start3A_445 : memref<1x!tpu.dma_semaphore, #tpu.memory_space<semaphore_mem>> -> memref<!tpu.dma_semaphore, #tpu.memory_space<semaphore_mem>>
      tpu.enqueue_indirect_dma source(%dma_start3A_438 : memref<128x64xf32, #tpu.memory_space<vmem>>) target(%dma_start3A_444 : memref<10240x64xf32, #tpu.memory_space<vmem_shared>>) offsets(%dma_start3A_441 : memref<128xi32, #tpu.memory_space<vmem>>) semaphore(%dma_start3A_446 : memref<!tpu.dma_semaphore, #tpu.memory_space<semaphore_mem>>) {add = true}
      %add3A_447 = arith.constant 6 : i32
      %add3A_448 = arith.addi %while3A_420, %add3A_447 : i32
      %sub3A_449 = arith.constant 1 : i32
      %sub3A_450 = arith.subi %add3A_448, %sub3A_449 : i32
      %lt3A_451 = arith.cmpi slt, %sub3A_450, %sub3A_47 : i32
      %convert_element_type3A = arith.extui %lt3A_451 : i1 to i32
      %cond3A = arith.constant 0 : i32
      %cond3A_452 = arith.cmpi ne, %convert_element_type3A, %cond3A : i32
      scf.if %cond3A_452 {
        %rem3A_453 = arith.constant 6 : i32
        %rem3A_454 = arith.remsi %sub3A_450, %rem3A_453 : i32
        %ge3A = arith.constant 1 : i32
        %ge3A_455 = arith.cmpi sge, %while3A_420, %ge3A : i32
        %convert_element_type3A_456 = arith.extui %ge3A_455 : i1 to i32
        %cond3A_457 = arith.constant 0 : i32
        %cond3A_458 = arith.cmpi ne, %convert_element_type3A_456, %cond3A_457 : i32
        scf.if %cond3A_458 {
          %sub3A_471 = arith.constant 1 : i32
          %sub3A_472 = arith.subi %while3A_420, %sub3A_471 : i32
          %dma_wait3A_473 = arith.constant 0 : i32
          %dma_wait3A_474 = arith.constant 0 : i32
          %dma_wait3A_475 = tpu.memref_slice %arg8[%rem3A_454, %dma_wait3A_473, %dma_wait3A_474] : memref<6x128x64xf32, #tpu.memory_space<vmem>> -> memref<1x128x64xf32, #tpu.memory_space<vmem>>
          %dma_wait3A_476 = tpu.memref_squeeze %dma_wait3A_475 : memref<1x128x64xf32, #tpu.memory_space<vmem>> -> memref<128x64xf32, #tpu.memory_space<vmem>>
          %dma_wait3A_477 = arith.constant 0 : i32
          %dma_wait3A_478 = tpu.memref_slice %arg7[%sub3A_472, %dma_wait3A_477] : memref<79x128xi32, #tpu.memory_space<vmem>> -> memref<1x128xi32, #tpu.memory_space<vmem>>
          %dma_wait3A_479 = tpu.memref_squeeze %dma_wait3A_478 : memref<1x128xi32, #tpu.memory_space<vmem>> -> memref<128xi32, #tpu.memory_space<vmem>>
          %dma_wait3A_480 = arith.constant 0 : i32
          %dma_wait3A_481 = arith.constant 0 : i32
          %dma_wait3A_482 = tpu.memref_slice %arg9[%dma_wait3A_480, %dma_wait3A_481] : memref<10240x64xf32, #tpu.memory_space<vmem_shared>> -> memref<10240x64xf32, #tpu.memory_space<vmem_shared>>
          %dma_wait3A_483 = tpu.memref_slice %arg11[%rem3A_454] : memref<6x!tpu.dma_semaphore, #tpu.memory_space<semaphore_mem>> -> memref<1x!tpu.dma_semaphore, #tpu.memory_space<semaphore_mem>>
          %dma_wait3A_484 = tpu.memref_squeeze %dma_wait3A_483 : memref<1x!tpu.dma_semaphore, #tpu.memory_space<semaphore_mem>> -> memref<!tpu.dma_semaphore, #tpu.memory_space<semaphore_mem>>
          tpu.wait_indirect_dma semaphore(%dma_wait3A_484 : memref<!tpu.dma_semaphore, #tpu.memory_space<semaphore_mem>>) src(%dma_wait3A_476 : memref<128x64xf32, #tpu.memory_space<vmem>>) dst(%dma_wait3A_482 : memref<10240x64xf32, #tpu.memory_space<vmem_shared>>)
        } else {
        }
        %dma_start3A_459 = arith.constant 0 : i32
        %dma_start3A_460 = arith.constant 0 : i32
        %dma_start3A_461 = tpu.memref_slice %arg8[%rem3A_454, %dma_start3A_459, %dma_start3A_460] : memref<6x128x64xf32, #tpu.memory_space<vmem>> -> memref<1x128x64xf32, #tpu.memory_space<vmem>>
        %dma_start3A_462 = tpu.memref_squeeze %dma_start3A_461 : memref<1x128x64xf32, #tpu.memory_space<vmem>> -> memref<128x64xf32, #tpu.memory_space<vmem>>
        %dma_start3A_463 = arith.constant 0 : i32
        %dma_start3A_464 = tpu.memref_slice %arg6[%sub3A_450, %dma_start3A_463] : memref<79x128xi32, #tpu.memory_space<vmem>> -> memref<1x128xi32, #tpu.memory_space<vmem>>
        %dma_start3A_465 = tpu.memref_squeeze %dma_start3A_464 : memref<1x128xi32, #tpu.memory_space<vmem>> -> memref<128xi32, #tpu.memory_space<vmem>>
        %dma_start3A_466 = arith.constant 0 : i32
        %dma_start3A_467 = arith.constant 0 : i32
        %dma_start3A_468 = tpu.memref_slice %arg4[%dma_start3A_466, %dma_start3A_467] : memref<10240x64xf32, #tpu.memory_space<hbm>> -> memref<10240x64xf32, #tpu.memory_space<hbm>>
        %dma_start3A_469 = tpu.memref_slice %arg10[%rem3A_454] : memref<6x!tpu.dma_semaphore, #tpu.memory_space<semaphore_mem>> -> memref<1x!tpu.dma_semaphore, #tpu.memory_space<semaphore_mem>>
        %dma_start3A_470 = tpu.memref_squeeze %dma_start3A_469 : memref<1x!tpu.dma_semaphore, #tpu.memory_space<semaphore_mem>> -> memref<!tpu.dma_semaphore, #tpu.memory_space<semaphore_mem>>
        tpu.enqueue_indirect_dma source(%dma_start3A_468 : memref<10240x64xf32, #tpu.memory_space<hbm>>) target(%dma_start3A_462 : memref<128x64xf32, #tpu.memory_space<vmem>>) offsets(%dma_start3A_465 : memref<128xi32, #tpu.memory_space<vmem>>) semaphore(%dma_start3A_470 : memref<!tpu.dma_semaphore, #tpu.memory_space<semaphore_mem>>)
      } else {
      }
    }
    %while3A_133 = arith.constant 1 : i32
    scf.for %while3A_420 = %while3A_131 to %while3A_127 step %while3A_133  : i32 {
      %rem3A_421 = arith.constant 6 : i32
      %rem3A_422 = arith.remsi %while3A_420, %rem3A_421 : i32
      %dma_wait3A_423 = arith.constant 0 : i32
      %dma_wait3A_424 = arith.constant 0 : i32
      %dma_wait3A_425 = tpu.memref_slice %arg8[%rem3A_422, %dma_wait3A_423, %dma_wait3A_424] : memref<6x128x64xf32, #tpu.memory_space<vmem>> -> memref<1x128x64xf32, #tpu.memory_space<vmem>>
      %dma_wait3A_426 = tpu.memref_squeeze %dma_wait3A_425 : memref<1x128x64xf32, #tpu.memory_space<vmem>> -> memref<128x64xf32, #tpu.memory_space<vmem>>
      %dma_wait3A_427 = arith.constant 0 : i32
      %dma_wait3A_428 = tpu.memref_slice %arg6[%while3A_420, %dma_wait3A_427] : memref<79x128xi32, #tpu.memory_space<vmem>> -> memref<1x128xi32, #tpu.memory_space<vmem>>
      %dma_wait3A_429 = tpu.memref_squeeze %dma_wait3A_428 : memref<1x128xi32, #tpu.memory_space<vmem>> -> memref<128xi32, #tpu.memory_space<vmem>>
      %dma_wait3A_430 = arith.constant 0 : i32
      %dma_wait3A_431 = arith.constant 0 : i32
      %dma_wait3A_432 = tpu.memref_slice %arg4[%dma_wait3A_430, %dma_wait3A_431] : memref<10240x64xf32, #tpu.memory_space<hbm>> -> memref<10240x64xf32, #tpu.memory_space<hbm>>
      %dma_wait3A_433 = tpu.memref_slice %arg10[%rem3A_422] : memref<6x!tpu.dma_semaphore, #tpu.memory_space<semaphore_mem>> -> memref<1x!tpu.dma_semaphore, #tpu.memory_space<semaphore_mem>>
      %dma_wait3A_434 = tpu.memref_squeeze %dma_wait3A_433 : memref<1x!tpu.dma_semaphore, #tpu.memory_space<semaphore_mem>> -> memref<!tpu.dma_semaphore, #tpu.memory_space<semaphore_mem>>
      tpu.wait_indirect_dma semaphore(%dma_wait3A_434 : memref<!tpu.dma_semaphore, #tpu.memory_space<semaphore_mem>>) src(%dma_wait3A_432 : memref<10240x64xf32, #tpu.memory_space<hbm>>) dst(%dma_wait3A_426 : memref<128x64xf32, #tpu.memory_space<vmem>>)
      %dma_start3A_435 = arith.constant 0 : i32
      %dma_start3A_436 = arith.constant 0 : i32
      %dma_start3A_437 = tpu.memref_slice %arg8[%rem3A_422, %dma_start3A_435, %dma_start3A_436] : memref<6x128x64xf32, #tpu.memory_space<vmem>> -> memref<1x128x64xf32, #tpu.memory_space<vmem>>
      %dma_start3A_438 = tpu.memref_squeeze %dma_start3A_437 : memref<1x128x64xf32, #tpu.memory_space<vmem>> -> memref<128x64xf32, #tpu.memory_space<vmem>>
      %dma_start3A_439 = arith.constant 0 : i32
      %dma_start3A_440 = tpu.memref_slice %arg7[%while3A_420, %dma_start3A_439] : memref<79x128xi32, #tpu.memory_space<vmem>> -> memref<1x128xi32, #tpu.memory_space<vmem>>
      %dma_start3A_441 = tpu.memref_squeeze %dma_start3A_440 : memref<1x128xi32, #tpu.memory_space<vmem>> -> memref<128xi32, #tpu.memory_space<vmem>>
      %dma_start3A_442 = arith.constant 0 : i32
      %dma_start3A_443 = arith.constant 0 : i32
      %dma_start3A_444 = tpu.memref_slice %arg9[%dma_start3A_442, %dma_start3A_443] : memref<10240x64xf32, #tpu.memory_space<vmem_shared>> -> memref<10240x64xf32, #tpu.memory_space<vmem_shared>>
      %dma_start3A_445 = tpu.memref_slice %arg11[%rem3A_422] : memref<6x!tpu.dma_semaphore, #tpu.memory_space<semaphore_mem>> -> memref<1x!tpu.dma_semaphore, #tpu.memory_space<semaphore_mem>>
      %dma_start3A_446 = tpu.memref_squeeze %dma_start3A_445 : memref<1x!tpu.dma_semaphore, #tpu.memory_space<semaphore_mem>> -> memref<!tpu.dma_semaphore, #tpu.memory_space<semaphore_mem>>
      tpu.enqueue_indirect_dma source(%dma_start3A_438 : memref<128x64xf32, #tpu.memory_space<vmem>>) target(%dma_start3A_444 : memref<10240x64xf32, #tpu.memory_space<vmem_shared>>) offsets(%dma_start3A_441 : memref<128xi32, #tpu.memory_space<vmem>>) semaphore(%dma_start3A_446 : memref<!tpu.dma_semaphore, #tpu.memory_space<semaphore_mem>>) {add = true}
      %add3A_447 = arith.constant 6 : i32
      %add3A_448 = arith.addi %while3A_420, %add3A_447 : i32
      %sub3A_449 = arith.constant 1 : i32
      %sub3A_450 = arith.subi %add3A_448, %sub3A_449 : i32
      %lt3A_451 = arith.cmpi slt, %sub3A_450, %sub3A_47 : i32
      %convert_element_type3A = arith.extui %lt3A_451 : i1 to i32
      %cond3A = arith.constant 0 : i32
      %cond3A_452 = arith.cmpi ne, %convert_element_type3A, %cond3A : i32
      scf.if %cond3A_452 {
        %rem3A_453 = arith.constant 6 : i32
        %rem3A_454 = arith.remsi %sub3A_450, %rem3A_453 : i32
        %ge3A = arith.constant 1 : i32
        %ge3A_455 = arith.cmpi sge, %while3A_420, %ge3A : i32
        %convert_element_type3A_456 = arith.extui %ge3A_455 : i1 to i32
        %cond3A_457 = arith.constant 0 : i32
        %cond3A_458 = arith.cmpi ne, %convert_element_type3A_456, %cond3A_457 : i32
        scf.if %cond3A_458 {
          %sub3A_471 = arith.constant 1 : i32
          %sub3A_472 = arith.subi %while3A_420, %sub3A_471 : i32
          %dma_wait3A_473 = arith.constant 0 : i32
          %dma_wait3A_474 = arith.constant 0 : i32
          %dma_wait3A_475 = tpu.memref_slice %arg8[%rem3A_454, %dma_wait3A_473, %dma_wait3A_474] : memref<6x128x64xf32, #tpu.memory_space<vmem>> -> memref<1x128x64xf32, #tpu.memory_space<vmem>>
          %dma_wait3A_476 = tpu.memref_squeeze %dma_wait3A_475 : memref<1x128x64xf32, #tpu.memory_space<vmem>> -> memref<128x64xf32, #tpu.memory_space<vmem>>
          %dma_wait3A_477 = arith.constant 0 : i32
          %dma_wait3A_478 = tpu.memref_slice %arg7[%sub3A_472, %dma_wait3A_477] : memref<79x128xi32, #tpu.memory_space<vmem>> -> memref<1x128xi32, #tpu.memory_space<vmem>>
          %dma_wait3A_479 = tpu.memref_squeeze %dma_wait3A_478 : memref<1x128xi32, #tpu.memory_space<vmem>> -> memref<128xi32, #tpu.memory_space<vmem>>
          %dma_wait3A_480 = arith.constant 0 : i32
          %dma_wait3A_481 = arith.constant 0 : i32
          %dma_wait3A_482 = tpu.memref_slice %arg9[%dma_wait3A_480, %dma_wait3A_481] : memref<10240x64xf32, #tpu.memory_space<vmem_shared>> -> memref<10240x64xf32, #tpu.memory_space<vmem_shared>>
          %dma_wait3A_483 = tpu.memref_slice %arg11[%rem3A_454] : memref<6x!tpu.dma_semaphore, #tpu.memory_space<semaphore_mem>> -> memref<1x!tpu.dma_semaphore, #tpu.memory_space<semaphore_mem>>
          %dma_wait3A_484 = tpu.memref_squeeze %dma_wait3A_483 : memref<1x!tpu.dma_semaphore, #tpu.memory_space<semaphore_mem>> -> memref<!tpu.dma_semaphore, #tpu.memory_space<semaphore_mem>>
          tpu.wait_indirect_dma semaphore(%dma_wait3A_484 : memref<!tpu.dma_semaphore, #tpu.memory_space<semaphore_mem>>) src(%dma_wait3A_476 : memref<128x64xf32, #tpu.memory_space<vmem>>) dst(%dma_wait3A_482 : memref<10240x64xf32, #tpu.memory_space<vmem_shared>>)
        } else {
        }
        %dma_start3A_459 = arith.constant 0 : i32
        %dma_start3A_460 = arith.constant 0 : i32
        %dma_start3A_461 = tpu.memref_slice %arg8[%rem3A_454, %dma_start3A_459, %dma_start3A_460] : memref<6x128x64xf32, #tpu.memory_space<vmem>> -> memref<1x128x64xf32, #tpu.memory_space<vmem>>
        %dma_start3A_462 = tpu.memref_squeeze %dma_start3A_461 : memref<1x128x64xf32, #tpu.memory_space<vmem>> -> memref<128x64xf32, #tpu.memory_space<vmem>>
        %dma_start3A_463 = arith.constant 0 : i32
        %dma_start3A_464 = tpu.memref_slice %arg6[%sub3A_450, %dma_start3A_463] : memref<79x128xi32, #tpu.memory_space<vmem>> -> memref<1x128xi32, #tpu.memory_space<vmem>>
        %dma_start3A_465 = tpu.memref_squeeze %dma_start3A_464 : memref<1x128xi32, #tpu.memory_space<vmem>> -> memref<128xi32, #tpu.memory_space<vmem>>
        %dma_start3A_466 = arith.constant 0 : i32
        %dma_start3A_467 = arith.constant 0 : i32
        %dma_start3A_468 = tpu.memref_slice %arg4[%dma_start3A_466, %dma_start3A_467] : memref<10240x64xf32, #tpu.memory_space<hbm>> -> memref<10240x64xf32, #tpu.memory_space<hbm>>
        %dma_start3A_469 = tpu.memref_slice %arg10[%rem3A_454] : memref<6x!tpu.dma_semaphore, #tpu.memory_space<semaphore_mem>> -> memref<1x!tpu.dma_semaphore, #tpu.memory_space<semaphore_mem>>
        %dma_start3A_470 = tpu.memref_squeeze %dma_start3A_469 : memref<1x!tpu.dma_semaphore, #tpu.memory_space<semaphore_mem>> -> memref<!tpu.dma_semaphore, #tpu.memory_space<semaphore_mem>>
        tpu.enqueue_indirect_dma source(%dma_start3A_468 : memref<10240x64xf32, #tpu.memory_space<hbm>>) target(%dma_start3A_462 : memref<128x64xf32, #tpu.memory_space<vmem>>) offsets(%dma_start3A_465 : memref<128xi32, #tpu.memory_space<vmem>>) semaphore(%dma_start3A_470 : memref<!tpu.dma_semaphore, #tpu.memory_space<semaphore_mem>>)
      } else {
      }
    }
    %sub3A_134 = arith.constant 6 : i32
    %sub3A_135 = arith.subi %sub3A_47, %sub3A_134 : i32
    %add3A_136 = arith.constant 0 : i32
    %add3A_137 = arith.addi %sub3A_135, %add3A_136 : i32
    %jit3A_138 = arith.constant 6 : i32
    %eq3A = arith.constant 0 : i32
    %eq3A_139 = arith.cmpi eq, %jit3A_138, %eq3A : i32
    %jit3A_140 = arith.constant 1 : i32
    %select_n3A_141 = arith.select %eq3A_139, %jit3A_140, %jit3A_138 : i32
    %rem3A_142 = arith.remsi %add3A_137, %select_n3A_141 : i32
    %ne3A_143 = arith.constant 0 : i32
    %ne3A_144 = arith.cmpi ne, %rem3A_142, %ne3A_143 : i32
    %lt3A = arith.constant 0 : i32
    %lt3A_145 = arith.cmpi slt, %rem3A_142, %lt3A : i32
    %lt3A_146 = arith.constant 0 : i32
    %lt3A_147 = arith.cmpi slt, %select_n3A_141, %lt3A_146 : i32
    %ne3A_148 = arith.xori %lt3A_145, %lt3A_147 : i1
    %and3A_149 = arith.andi %ne3A_148, %ne3A_144 : i1
    %add3A_150 = arith.addi %rem3A_142, %select_n3A_141 : i32
    %select_n3A_151 = arith.select %and3A_149, %add3A_150, %rem3A_142 : i32
    %jit3A_152 = arith.constant 6 : i32
    %eq3A_153 = arith.constant 0 : i32
    %eq3A_154 = arith.cmpi eq, %jit3A_152, %eq3A_153 : i32
    %jit3A_155 = arith.constant 1 : i32
    %select_n3A_156 = arith.select %eq3A_154, %jit3A_155, %jit3A_152 : i32
    %rem3A_157 = arith.remsi %add3A_137, %select_n3A_156 : i32
    %ne3A_158 = arith.constant 0 : i32
    %ne3A_159 = arith.cmpi ne, %rem3A_157, %ne3A_158 : i32
    %lt3A_160 = arith.constant 0 : i32
    %lt3A_161 = arith.cmpi slt, %rem3A_157, %lt3A_160 : i32
    %lt3A_162 = arith.constant 0 : i32
    %lt3A_163 = arith.cmpi slt, %select_n3A_156, %lt3A_162 : i32
    %ne3A_164 = arith.xori %lt3A_161, %lt3A_163 : i1
    %and3A_165 = arith.andi %ne3A_164, %ne3A_159 : i1
    %add3A_166 = arith.addi %rem3A_157, %select_n3A_156 : i32
    %select_n3A_167 = arith.select %and3A_165, %add3A_166, %rem3A_157 : i32
    %dma_wait3A = arith.constant 0 : i32
    %dma_wait3A_168 = arith.constant 0 : i32
    %dma_wait3A_169 = tpu.memref_slice %arg8[%select_n3A_151, %dma_wait3A, %dma_wait3A_168] : memref<6x128x64xf32, #tpu.memory_space<vmem>> -> memref<1x128x64xf32, #tpu.memory_space<vmem>>
    %dma_wait3A_170 = tpu.memref_squeeze %dma_wait3A_169 : memref<1x128x64xf32, #tpu.memory_space<vmem>> -> memref<128x64xf32, #tpu.memory_space<vmem>>
    %dma_wait3A_171 = arith.constant 0 : i32
    %dma_wait3A_172 = tpu.memref_slice %arg7[%add3A_137, %dma_wait3A_171] : memref<79x128xi32, #tpu.memory_space<vmem>> -> memref<1x128xi32, #tpu.memory_space<vmem>>
    %dma_wait3A_173 = tpu.memref_squeeze %dma_wait3A_172 : memref<1x128xi32, #tpu.memory_space<vmem>> -> memref<128xi32, #tpu.memory_space<vmem>>
    %dma_wait3A_174 = arith.constant 0 : i32
    %dma_wait3A_175 = arith.constant 0 : i32
    %dma_wait3A_176 = tpu.memref_slice %arg9[%dma_wait3A_174, %dma_wait3A_175] : memref<10240x64xf32, #tpu.memory_space<vmem_shared>> -> memref<10240x64xf32, #tpu.memory_space<vmem_shared>>
    %dma_wait3A_177 = tpu.memref_slice %arg11[%select_n3A_167] : memref<6x!tpu.dma_semaphore, #tpu.memory_space<semaphore_mem>> -> memref<1x!tpu.dma_semaphore, #tpu.memory_space<semaphore_mem>>
    %dma_wait3A_178 = tpu.memref_squeeze %dma_wait3A_177 : memref<1x!tpu.dma_semaphore, #tpu.memory_space<semaphore_mem>> -> memref<!tpu.dma_semaphore, #tpu.memory_space<semaphore_mem>>
    tpu.wait_indirect_dma semaphore(%dma_wait3A_178 : memref<!tpu.dma_semaphore, #tpu.memory_space<semaphore_mem>>) src(%dma_wait3A_170 : memref<128x64xf32, #tpu.memory_space<vmem>>) dst(%dma_wait3A_176 : memref<10240x64xf32, #tpu.memory_space<vmem_shared>>)
    %sub3A_179 = arith.constant 6 : i32
    %sub3A_180 = arith.subi %sub3A_47, %sub3A_179 : i32
    %add3A_181 = arith.constant 1 : i32
    %add3A_182 = arith.addi %sub3A_180, %add3A_181 : i32
    %jit3A_183 = arith.constant 6 : i32
    %eq3A_184 = arith.constant 0 : i32
    %eq3A_185 = arith.cmpi eq, %jit3A_183, %eq3A_184 : i32
    %jit3A_186 = arith.constant 1 : i32
    %select_n3A_187 = arith.select %eq3A_185, %jit3A_186, %jit3A_183 : i32
    %rem3A_188 = arith.remsi %add3A_182, %select_n3A_187 : i32
    %ne3A_189 = arith.constant 0 : i32
    %ne3A_190 = arith.cmpi ne, %rem3A_188, %ne3A_189 : i32
    %lt3A_191 = arith.constant 0 : i32
    %lt3A_192 = arith.cmpi slt, %rem3A_188, %lt3A_191 : i32
    %lt3A_193 = arith.constant 0 : i32
    %lt3A_194 = arith.cmpi slt, %select_n3A_187, %lt3A_193 : i32
    %ne3A_195 = arith.xori %lt3A_192, %lt3A_194 : i1
    %and3A_196 = arith.andi %ne3A_195, %ne3A_190 : i1
    %add3A_197 = arith.addi %rem3A_188, %select_n3A_187 : i32
    %select_n3A_198 = arith.select %and3A_196, %add3A_197, %rem3A_188 : i32
    %jit3A_199 = arith.constant 6 : i32
    %eq3A_200 = arith.constant 0 : i32
    %eq3A_201 = arith.cmpi eq, %jit3A_199, %eq3A_200 : i32
    %jit3A_202 = arith.constant 1 : i32
    %select_n3A_203 = arith.select %eq3A_201, %jit3A_202, %jit3A_199 : i32
    %rem3A_204 = arith.remsi %add3A_182, %select_n3A_203 : i32
    %ne3A_205 = arith.constant 0 : i32
    %ne3A_206 = arith.cmpi ne, %rem3A_204, %ne3A_205 : i32
    %lt3A_207 = arith.constant 0 : i32
    %lt3A_208 = arith.cmpi slt, %rem3A_204, %lt3A_207 : i32
    %lt3A_209 = arith.constant 0 : i32
    %lt3A_210 = arith.cmpi slt, %select_n3A_203, %lt3A_209 : i32
    %ne3A_211 = arith.xori %lt3A_208, %lt3A_210 : i1
    %and3A_212 = arith.andi %ne3A_211, %ne3A_206 : i1
    %add3A_213 = arith.addi %rem3A_204, %select_n3A_203 : i32
    %select_n3A_214 = arith.select %and3A_212, %add3A_213, %rem3A_204 : i32
    %dma_wait3A_215 = arith.constant 0 : i32
    %dma_wait3A_216 = arith.constant 0 : i32
    %dma_wait3A_217 = tpu.memref_slice %arg8[%select_n3A_198, %dma_wait3A_215, %dma_wait3A_216] : memref<6x128x64xf32, #tpu.memory_space<vmem>> -> memref<1x128x64xf32, #tpu.memory_space<vmem>>
    %dma_wait3A_218 = tpu.memref_squeeze %dma_wait3A_217 : memref<1x128x64xf32, #tpu.memory_space<vmem>> -> memref<128x64xf32, #tpu.memory_space<vmem>>
    %dma_wait3A_219 = arith.constant 0 : i32
    %dma_wait3A_220 = tpu.memref_slice %arg7[%add3A_182, %dma_wait3A_219] : memref<79x128xi32, #tpu.memory_space<vmem>> -> memref<1x128xi32, #tpu.memory_space<vmem>>
    %dma_wait3A_221 = tpu.memref_squeeze %dma_wait3A_220 : memref<1x128xi32, #tpu.memory_space<vmem>> -> memref<128xi32, #tpu.memory_space<vmem>>
    %dma_wait3A_222 = arith.constant 0 : i32
    %dma_wait3A_223 = arith.constant 0 : i32
    %dma_wait3A_224 = tpu.memref_slice %arg9[%dma_wait3A_222, %dma_wait3A_223] : memref<10240x64xf32, #tpu.memory_space<vmem_shared>> -> memref<10240x64xf32, #tpu.memory_space<vmem_shared>>
    %dma_wait3A_225 = tpu.memref_slice %arg11[%select_n3A_214] : memref<6x!tpu.dma_semaphore, #tpu.memory_space<semaphore_mem>> -> memref<1x!tpu.dma_semaphore, #tpu.memory_space<semaphore_mem>>
    %dma_wait3A_226 = tpu.memref_squeeze %dma_wait3A_225 : memref<1x!tpu.dma_semaphore, #tpu.memory_space<semaphore_mem>> -> memref<!tpu.dma_semaphore, #tpu.memory_space<semaphore_mem>>
    tpu.wait_indirect_dma semaphore(%dma_wait3A_226 : memref<!tpu.dma_semaphore, #tpu.memory_space<semaphore_mem>>) src(%dma_wait3A_218 : memref<128x64xf32, #tpu.memory_space<vmem>>) dst(%dma_wait3A_224 : memref<10240x64xf32, #tpu.memory_space<vmem_shared>>)
    %sub3A_227 = arith.constant 6 : i32
    %sub3A_228 = arith.subi %sub3A_47, %sub3A_227 : i32
    %add3A_229 = arith.constant 2 : i32
    %add3A_230 = arith.addi %sub3A_228, %add3A_229 : i32
    %jit3A_231 = arith.constant 6 : i32
    %eq3A_232 = arith.constant 0 : i32
    %eq3A_233 = arith.cmpi eq, %jit3A_231, %eq3A_232 : i32
    %jit3A_234 = arith.constant 1 : i32
    %select_n3A_235 = arith.select %eq3A_233, %jit3A_234, %jit3A_231 : i32
    %rem3A_236 = arith.remsi %add3A_230, %select_n3A_235 : i32
    %ne3A_237 = arith.constant 0 : i32
    %ne3A_238 = arith.cmpi ne, %rem3A_236, %ne3A_237 : i32
    %lt3A_239 = arith.constant 0 : i32
    %lt3A_240 = arith.cmpi slt, %rem3A_236, %lt3A_239 : i32
    %lt3A_241 = arith.constant 0 : i32
    %lt3A_242 = arith.cmpi slt, %select_n3A_235, %lt3A_241 : i32
    %ne3A_243 = arith.xori %lt3A_240, %lt3A_242 : i1
    %and3A_244 = arith.andi %ne3A_243, %ne3A_238 : i1
    %add3A_245 = arith.addi %rem3A_236, %select_n3A_235 : i32
    %select_n3A_246 = arith.select %and3A_244, %add3A_245, %rem3A_236 : i32
    %jit3A_247 = arith.constant 6 : i32
    %eq3A_248 = arith.constant 0 : i32
    %eq3A_249 = arith.cmpi eq, %jit3A_247, %eq3A_248 : i32
    %jit3A_250 = arith.constant 1 : i32
    %select_n3A_251 = arith.select %eq3A_249, %jit3A_250, %jit3A_247 : i32
    %rem3A_252 = arith.remsi %add3A_230, %select_n3A_251 : i32
    %ne3A_253 = arith.constant 0 : i32
    %ne3A_254 = arith.cmpi ne, %rem3A_252, %ne3A_253 : i32
    %lt3A_255 = arith.constant 0 : i32
    %lt3A_256 = arith.cmpi slt, %rem3A_252, %lt3A_255 : i32
    %lt3A_257 = arith.constant 0 : i32
    %lt3A_258 = arith.cmpi slt, %select_n3A_251, %lt3A_257 : i32
    %ne3A_259 = arith.xori %lt3A_256, %lt3A_258 : i1
    %and3A_260 = arith.andi %ne3A_259, %ne3A_254 : i1
    %add3A_261 = arith.addi %rem3A_252, %select_n3A_251 : i32
    %select_n3A_262 = arith.select %and3A_260, %add3A_261, %rem3A_252 : i32
    %dma_wait3A_263 = arith.constant 0 : i32
    %dma_wait3A_264 = arith.constant 0 : i32
    %dma_wait3A_265 = tpu.memref_slice %arg8[%select_n3A_246, %dma_wait3A_263, %dma_wait3A_264] : memref<6x128x64xf32, #tpu.memory_space<vmem>> -> memref<1x128x64xf32, #tpu.memory_space<vmem>>
    %dma_wait3A_266 = tpu.memref_squeeze %dma_wait3A_265 : memref<1x128x64xf32, #tpu.memory_space<vmem>> -> memref<128x64xf32, #tpu.memory_space<vmem>>
    %dma_wait3A_267 = arith.constant 0 : i32
    %dma_wait3A_268 = tpu.memref_slice %arg7[%add3A_230, %dma_wait3A_267] : memref<79x128xi32, #tpu.memory_space<vmem>> -> memref<1x128xi32, #tpu.memory_space<vmem>>
    %dma_wait3A_269 = tpu.memref_squeeze %dma_wait3A_268 : memref<1x128xi32, #tpu.memory_space<vmem>> -> memref<128xi32, #tpu.memory_space<vmem>>
    %dma_wait3A_270 = arith.constant 0 : i32
    %dma_wait3A_271 = arith.constant 0 : i32
    %dma_wait3A_272 = tpu.memref_slice %arg9[%dma_wait3A_270, %dma_wait3A_271] : memref<10240x64xf32, #tpu.memory_space<vmem_shared>> -> memref<10240x64xf32, #tpu.memory_space<vmem_shared>>
    %dma_wait3A_273 = tpu.memref_slice %arg11[%select_n3A_262] : memref<6x!tpu.dma_semaphore, #tpu.memory_space<semaphore_mem>> -> memref<1x!tpu.dma_semaphore, #tpu.memory_space<semaphore_mem>>
    %dma_wait3A_274 = tpu.memref_squeeze %dma_wait3A_273 : memref<1x!tpu.dma_semaphore, #tpu.memory_space<semaphore_mem>> -> memref<!tpu.dma_semaphore, #tpu.memory_space<semaphore_mem>>
    tpu.wait_indirect_dma semaphore(%dma_wait3A_274 : memref<!tpu.dma_semaphore, #tpu.memory_space<semaphore_mem>>) src(%dma_wait3A_266 : memref<128x64xf32, #tpu.memory_space<vmem>>) dst(%dma_wait3A_272 : memref<10240x64xf32, #tpu.memory_space<vmem_shared>>)
    %sub3A_275 = arith.constant 6 : i32
    %sub3A_276 = arith.subi %sub3A_47, %sub3A_275 : i32
    %add3A_277 = arith.constant 3 : i32
    %add3A_278 = arith.addi %sub3A_276, %add3A_277 : i32
    %jit3A_279 = arith.constant 6 : i32
    %eq3A_280 = arith.constant 0 : i32
    %eq3A_281 = arith.cmpi eq, %jit3A_279, %eq3A_280 : i32
    %jit3A_282 = arith.constant 1 : i32
    %select_n3A_283 = arith.select %eq3A_281, %jit3A_282, %jit3A_279 : i32
    %rem3A_284 = arith.remsi %add3A_278, %select_n3A_283 : i32
    %ne3A_285 = arith.constant 0 : i32
    %ne3A_286 = arith.cmpi ne, %rem3A_284, %ne3A_285 : i32
    %lt3A_287 = arith.constant 0 : i32
    %lt3A_288 = arith.cmpi slt, %rem3A_284, %lt3A_287 : i32
    %lt3A_289 = arith.constant 0 : i32
    %lt3A_290 = arith.cmpi slt, %select_n3A_283, %lt3A_289 : i32
    %ne3A_291 = arith.xori %lt3A_288, %lt3A_290 : i1
    %and3A_292 = arith.andi %ne3A_291, %ne3A_286 : i1
    %add3A_293 = arith.addi %rem3A_284, %select_n3A_283 : i32
    %select_n3A_294 = arith.select %and3A_292, %add3A_293, %rem3A_284 : i32
    %jit3A_295 = arith.constant 6 : i32
    %eq3A_296 = arith.constant 0 : i32
    %eq3A_297 = arith.cmpi eq, %jit3A_295, %eq3A_296 : i32
    %jit3A_298 = arith.constant 1 : i32
    %select_n3A_299 = arith.select %eq3A_297, %jit3A_298, %jit3A_295 : i32
    %rem3A_300 = arith.remsi %add3A_278, %select_n3A_299 : i32
    %ne3A_301 = arith.constant 0 : i32
    %ne3A_302 = arith.cmpi ne, %rem3A_300, %ne3A_301 : i32
    %lt3A_303 = arith.constant 0 : i32
    %lt3A_304 = arith.cmpi slt, %rem3A_300, %lt3A_303 : i32
    %lt3A_305 = arith.constant 0 : i32
    %lt3A_306 = arith.cmpi slt, %select_n3A_299, %lt3A_305 : i32
    %ne3A_307 = arith.xori %lt3A_304, %lt3A_306 : i1
    %and3A_308 = arith.andi %ne3A_307, %ne3A_302 : i1
    %add3A_309 = arith.addi %rem3A_300, %select_n3A_299 : i32
    %select_n3A_310 = arith.select %and3A_308, %add3A_309, %rem3A_300 : i32
    %dma_wait3A_311 = arith.constant 0 : i32
    %dma_wait3A_312 = arith.constant 0 : i32
    %dma_wait3A_313 = tpu.memref_slice %arg8[%select_n3A_294, %dma_wait3A_311, %dma_wait3A_312] : memref<6x128x64xf32, #tpu.memory_space<vmem>> -> memref<1x128x64xf32, #tpu.memory_space<vmem>>
    %dma_wait3A_314 = tpu.memref_squeeze %dma_wait3A_313 : memref<1x128x64xf32, #tpu.memory_space<vmem>> -> memref<128x64xf32, #tpu.memory_space<vmem>>
    %dma_wait3A_315 = arith.constant 0 : i32
    %dma_wait3A_316 = tpu.memref_slice %arg7[%add3A_278, %dma_wait3A_315] : memref<79x128xi32, #tpu.memory_space<vmem>> -> memref<1x128xi32, #tpu.memory_space<vmem>>
    %dma_wait3A_317 = tpu.memref_squeeze %dma_wait3A_316 : memref<1x128xi32, #tpu.memory_space<vmem>> -> memref<128xi32, #tpu.memory_space<vmem>>
    %dma_wait3A_318 = arith.constant 0 : i32
    %dma_wait3A_319 = arith.constant 0 : i32
    %dma_wait3A_320 = tpu.memref_slice %arg9[%dma_wait3A_318, %dma_wait3A_319] : memref<10240x64xf32, #tpu.memory_space<vmem_shared>> -> memref<10240x64xf32, #tpu.memory_space<vmem_shared>>
    %dma_wait3A_321 = tpu.memref_slice %arg11[%select_n3A_310] : memref<6x!tpu.dma_semaphore, #tpu.memory_space<semaphore_mem>> -> memref<1x!tpu.dma_semaphore, #tpu.memory_space<semaphore_mem>>
    %dma_wait3A_322 = tpu.memref_squeeze %dma_wait3A_321 : memref<1x!tpu.dma_semaphore, #tpu.memory_space<semaphore_mem>> -> memref<!tpu.dma_semaphore, #tpu.memory_space<semaphore_mem>>
    tpu.wait_indirect_dma semaphore(%dma_wait3A_322 : memref<!tpu.dma_semaphore, #tpu.memory_space<semaphore_mem>>) src(%dma_wait3A_314 : memref<128x64xf32, #tpu.memory_space<vmem>>) dst(%dma_wait3A_320 : memref<10240x64xf32, #tpu.memory_space<vmem_shared>>)
    %sub3A_323 = arith.constant 6 : i32
    %sub3A_324 = arith.subi %sub3A_47, %sub3A_323 : i32
    %add3A_325 = arith.constant 4 : i32
    %add3A_326 = arith.addi %sub3A_324, %add3A_325 : i32
    %jit3A_327 = arith.constant 6 : i32
    %eq3A_328 = arith.constant 0 : i32
    %eq3A_329 = arith.cmpi eq, %jit3A_327, %eq3A_328 : i32
    %jit3A_330 = arith.constant 1 : i32
    %select_n3A_331 = arith.select %eq3A_329, %jit3A_330, %jit3A_327 : i32
    %rem3A_332 = arith.remsi %add3A_326, %select_n3A_331 : i32
    %ne3A_333 = arith.constant 0 : i32
    %ne3A_334 = arith.cmpi ne, %rem3A_332, %ne3A_333 : i32
    %lt3A_335 = arith.constant 0 : i32
    %lt3A_336 = arith.cmpi slt, %rem3A_332, %lt3A_335 : i32
    %lt3A_337 = arith.constant 0 : i32
    %lt3A_338 = arith.cmpi slt, %select_n3A_331, %lt3A_337 : i32
    %ne3A_339 = arith.xori %lt3A_336, %lt3A_338 : i1
    %and3A_340 = arith.andi %ne3A_339, %ne3A_334 : i1
    %add3A_341 = arith.addi %rem3A_332, %select_n3A_331 : i32
    %select_n3A_342 = arith.select %and3A_340, %add3A_341, %rem3A_332 : i32
    %jit3A_343 = arith.constant 6 : i32
    %eq3A_344 = arith.constant 0 : i32
    %eq3A_345 = arith.cmpi eq, %jit3A_343, %eq3A_344 : i32
    %jit3A_346 = arith.constant 1 : i32
    %select_n3A_347 = arith.select %eq3A_345, %jit3A_346, %jit3A_343 : i32
    %rem3A_348 = arith.remsi %add3A_326, %select_n3A_347 : i32
    %ne3A_349 = arith.constant 0 : i32
    %ne3A_350 = arith.cmpi ne, %rem3A_348, %ne3A_349 : i32
    %lt3A_351 = arith.constant 0 : i32
    %lt3A_352 = arith.cmpi slt, %rem3A_348, %lt3A_351 : i32
    %lt3A_353 = arith.constant 0 : i32
    %lt3A_354 = arith.cmpi slt, %select_n3A_347, %lt3A_353 : i32
    %ne3A_355 = arith.xori %lt3A_352, %lt3A_354 : i1
    %and3A_356 = arith.andi %ne3A_355, %ne3A_350 : i1
    %add3A_357 = arith.addi %rem3A_348, %select_n3A_347 : i32
    %select_n3A_358 = arith.select %and3A_356, %add3A_357, %rem3A_348 : i32
    %dma_wait3A_359 = arith.constant 0 : i32
    %dma_wait3A_360 = arith.constant 0 : i32
    %dma_wait3A_361 = tpu.memref_slice %arg8[%select_n3A_342, %dma_wait3A_359, %dma_wait3A_360] : memref<6x128x64xf32, #tpu.memory_space<vmem>> -> memref<1x128x64xf32, #tpu.memory_space<vmem>>
    %dma_wait3A_362 = tpu.memref_squeeze %dma_wait3A_361 : memref<1x128x64xf32, #tpu.memory_space<vmem>> -> memref<128x64xf32, #tpu.memory_space<vmem>>
    %dma_wait3A_363 = arith.constant 0 : i32
    %dma_wait3A_364 = tpu.memref_slice %arg7[%add3A_326, %dma_wait3A_363] : memref<79x128xi32, #tpu.memory_space<vmem>> -> memref<1x128xi32, #tpu.memory_space<vmem>>
    %dma_wait3A_365 = tpu.memref_squeeze %dma_wait3A_364 : memref<1x128xi32, #tpu.memory_space<vmem>> -> memref<128xi32, #tpu.memory_space<vmem>>
    %dma_wait3A_366 = arith.constant 0 : i32
    %dma_wait3A_367 = arith.constant 0 : i32
    %dma_wait3A_368 = tpu.memref_slice %arg9[%dma_wait3A_366, %dma_wait3A_367] : memref<10240x64xf32, #tpu.memory_space<vmem_shared>> -> memref<10240x64xf32, #tpu.memory_space<vmem_shared>>
    %dma_wait3A_369 = tpu.memref_slice %arg11[%select_n3A_358] : memref<6x!tpu.dma_semaphore, #tpu.memory_space<semaphore_mem>> -> memref<1x!tpu.dma_semaphore, #tpu.memory_space<semaphore_mem>>
    %dma_wait3A_370 = tpu.memref_squeeze %dma_wait3A_369 : memref<1x!tpu.dma_semaphore, #tpu.memory_space<semaphore_mem>> -> memref<!tpu.dma_semaphore, #tpu.memory_space<semaphore_mem>>
    tpu.wait_indirect_dma semaphore(%dma_wait3A_370 : memref<!tpu.dma_semaphore, #tpu.memory_space<semaphore_mem>>) src(%dma_wait3A_362 : memref<128x64xf32, #tpu.memory_space<vmem>>) dst(%dma_wait3A_368 : memref<10240x64xf32, #tpu.memory_space<vmem_shared>>)
    %sub3A_371 = arith.constant 6 : i32
    %sub3A_372 = arith.subi %sub3A_47, %sub3A_371 : i32
    %add3A_373 = arith.constant 5 : i32
    %add3A_374 = arith.addi %sub3A_372, %add3A_373 : i32
    %jit3A_375 = arith.constant 6 : i32
    %eq3A_376 = arith.constant 0 : i32
    %eq3A_377 = arith.cmpi eq, %jit3A_375, %eq3A_376 : i32
    %jit3A_378 = arith.constant 1 : i32
    %select_n3A_379 = arith.select %eq3A_377, %jit3A_378, %jit3A_375 : i32
    %rem3A_380 = arith.remsi %add3A_374, %select_n3A_379 : i32
    %ne3A_381 = arith.constant 0 : i32
    %ne3A_382 = arith.cmpi ne, %rem3A_380, %ne3A_381 : i32
    %lt3A_383 = arith.constant 0 : i32
    %lt3A_384 = arith.cmpi slt, %rem3A_380, %lt3A_383 : i32
    %lt3A_385 = arith.constant 0 : i32
    %lt3A_386 = arith.cmpi slt, %select_n3A_379, %lt3A_385 : i32
    %ne3A_387 = arith.xori %lt3A_384, %lt3A_386 : i1
    %and3A_388 = arith.andi %ne3A_387, %ne3A_382 : i1
    %add3A_389 = arith.addi %rem3A_380, %select_n3A_379 : i32
    %select_n3A_390 = arith.select %and3A_388, %add3A_389, %rem3A_380 : i32
    %jit3A_391 = arith.constant 6 : i32
    %eq3A_392 = arith.constant 0 : i32
    %eq3A_393 = arith.cmpi eq, %jit3A_391, %eq3A_392 : i32
    %jit3A_394 = arith.constant 1 : i32
    %select_n3A_395 = arith.select %eq3A_393, %jit3A_394, %jit3A_391 : i32
    %rem3A_396 = arith.remsi %add3A_374, %select_n3A_395 : i32
    %ne3A_397 = arith.constant 0 : i32
    %ne3A_398 = arith.cmpi ne, %rem3A_396, %ne3A_397 : i32
    %lt3A_399 = arith.constant 0 : i32
    %lt3A_400 = arith.cmpi slt, %rem3A_396, %lt3A_399 : i32
    %lt3A_401 = arith.constant 0 : i32
    %lt3A_402 = arith.cmpi slt, %select_n3A_395, %lt3A_401 : i32
    %ne3A_403 = arith.xori %lt3A_400, %lt3A_402 : i1
    %and3A_404 = arith.andi %ne3A_403, %ne3A_398 : i1
    %add3A_405 = arith.addi %rem3A_396, %select_n3A_395 : i32
    %select_n3A_406 = arith.select %and3A_404, %add3A_405, %rem3A_396 : i32
    %dma_wait3A_407 = arith.constant 0 : i32
    %dma_wait3A_408 = arith.constant 0 : i32
    %dma_wait3A_409 = tpu.memref_slice %arg8[%select_n3A_390, %dma_wait3A_407, %dma_wait3A_408] : memref<6x128x64xf32, #tpu.memory_space<vmem>> -> memref<1x128x64xf32, #tpu.memory_space<vmem>>
    %dma_wait3A_410 = tpu.memref_squeeze %dma_wait3A_409 : memref<1x128x64xf32, #tpu.memory_space<vmem>> -> memref<128x64xf32, #tpu.memory_space<vmem>>
    %dma_wait3A_411 = arith.constant 0 : i32
    %dma_wait3A_412 = tpu.memref_slice %arg7[%add3A_374, %dma_wait3A_411] : memref<79x128xi32, #tpu.memory_space<vmem>> -> memref<1x128xi32, #tpu.memory_space<vmem>>
    %dma_wait3A_413 = tpu.memref_squeeze %dma_wait3A_412 : memref<1x128xi32, #tpu.memory_space<vmem>> -> memref<128xi32, #tpu.memory_space<vmem>>
    %dma_wait3A_414 = arith.constant 0 : i32
    %dma_wait3A_415 = arith.constant 0 : i32
    %dma_wait3A_416 = tpu.memref_slice %arg9[%dma_wait3A_414, %dma_wait3A_415] : memref<10240x64xf32, #tpu.memory_space<vmem_shared>> -> memref<10240x64xf32, #tpu.memory_space<vmem_shared>>
    %dma_wait3A_417 = tpu.memref_slice %arg11[%select_n3A_406] : memref<6x!tpu.dma_semaphore, #tpu.memory_space<semaphore_mem>> -> memref<1x!tpu.dma_semaphore, #tpu.memory_space<semaphore_mem>>
    %dma_wait3A_418 = tpu.memref_squeeze %dma_wait3A_417 : memref<1x!tpu.dma_semaphore, #tpu.memory_space<semaphore_mem>> -> memref<!tpu.dma_semaphore, #tpu.memory_space<semaphore_mem>>
    tpu.wait_indirect_dma semaphore(%dma_wait3A_418 : memref<!tpu.dma_semaphore, #tpu.memory_space<semaphore_mem>>) src(%dma_wait3A_410 : memref<128x64xf32, #tpu.memory_space<vmem>>) dst(%dma_wait3A_416 : memref<10240x64xf32, #tpu.memory_space<vmem_shared>>)
    %barrier3A_419 = arith.constant 0 : index
    tpu.barrier barrier_id(%barrier3A_419)
    "tpu.region"() ({
      %run_scoped3A_420 = tpu.sem_alloc : memref<!tpu.dma_semaphore, #tpu.memory_space<semaphore_mem>>
      %dma_start3A_421 = arith.constant 0 : i32
      %dma_start3A_422 = tpu.memref_slice %arg5[%arg0, %mul3A_49, %dma_start3A_421] : memref<2x10240x64xf32, #tpu.memory_space<hbm>> -> memref<1x640x64xf32, #tpu.memory_space<hbm>>
      %dma_start3A_423 = tpu.memref_squeeze %dma_start3A_422 : memref<1x640x64xf32, #tpu.memory_space<hbm>> -> memref<640x64xf32, #tpu.memory_space<hbm>>
      %dma_start3A_424 = arith.constant 0 : i32
      %dma_start3A_425 = tpu.memref_slice %arg9[%mul3A_49, %dma_start3A_424] : memref<10240x64xf32, #tpu.memory_space<vmem_shared>> -> memref<640x64xf32, #tpu.memory_space<vmem_shared>>
      tpu.enqueue_dma source(%dma_start3A_425 : memref<640x64xf32, #tpu.memory_space<vmem_shared>>) target(%dma_start3A_423 : memref<640x64xf32, #tpu.memory_space<hbm>>) target_semaphore(%run_scoped3A_420 : memref<!tpu.dma_semaphore, #tpu.memory_space<semaphore_mem>>)
      %dma_wait3A_426 = arith.constant 0 : i32
      %dma_wait3A_427 = tpu.memref_slice %arg5[%arg0, %mul3A_49, %dma_wait3A_426] : memref<2x10240x64xf32, #tpu.memory_space<hbm>> -> memref<1x640x64xf32, #tpu.memory_space<hbm>>
      %dma_wait3A_428 = tpu.memref_squeeze %dma_wait3A_427 : memref<1x640x64xf32, #tpu.memory_space<hbm>> -> memref<640x64xf32, #tpu.memory_space<hbm>>
      %dma_wait3A_429 = arith.constant 0 : i32
      %dma_wait3A_430 = tpu.memref_slice %arg9[%mul3A_49, %dma_wait3A_429] : memref<10240x64xf32, #tpu.memory_space<vmem_shared>> -> memref<640x64xf32, #tpu.memory_space<vmem_shared>>
      tpu.wait_dma2 semaphore(%run_scoped3A_420 : memref<!tpu.dma_semaphore, #tpu.memory_space<semaphore_mem>>) src(%dma_wait3A_430 : memref<640x64xf32, #tpu.memory_space<vmem_shared>>) dst(%dma_wait3A_428 : memref<640x64xf32, #tpu.memory_space<hbm>>)
      tpu.yield
    }) : () -> ()
    return
  }
}

#map = affine_map<(d0, d1) -> (0, 0, 0)>
#map1 = affine_map<(d0, d1) -> (0, 0)>
module attributes {stable_mosaic.version = 14 : i64} {
  func.func @_sc_aggregate(%arg0: i32, %arg1: i32, %arg2: memref<2x2500x128xi32, #tpu.memory_space<hbm>>, %arg3: memref<640x64xf32, #tpu.memory_space<hbm>>, %arg4: memref<10240x64xf32, #tpu.memory_space<hbm>>, %arg5: memref<2x10240x64xf32, #tpu.memory_space<hbm>>, %arg6: memref<79x128xi32, #tpu.memory_space<vmem>>, %arg7: memref<79x128xi32, #tpu.memory_space<vmem>>, %arg8: memref<6x128x64xf32, #tpu.memory_space<vmem>>, %arg9: memref<10240x64xf32, #tpu.memory_space<vmem_shared>>, %arg10: memref<6x!tpu.dma_semaphore, #tpu.memory_space<semaphore_mem>>, %arg11: memref<6x!tpu.dma_semaphore, #tpu.memory_space<semaphore_mem>>) attributes {dimension_semantics = [#tpu.dimension_semantics<core_parallel>, #tpu.dimension_semantics<subcore_parallel>], iteration_bounds = array<i64: 2, 16>, scalar_prefetch = 0 : i64, scratch_operands = 6 : i64, tpu.core_type = #tpu.core_type<sc_vector_subcore>, window_params = [{transform_indices = #map}, {transform_indices = #map1}, {transform_indices = #map1}, {transform_indices = #map}]} {
    %mul3A = arith.constant 16 : i32
    %mul3A_0 = arith.muli %arg0, %mul3A : i32
    %add3A = arith.addi %mul3A_0, %arg1 : i32
    %mul3A_1 = arith.constant 2500 : i32
    %mul3A_2 = arith.muli %add3A, %mul3A_1 : i32
    %jit3A = arith.constant 32 : i32
    %div3A = arith.divsi %mul3A_2, %jit3A : i32
    %sign3A = arith.constant 0 : i32
    %sign3A_3 = arith.cmpi sgt, %mul3A_2, %sign3A : i32
    %sign3A_4 = arith.extui %sign3A_3 : i1 to i32
    %sign3A_5 = arith.constant 0 : i32
    %sign3A_6 = arith.cmpi slt, %mul3A_2, %sign3A_5 : i32
    %sign3A_7 = arith.extui %sign3A_6 : i1 to i32
    %sign3A_8 = arith.subi %sign3A_4, %sign3A_7 : i32
    %sign3A_9 = arith.constant 0 : i32
    %sign3A_10 = arith.cmpi sgt, %jit3A, %sign3A_9 : i32
    %sign3A_11 = arith.extui %sign3A_10 : i1 to i32
    %sign3A_12 = arith.constant 0 : i32
    %sign3A_13 = arith.cmpi slt, %jit3A, %sign3A_12 : i32
    %sign3A_14 = arith.extui %sign3A_13 : i1 to i32
    %sign3A_15 = arith.subi %sign3A_11, %sign3A_14 : i32
    %ne3A = arith.cmpi ne, %sign3A_8, %sign3A_15 : i32
    %rem3A = arith.remsi %mul3A_2, %jit3A : i32
    %ne3A_16 = arith.constant 0 : i32
    %ne3A_17 = arith.cmpi ne, %rem3A, %ne3A_16 : i32
    %and3A = arith.andi %ne3A, %ne3A_17 : i1
    %sub3A = arith.constant 1 : i32
    %sub3A_18 = arith.subi %div3A, %sub3A : i32
    %select_n3A = arith.select %and3A, %sub3A_18, %div3A : i32
    %add3A_19 = arith.constant 1 : i32
    %add3A_20 = arith.addi %add3A, %add3A_19 : i32
    %mul3A_21 = arith.constant 2500 : i32
    %mul3A_22 = arith.muli %add3A_20, %mul3A_21 : i32
    %jit3A_23 = arith.constant 32 : i32
    %div3A_24 = arith.divsi %mul3A_22, %jit3A_23 : i32
    %sign3A_25 = arith.constant 0 : i32
    %sign3A_26 = arith.cmpi sgt, %mul3A_22, %sign3A_25 : i32
    %sign3A_27 = arith.extui %sign3A_26 : i1 to i32
    %sign3A_28 = arith.constant 0 : i32
    %sign3A_29 = arith.cmpi slt, %mul3A_22, %sign3A_28 : i32
    %sign3A_30 = arith.extui %sign3A_29 : i1 to i32
    %sign3A_31 = arith.subi %sign3A_27, %sign3A_30 : i32
    %sign3A_32 = arith.constant 0 : i32
    %sign3A_33 = arith.cmpi sgt, %jit3A_23, %sign3A_32 : i32
    %sign3A_34 = arith.extui %sign3A_33 : i1 to i32
    %sign3A_35 = arith.constant 0 : i32
    %sign3A_36 = arith.cmpi slt, %jit3A_23, %sign3A_35 : i32
    %sign3A_37 = arith.extui %sign3A_36 : i1 to i32
    %sign3A_38 = arith.subi %sign3A_34, %sign3A_37 : i32
    %ne3A_39 = arith.cmpi ne, %sign3A_31, %sign3A_38 : i32
    %rem3A_40 = arith.remsi %mul3A_22, %jit3A_23 : i32
    %ne3A_41 = arith.constant 0 : i32
    %ne3A_42 = arith.cmpi ne, %rem3A_40, %ne3A_41 : i32
    %and3A_43 = arith.andi %ne3A_39, %ne3A_42 : i1
    %sub3A_44 = arith.constant 1 : i32
    %sub3A_45 = arith.subi %div3A_24, %sub3A_44 : i32
    %select_n3A_46 = arith.select %and3A_43, %sub3A_45, %div3A_24 : i32
    %sub3A_47 = arith.subi %select_n3A_46, %select_n3A : i32
    %mul3A_48 = arith.constant 640 : i32
    %mul3A_49 = arith.muli %arg1, %mul3A_48 : i32
    "tpu.region"() ({
      %run_scoped3A_420 = tpu.sem_alloc : memref<!tpu.dma_semaphore, #tpu.memory_space<semaphore_mem>>
      %dma_start3A_421 = arith.constant 0 : i32
      %dma_start3A_422 = tpu.memref_slice %arg9[%mul3A_49, %dma_start3A_421] : memref<10240x64xf32, #tpu.memory_space<vmem_shared>> -> memref<640x64xf32, #tpu.memory_space<vmem_shared>>
      tpu.enqueue_dma source(%arg3 : memref<640x64xf32, #tpu.memory_space<hbm>>) target(%dma_start3A_422 : memref<640x64xf32, #tpu.memory_space<vmem_shared>>) target_semaphore(%run_scoped3A_420 : memref<!tpu.dma_semaphore, #tpu.memory_space<semaphore_mem>>)
      %dma_wait3A_423 = arith.constant 0 : i32
      %dma_wait3A_424 = tpu.memref_slice %arg9[%mul3A_49, %dma_wait3A_423] : memref<10240x64xf32, #tpu.memory_space<vmem_shared>> -> memref<640x64xf32, #tpu.memory_space<vmem_shared>>
      tpu.wait_dma2 semaphore(%run_scoped3A_420 : memref<!tpu.dma_semaphore, #tpu.memory_space<semaphore_mem>>) src(%arg3 : memref<640x64xf32, #tpu.memory_space<hbm>>) dst(%dma_wait3A_424 : memref<640x64xf32, #tpu.memory_space<vmem_shared>>)
      tpu.yield
    }) : () -> ()
    %run_scoped3A = arith.constant 0 : i32
    "tpu.region"() ({
      %run_scoped3A_420 = tpu.sem_alloc : memref<!tpu.dma_semaphore, #tpu.memory_space<semaphore_mem>>
      %dma_start3A_421 = arith.constant 0 : i32
      %dma_start3A_422 = tpu.memref_slice %arg2[%run_scoped3A, %select_n3A, %dma_start3A_421] : memref<2x2500x128xi32, #tpu.memory_space<hbm>> -> memref<1x79x128xi32, #tpu.memory_space<hbm>>
      %dma_start3A_423 = tpu.memref_squeeze %dma_start3A_422 : memref<1x79x128xi32, #tpu.memory_space<hbm>> -> memref<79x128xi32, #tpu.memory_space<hbm>>
      %dma_start3A_424 = arith.constant 0 : i32
      %dma_start3A_425 = tpu.memref_slice %arg2[%run_scoped3A, %select_n3A, %dma_start3A_424] : memref<2x2500x128xi32, #tpu.memory_space<hbm>> -> memref<1x79x128xi32, #tpu.memory_space<hbm>>
      %dma_start3A_426 = tpu.memref_squeeze %dma_start3A_425 : memref<1x79x128xi32, #tpu.memory_space<hbm>> -> memref<79x128xi32, #tpu.memory_space<hbm>>
      tpu.enqueue_dma source(%dma_start3A_426 : memref<79x128xi32, #tpu.memory_space<hbm>>) target(%arg6 : memref<79x128xi32, #tpu.memory_space<vmem>>) target_semaphore(%run_scoped3A_420 : memref<!tpu.dma_semaphore, #tpu.memory_space<semaphore_mem>>)
      %dma_wait3A_427 = arith.constant 0 : i32
      %dma_wait3A_428 = tpu.memref_slice %arg2[%run_scoped3A, %select_n3A, %dma_wait3A_427] : memref<2x2500x128xi32, #tpu.memory_space<hbm>> -> memref<1x79x128xi32, #tpu.memory_space<hbm>>
      %dma_wait3A_429 = tpu.memref_squeeze %dma_wait3A_428 : memref<1x79x128xi32, #tpu.memory_space<hbm>> -> memref<79x128xi32, #tpu.memory_space<hbm>>
      %dma_wait3A_430 = arith.constant 0 : i32
      %dma_wait3A_431 = tpu.memref_slice %arg2[%run_scoped3A, %select_n3A, %dma_wait3A_430] : memref<2x2500x128xi32, #tpu.memory_space<hbm>> -> memref<1x79x128xi32, #tpu.memory_space<hbm>>
      %dma_wait3A_432 = tpu.memref_squeeze %dma_wait3A_431 : memref<1x79x128xi32, #tpu.memory_space<hbm>> -> memref<79x128xi32, #tpu.memory_space<hbm>>
      tpu.wait_dma2 semaphore(%run_scoped3A_420 : memref<!tpu.dma_semaphore, #tpu.memory_space<semaphore_mem>>) src(%dma_wait3A_432 : memref<79x128xi32, #tpu.memory_space<hbm>>) dst(%arg6 : memref<79x128xi32, #tpu.memory_space<vmem>>)
      tpu.yield
    }) : () -> ()
    %run_scoped3A_50 = arith.constant 1 : i32
    "tpu.region"() ({
      %run_scoped3A_420 = tpu.sem_alloc : memref<!tpu.dma_semaphore, #tpu.memory_space<semaphore_mem>>
      %dma_start3A_421 = arith.constant 0 : i32
      %dma_start3A_422 = tpu.memref_slice %arg2[%run_scoped3A_50, %select_n3A, %dma_start3A_421] : memref<2x2500x128xi32, #tpu.memory_space<hbm>> -> memref<1x79x128xi32, #tpu.memory_space<hbm>>
      %dma_start3A_423 = tpu.memref_squeeze %dma_start3A_422 : memref<1x79x128xi32, #tpu.memory_space<hbm>> -> memref<79x128xi32, #tpu.memory_space<hbm>>
      %dma_start3A_424 = arith.constant 0 : i32
      %dma_start3A_425 = tpu.memref_slice %arg2[%run_scoped3A_50, %select_n3A, %dma_start3A_424] : memref<2x2500x128xi32, #tpu.memory_space<hbm>> -> memref<1x79x128xi32, #tpu.memory_space<hbm>>
      %dma_start3A_426 = tpu.memref_squeeze %dma_start3A_425 : memref<1x79x128xi32, #tpu.memory_space<hbm>> -> memref<79x128xi32, #tpu.memory_space<hbm>>
      tpu.enqueue_dma source(%dma_start3A_426 : memref<79x128xi32, #tpu.memory_space<hbm>>) target(%arg7 : memref<79x128xi32, #tpu.memory_space<vmem>>) target_semaphore(%run_scoped3A_420 : memref<!tpu.dma_semaphore, #tpu.memory_space<semaphore_mem>>)
      %dma_wait3A_427 = arith.constant 0 : i32
      %dma_wait3A_428 = tpu.memref_slice %arg2[%run_scoped3A_50, %select_n3A, %dma_wait3A_427] : memref<2x2500x128xi32, #tpu.memory_space<hbm>> -> memref<1x79x128xi32, #tpu.memory_space<hbm>>
      %dma_wait3A_429 = tpu.memref_squeeze %dma_wait3A_428 : memref<1x79x128xi32, #tpu.memory_space<hbm>> -> memref<79x128xi32, #tpu.memory_space<hbm>>
      %dma_wait3A_430 = arith.constant 0 : i32
      %dma_wait3A_431 = tpu.memref_slice %arg2[%run_scoped3A_50, %select_n3A, %dma_wait3A_430] : memref<2x2500x128xi32, #tpu.memory_space<hbm>> -> memref<1x79x128xi32, #tpu.memory_space<hbm>>
      %dma_wait3A_432 = tpu.memref_squeeze %dma_wait3A_431 : memref<1x79x128xi32, #tpu.memory_space<hbm>> -> memref<79x128xi32, #tpu.memory_space<hbm>>
      tpu.wait_dma2 semaphore(%run_scoped3A_420 : memref<!tpu.dma_semaphore, #tpu.memory_space<semaphore_mem>>) src(%dma_wait3A_432 : memref<79x128xi32, #tpu.memory_space<hbm>>) dst(%arg7 : memref<79x128xi32, #tpu.memory_space<vmem>>)
      tpu.yield
    }) : () -> ()
    %barrier3A = arith.constant 0 : index
    tpu.barrier barrier_id(%barrier3A)
    %dma_start3A = arith.constant 0 : i32
    %dma_start3A_51 = arith.constant 0 : i32
    %dma_start3A_52 = arith.constant 0 : i32
    %dma_start3A_53 = arith.constant 0 : i32
    %dma_start3A_54 = arith.constant 0 : i32
    %dma_start3A_55 = tpu.memref_slice %arg8[%dma_start3A_51, %dma_start3A_53, %dma_start3A_54] : memref<6x128x64xf32, #tpu.memory_space<vmem>> -> memref<1x128x64xf32, #tpu.memory_space<vmem>>
    %dma_start3A_56 = tpu.memref_squeeze %dma_start3A_55 : memref<1x128x64xf32, #tpu.memory_space<vmem>> -> memref<128x64xf32, #tpu.memory_space<vmem>>
    %dma_start3A_57 = arith.constant 0 : i32
    %dma_start3A_58 = tpu.memref_slice %arg6[%dma_start3A, %dma_start3A_57] : memref<79x128xi32, #tpu.memory_space<vmem>> -> memref<1x128xi32, #tpu.memory_space<vmem>>
    %dma_start3A_59 = tpu.memref_squeeze %dma_start3A_58 : memref<1x128xi32, #tpu.memory_space<vmem>> -> memref<128xi32, #tpu.memory_space<vmem>>
    %dma_start3A_60 = arith.constant 0 : i32
    %dma_start3A_61 = arith.constant 0 : i32
    %dma_start3A_62 = tpu.memref_slice %arg4[%dma_start3A_60, %dma_start3A_61] : memref<10240x64xf32, #tpu.memory_space<hbm>> -> memref<10240x64xf32, #tpu.memory_space<hbm>>
    %dma_start3A_63 = tpu.memref_slice %arg10[%dma_start3A_52] : memref<6x!tpu.dma_semaphore, #tpu.memory_space<semaphore_mem>> -> memref<1x!tpu.dma_semaphore, #tpu.memory_space<semaphore_mem>>
    %dma_start3A_64 = tpu.memref_squeeze %dma_start3A_63 : memref<1x!tpu.dma_semaphore, #tpu.memory_space<semaphore_mem>> -> memref<!tpu.dma_semaphore, #tpu.memory_space<semaphore_mem>>
    tpu.enqueue_indirect_dma source(%dma_start3A_62 : memref<10240x64xf32, #tpu.memory_space<hbm>>) target(%dma_start3A_56 : memref<128x64xf32, #tpu.memory_space<vmem>>) offsets(%dma_start3A_59 : memref<128xi32, #tpu.memory_space<vmem>>) semaphore(%dma_start3A_64 : memref<!tpu.dma_semaphore, #tpu.memory_space<semaphore_mem>>)
    %dma_start3A_65 = arith.constant 1 : i32
    %dma_start3A_66 = arith.constant 1 : i32
    %dma_start3A_67 = arith.constant 1 : i32
    %dma_start3A_68 = arith.constant 0 : i32
    %dma_start3A_69 = arith.constant 0 : i32
    %dma_start3A_70 = tpu.memref_slice %arg8[%dma_start3A_66, %dma_start3A_68, %dma_start3A_69] : memref<6x128x64xf32, #tpu.memory_space<vmem>> -> memref<1x128x64xf32, #tpu.memory_space<vmem>>
    %dma_start3A_71 = tpu.memref_squeeze %dma_start3A_70 : memref<1x128x64xf32, #tpu.memory_space<vmem>> -> memref<128x64xf32, #tpu.memory_space<vmem>>
    %dma_start3A_72 = arith.constant 0 : i32
    %dma_start3A_73 = tpu.memref_slice %arg6[%dma_start3A_65, %dma_start3A_72] : memref<79x128xi32, #tpu.memory_space<vmem>> -> memref<1x128xi32, #tpu.memory_space<vmem>>
    %dma_start3A_74 = tpu.memref_squeeze %dma_start3A_73 : memref<1x128xi32, #tpu.memory_space<vmem>> -> memref<128xi32, #tpu.memory_space<vmem>>
    %dma_start3A_75 = arith.constant 0 : i32
    %dma_start3A_76 = arith.constant 0 : i32
    %dma_start3A_77 = tpu.memref_slice %arg4[%dma_start3A_75, %dma_start3A_76] : memref<10240x64xf32, #tpu.memory_space<hbm>> -> memref<10240x64xf32, #tpu.memory_space<hbm>>
    %dma_start3A_78 = tpu.memref_slice %arg10[%dma_start3A_67] : memref<6x!tpu.dma_semaphore, #tpu.memory_space<semaphore_mem>> -> memref<1x!tpu.dma_semaphore, #tpu.memory_space<semaphore_mem>>
    %dma_start3A_79 = tpu.memref_squeeze %dma_start3A_78 : memref<1x!tpu.dma_semaphore, #tpu.memory_space<semaphore_mem>> -> memref<!tpu.dma_semaphore, #tpu.memory_space<semaphore_mem>>
    tpu.enqueue_indirect_dma source(%dma_start3A_77 : memref<10240x64xf32, #tpu.memory_space<hbm>>) target(%dma_start3A_71 : memref<128x64xf32, #tpu.memory_space<vmem>>) offsets(%dma_start3A_74 : memref<128xi32, #tpu.memory_space<vmem>>) semaphore(%dma_start3A_79 : memref<!tpu.dma_semaphore, #tpu.memory_space<semaphore_mem>>)
    %dma_start3A_80 = arith.constant 2 : i32
    %dma_start3A_81 = arith.constant 2 : i32
    %dma_start3A_82 = arith.constant 2 : i32
    %dma_start3A_83 = arith.constant 0 : i32
    %dma_start3A_84 = arith.constant 0 : i32
    %dma_start3A_85 = tpu.memref_slice %arg8[%dma_start3A_81, %dma_start3A_83, %dma_start3A_84] : memref<6x128x64xf32, #tpu.memory_space<vmem>> -> memref<1x128x64xf32, #tpu.memory_space<vmem>>
    %dma_start3A_86 = tpu.memref_squeeze %dma_start3A_85 : memref<1x128x64xf32, #tpu.memory_space<vmem>> -> memref<128x64xf32, #tpu.memory_space<vmem>>
    %dma_start3A_87 = arith.constant 0 : i32
    %dma_start3A_88 = tpu.memref_slice %arg6[%dma_start3A_80, %dma_start3A_87] : memref<79x128xi32, #tpu.memory_space<vmem>> -> memref<1x128xi32, #tpu.memory_space<vmem>>
    %dma_start3A_89 = tpu.memref_squeeze %dma_start3A_88 : memref<1x128xi32, #tpu.memory_space<vmem>> -> memref<128xi32, #tpu.memory_space<vmem>>
    %dma_start3A_90 = arith.constant 0 : i32
    %dma_start3A_91 = arith.constant 0 : i32
    %dma_start3A_92 = tpu.memref_slice %arg4[%dma_start3A_90, %dma_start3A_91] : memref<10240x64xf32, #tpu.memory_space<hbm>> -> memref<10240x64xf32, #tpu.memory_space<hbm>>
    %dma_start3A_93 = tpu.memref_slice %arg10[%dma_start3A_82] : memref<6x!tpu.dma_semaphore, #tpu.memory_space<semaphore_mem>> -> memref<1x!tpu.dma_semaphore, #tpu.memory_space<semaphore_mem>>
    %dma_start3A_94 = tpu.memref_squeeze %dma_start3A_93 : memref<1x!tpu.dma_semaphore, #tpu.memory_space<semaphore_mem>> -> memref<!tpu.dma_semaphore, #tpu.memory_space<semaphore_mem>>
    tpu.enqueue_indirect_dma source(%dma_start3A_92 : memref<10240x64xf32, #tpu.memory_space<hbm>>) target(%dma_start3A_86 : memref<128x64xf32, #tpu.memory_space<vmem>>) offsets(%dma_start3A_89 : memref<128xi32, #tpu.memory_space<vmem>>) semaphore(%dma_start3A_94 : memref<!tpu.dma_semaphore, #tpu.memory_space<semaphore_mem>>)
    %dma_start3A_95 = arith.constant 3 : i32
    %dma_start3A_96 = arith.constant 3 : i32
    %dma_start3A_97 = arith.constant 3 : i32
    %dma_start3A_98 = arith.constant 0 : i32
    %dma_start3A_99 = arith.constant 0 : i32
    %dma_start3A_100 = tpu.memref_slice %arg8[%dma_start3A_96, %dma_start3A_98, %dma_start3A_99] : memref<6x128x64xf32, #tpu.memory_space<vmem>> -> memref<1x128x64xf32, #tpu.memory_space<vmem>>
    %dma_start3A_101 = tpu.memref_squeeze %dma_start3A_100 : memref<1x128x64xf32, #tpu.memory_space<vmem>> -> memref<128x64xf32, #tpu.memory_space<vmem>>
    %dma_start3A_102 = arith.constant 0 : i32
    %dma_start3A_103 = tpu.memref_slice %arg6[%dma_start3A_95, %dma_start3A_102] : memref<79x128xi32, #tpu.memory_space<vmem>> -> memref<1x128xi32, #tpu.memory_space<vmem>>
    %dma_start3A_104 = tpu.memref_squeeze %dma_start3A_103 : memref<1x128xi32, #tpu.memory_space<vmem>> -> memref<128xi32, #tpu.memory_space<vmem>>
    %dma_start3A_105 = arith.constant 0 : i32
    %dma_start3A_106 = arith.constant 0 : i32
    %dma_start3A_107 = tpu.memref_slice %arg4[%dma_start3A_105, %dma_start3A_106] : memref<10240x64xf32, #tpu.memory_space<hbm>> -> memref<10240x64xf32, #tpu.memory_space<hbm>>
    %dma_start3A_108 = tpu.memref_slice %arg10[%dma_start3A_97] : memref<6x!tpu.dma_semaphore, #tpu.memory_space<semaphore_mem>> -> memref<1x!tpu.dma_semaphore, #tpu.memory_space<semaphore_mem>>
    %dma_start3A_109 = tpu.memref_squeeze %dma_start3A_108 : memref<1x!tpu.dma_semaphore, #tpu.memory_space<semaphore_mem>> -> memref<!tpu.dma_semaphore, #tpu.memory_space<semaphore_mem>>
    tpu.enqueue_indirect_dma source(%dma_start3A_107 : memref<10240x64xf32, #tpu.memory_space<hbm>>) target(%dma_start3A_101 : memref<128x64xf32, #tpu.memory_space<vmem>>) offsets(%dma_start3A_104 : memref<128xi32, #tpu.memory_space<vmem>>) semaphore(%dma_start3A_109 : memref<!tpu.dma_semaphore, #tpu.memory_space<semaphore_mem>>)
    %dma_start3A_110 = arith.constant 4 : i32
    %dma_start3A_111 = arith.constant 4 : i32
    %dma_start3A_112 = arith.constant 4 : i32
    %dma_start3A_113 = arith.constant 0 : i32
    %dma_start3A_114 = arith.constant 0 : i32
    %dma_start3A_115 = tpu.memref_slice %arg8[%dma_start3A_111, %dma_start3A_113, %dma_start3A_114] : memref<6x128x64xf32, #tpu.memory_space<vmem>> -> memref<1x128x64xf32, #tpu.memory_space<vmem>>
    %dma_start3A_116 = tpu.memref_squeeze %dma_start3A_115 : memref<1x128x64xf32, #tpu.memory_space<vmem>> -> memref<128x64xf32, #tpu.memory_space<vmem>>
    %dma_start3A_117 = arith.constant 0 : i32
    %dma_start3A_118 = tpu.memref_slice %arg6[%dma_start3A_110, %dma_start3A_117] : memref<79x128xi32, #tpu.memory_space<vmem>> -> memref<1x128xi32, #tpu.memory_space<vmem>>
    %dma_start3A_119 = tpu.memref_squeeze %dma_start3A_118 : memref<1x128xi32, #tpu.memory_space<vmem>> -> memref<128xi32, #tpu.memory_space<vmem>>
    %dma_start3A_120 = arith.constant 0 : i32
    %dma_start3A_121 = arith.constant 0 : i32
    %dma_start3A_122 = tpu.memref_slice %arg4[%dma_start3A_120, %dma_start3A_121] : memref<10240x64xf32, #tpu.memory_space<hbm>> -> memref<10240x64xf32, #tpu.memory_space<hbm>>
    %dma_start3A_123 = tpu.memref_slice %arg10[%dma_start3A_112] : memref<6x!tpu.dma_semaphore, #tpu.memory_space<semaphore_mem>> -> memref<1x!tpu.dma_semaphore, #tpu.memory_space<semaphore_mem>>
    %dma_start3A_124 = tpu.memref_squeeze %dma_start3A_123 : memref<1x!tpu.dma_semaphore, #tpu.memory_space<semaphore_mem>> -> memref<!tpu.dma_semaphore, #tpu.memory_space<semaphore_mem>>
    tpu.enqueue_indirect_dma source(%dma_start3A_122 : memref<10240x64xf32, #tpu.memory_space<hbm>>) target(%dma_start3A_116 : memref<128x64xf32, #tpu.memory_space<vmem>>) offsets(%dma_start3A_119 : memref<128xi32, #tpu.memory_space<vmem>>) semaphore(%dma_start3A_124 : memref<!tpu.dma_semaphore, #tpu.memory_space<semaphore_mem>>)
    %while3A = arith.constant 0 : i32
    %while3A_125 = arith.constant 0 : i32
    %while3A_126 = arith.subi %sub3A_47, %while3A_125 : i32
    %while3A_127 = arith.addi %while3A_125, %while3A_126 : i32
    %while3A_128 = arith.constant 1 : i32
    %while3A_129 = arith.divsi %while3A_126, %while3A_128 : i32
    %while3A_130 = arith.muli %while3A_129, %while3A_128 : i32
    %while3A_131 = arith.addi %while3A_125, %while3A_130 : i32
    %while3A_132 = arith.constant 1 : i32
    scf.for %while3A_420 = %while3A_125 to %while3A_131 step %while3A_132  : i32 {
      %rem3A_421 = arith.constant 6 : i32
      %rem3A_422 = arith.remsi %while3A_420, %rem3A_421 : i32
      %dma_wait3A_423 = arith.constant 0 : i32
      %dma_wait3A_424 = arith.constant 0 : i32
      %dma_wait3A_425 = tpu.memref_slice %arg8[%rem3A_422, %dma_wait3A_423, %dma_wait3A_424] : memref<6x128x64xf32, #tpu.memory_space<vmem>> -> memref<1x128x64xf32, #tpu.memory_space<vmem>>
      %dma_wait3A_426 = tpu.memref_squeeze %dma_wait3A_425 : memref<1x128x64xf32, #tpu.memory_space<vmem>> -> memref<128x64xf32, #tpu.memory_space<vmem>>
      %dma_wait3A_427 = arith.constant 0 : i32
      %dma_wait3A_428 = tpu.memref_slice %arg6[%while3A_420, %dma_wait3A_427] : memref<79x128xi32, #tpu.memory_space<vmem>> -> memref<1x128xi32, #tpu.memory_space<vmem>>
      %dma_wait3A_429 = tpu.memref_squeeze %dma_wait3A_428 : memref<1x128xi32, #tpu.memory_space<vmem>> -> memref<128xi32, #tpu.memory_space<vmem>>
      %dma_wait3A_430 = arith.constant 0 : i32
      %dma_wait3A_431 = arith.constant 0 : i32
      %dma_wait3A_432 = tpu.memref_slice %arg4[%dma_wait3A_430, %dma_wait3A_431] : memref<10240x64xf32, #tpu.memory_space<hbm>> -> memref<10240x64xf32, #tpu.memory_space<hbm>>
      %dma_wait3A_433 = tpu.memref_slice %arg10[%rem3A_422] : memref<6x!tpu.dma_semaphore, #tpu.memory_space<semaphore_mem>> -> memref<1x!tpu.dma_semaphore, #tpu.memory_space<semaphore_mem>>
      %dma_wait3A_434 = tpu.memref_squeeze %dma_wait3A_433 : memref<1x!tpu.dma_semaphore, #tpu.memory_space<semaphore_mem>> -> memref<!tpu.dma_semaphore, #tpu.memory_space<semaphore_mem>>
      tpu.wait_indirect_dma semaphore(%dma_wait3A_434 : memref<!tpu.dma_semaphore, #tpu.memory_space<semaphore_mem>>) src(%dma_wait3A_432 : memref<10240x64xf32, #tpu.memory_space<hbm>>) dst(%dma_wait3A_426 : memref<128x64xf32, #tpu.memory_space<vmem>>)
      %dma_start3A_435 = arith.constant 0 : i32
      %dma_start3A_436 = arith.constant 0 : i32
      %dma_start3A_437 = tpu.memref_slice %arg8[%rem3A_422, %dma_start3A_435, %dma_start3A_436] : memref<6x128x64xf32, #tpu.memory_space<vmem>> -> memref<1x128x64xf32, #tpu.memory_space<vmem>>
      %dma_start3A_438 = tpu.memref_squeeze %dma_start3A_437 : memref<1x128x64xf32, #tpu.memory_space<vmem>> -> memref<128x64xf32, #tpu.memory_space<vmem>>
      %dma_start3A_439 = arith.constant 0 : i32
      %dma_start3A_440 = tpu.memref_slice %arg7[%while3A_420, %dma_start3A_439] : memref<79x128xi32, #tpu.memory_space<vmem>> -> memref<1x128xi32, #tpu.memory_space<vmem>>
      %dma_start3A_441 = tpu.memref_squeeze %dma_start3A_440 : memref<1x128xi32, #tpu.memory_space<vmem>> -> memref<128xi32, #tpu.memory_space<vmem>>
      %dma_start3A_442 = arith.constant 0 : i32
      %dma_start3A_443 = arith.constant 0 : i32
      %dma_start3A_444 = tpu.memref_slice %arg9[%dma_start3A_442, %dma_start3A_443] : memref<10240x64xf32, #tpu.memory_space<vmem_shared>> -> memref<10240x64xf32, #tpu.memory_space<vmem_shared>>
      %dma_start3A_445 = tpu.memref_slice %arg11[%rem3A_422] : memref<6x!tpu.dma_semaphore, #tpu.memory_space<semaphore_mem>> -> memref<1x!tpu.dma_semaphore, #tpu.memory_space<semaphore_mem>>
      %dma_start3A_446 = tpu.memref_squeeze %dma_start3A_445 : memref<1x!tpu.dma_semaphore, #tpu.memory_space<semaphore_mem>> -> memref<!tpu.dma_semaphore, #tpu.memory_space<semaphore_mem>>
      tpu.enqueue_indirect_dma source(%dma_start3A_438 : memref<128x64xf32, #tpu.memory_space<vmem>>) target(%dma_start3A_444 : memref<10240x64xf32, #tpu.memory_space<vmem_shared>>) offsets(%dma_start3A_441 : memref<128xi32, #tpu.memory_space<vmem>>) semaphore(%dma_start3A_446 : memref<!tpu.dma_semaphore, #tpu.memory_space<semaphore_mem>>) {add = true}
      %add3A_447 = arith.constant 6 : i32
      %add3A_448 = arith.addi %while3A_420, %add3A_447 : i32
      %sub3A_449 = arith.constant 1 : i32
      %sub3A_450 = arith.subi %add3A_448, %sub3A_449 : i32
      %lt3A_451 = arith.cmpi slt, %sub3A_450, %sub3A_47 : i32
      %convert_element_type3A = arith.extui %lt3A_451 : i1 to i32
      %cond3A = arith.constant 0 : i32
      %cond3A_452 = arith.cmpi ne, %convert_element_type3A, %cond3A : i32
      scf.if %cond3A_452 {
        %rem3A_453 = arith.constant 6 : i32
        %rem3A_454 = arith.remsi %sub3A_450, %rem3A_453 : i32
        %ge3A = arith.constant 1 : i32
        %ge3A_455 = arith.cmpi sge, %while3A_420, %ge3A : i32
        %convert_element_type3A_456 = arith.extui %ge3A_455 : i1 to i32
        %cond3A_457 = arith.constant 0 : i32
        %cond3A_458 = arith.cmpi ne, %convert_element_type3A_456, %cond3A_457 : i32
        scf.if %cond3A_458 {
          %sub3A_471 = arith.constant 1 : i32
          %sub3A_472 = arith.subi %while3A_420, %sub3A_471 : i32
          %dma_wait3A_473 = arith.constant 0 : i32
          %dma_wait3A_474 = arith.constant 0 : i32
          %dma_wait3A_475 = tpu.memref_slice %arg8[%rem3A_454, %dma_wait3A_473, %dma_wait3A_474] : memref<6x128x64xf32, #tpu.memory_space<vmem>> -> memref<1x128x64xf32, #tpu.memory_space<vmem>>
          %dma_wait3A_476 = tpu.memref_squeeze %dma_wait3A_475 : memref<1x128x64xf32, #tpu.memory_space<vmem>> -> memref<128x64xf32, #tpu.memory_space<vmem>>
          %dma_wait3A_477 = arith.constant 0 : i32
          %dma_wait3A_478 = tpu.memref_slice %arg7[%sub3A_472, %dma_wait3A_477] : memref<79x128xi32, #tpu.memory_space<vmem>> -> memref<1x128xi32, #tpu.memory_space<vmem>>
          %dma_wait3A_479 = tpu.memref_squeeze %dma_wait3A_478 : memref<1x128xi32, #tpu.memory_space<vmem>> -> memref<128xi32, #tpu.memory_space<vmem>>
          %dma_wait3A_480 = arith.constant 0 : i32
          %dma_wait3A_481 = arith.constant 0 : i32
          %dma_wait3A_482 = tpu.memref_slice %arg9[%dma_wait3A_480, %dma_wait3A_481] : memref<10240x64xf32, #tpu.memory_space<vmem_shared>> -> memref<10240x64xf32, #tpu.memory_space<vmem_shared>>
          %dma_wait3A_483 = tpu.memref_slice %arg11[%rem3A_454] : memref<6x!tpu.dma_semaphore, #tpu.memory_space<semaphore_mem>> -> memref<1x!tpu.dma_semaphore, #tpu.memory_space<semaphore_mem>>
          %dma_wait3A_484 = tpu.memref_squeeze %dma_wait3A_483 : memref<1x!tpu.dma_semaphore, #tpu.memory_space<semaphore_mem>> -> memref<!tpu.dma_semaphore, #tpu.memory_space<semaphore_mem>>
          tpu.wait_indirect_dma semaphore(%dma_wait3A_484 : memref<!tpu.dma_semaphore, #tpu.memory_space<semaphore_mem>>) src(%dma_wait3A_476 : memref<128x64xf32, #tpu.memory_space<vmem>>) dst(%dma_wait3A_482 : memref<10240x64xf32, #tpu.memory_space<vmem_shared>>)
        } else {
        }
        %dma_start3A_459 = arith.constant 0 : i32
        %dma_start3A_460 = arith.constant 0 : i32
        %dma_start3A_461 = tpu.memref_slice %arg8[%rem3A_454, %dma_start3A_459, %dma_start3A_460] : memref<6x128x64xf32, #tpu.memory_space<vmem>> -> memref<1x128x64xf32, #tpu.memory_space<vmem>>
        %dma_start3A_462 = tpu.memref_squeeze %dma_start3A_461 : memref<1x128x64xf32, #tpu.memory_space<vmem>> -> memref<128x64xf32, #tpu.memory_space<vmem>>
        %dma_start3A_463 = arith.constant 0 : i32
        %dma_start3A_464 = tpu.memref_slice %arg6[%sub3A_450, %dma_start3A_463] : memref<79x128xi32, #tpu.memory_space<vmem>> -> memref<1x128xi32, #tpu.memory_space<vmem>>
        %dma_start3A_465 = tpu.memref_squeeze %dma_start3A_464 : memref<1x128xi32, #tpu.memory_space<vmem>> -> memref<128xi32, #tpu.memory_space<vmem>>
        %dma_start3A_466 = arith.constant 0 : i32
        %dma_start3A_467 = arith.constant 0 : i32
        %dma_start3A_468 = tpu.memref_slice %arg4[%dma_start3A_466, %dma_start3A_467] : memref<10240x64xf32, #tpu.memory_space<hbm>> -> memref<10240x64xf32, #tpu.memory_space<hbm>>
        %dma_start3A_469 = tpu.memref_slice %arg10[%rem3A_454] : memref<6x!tpu.dma_semaphore, #tpu.memory_space<semaphore_mem>> -> memref<1x!tpu.dma_semaphore, #tpu.memory_space<semaphore_mem>>
        %dma_start3A_470 = tpu.memref_squeeze %dma_start3A_469 : memref<1x!tpu.dma_semaphore, #tpu.memory_space<semaphore_mem>> -> memref<!tpu.dma_semaphore, #tpu.memory_space<semaphore_mem>>
        tpu.enqueue_indirect_dma source(%dma_start3A_468 : memref<10240x64xf32, #tpu.memory_space<hbm>>) target(%dma_start3A_462 : memref<128x64xf32, #tpu.memory_space<vmem>>) offsets(%dma_start3A_465 : memref<128xi32, #tpu.memory_space<vmem>>) semaphore(%dma_start3A_470 : memref<!tpu.dma_semaphore, #tpu.memory_space<semaphore_mem>>)
      } else {
      }
    }
    %while3A_133 = arith.constant 1 : i32
    scf.for %while3A_420 = %while3A_131 to %while3A_127 step %while3A_133  : i32 {
      %rem3A_421 = arith.constant 6 : i32
      %rem3A_422 = arith.remsi %while3A_420, %rem3A_421 : i32
      %dma_wait3A_423 = arith.constant 0 : i32
      %dma_wait3A_424 = arith.constant 0 : i32
      %dma_wait3A_425 = tpu.memref_slice %arg8[%rem3A_422, %dma_wait3A_423, %dma_wait3A_424] : memref<6x128x64xf32, #tpu.memory_space<vmem>> -> memref<1x128x64xf32, #tpu.memory_space<vmem>>
      %dma_wait3A_426 = tpu.memref_squeeze %dma_wait3A_425 : memref<1x128x64xf32, #tpu.memory_space<vmem>> -> memref<128x64xf32, #tpu.memory_space<vmem>>
      %dma_wait3A_427 = arith.constant 0 : i32
      %dma_wait3A_428 = tpu.memref_slice %arg6[%while3A_420, %dma_wait3A_427] : memref<79x128xi32, #tpu.memory_space<vmem>> -> memref<1x128xi32, #tpu.memory_space<vmem>>
      %dma_wait3A_429 = tpu.memref_squeeze %dma_wait3A_428 : memref<1x128xi32, #tpu.memory_space<vmem>> -> memref<128xi32, #tpu.memory_space<vmem>>
      %dma_wait3A_430 = arith.constant 0 : i32
      %dma_wait3A_431 = arith.constant 0 : i32
      %dma_wait3A_432 = tpu.memref_slice %arg4[%dma_wait3A_430, %dma_wait3A_431] : memref<10240x64xf32, #tpu.memory_space<hbm>> -> memref<10240x64xf32, #tpu.memory_space<hbm>>
      %dma_wait3A_433 = tpu.memref_slice %arg10[%rem3A_422] : memref<6x!tpu.dma_semaphore, #tpu.memory_space<semaphore_mem>> -> memref<1x!tpu.dma_semaphore, #tpu.memory_space<semaphore_mem>>
      %dma_wait3A_434 = tpu.memref_squeeze %dma_wait3A_433 : memref<1x!tpu.dma_semaphore, #tpu.memory_space<semaphore_mem>> -> memref<!tpu.dma_semaphore, #tpu.memory_space<semaphore_mem>>
      tpu.wait_indirect_dma semaphore(%dma_wait3A_434 : memref<!tpu.dma_semaphore, #tpu.memory_space<semaphore_mem>>) src(%dma_wait3A_432 : memref<10240x64xf32, #tpu.memory_space<hbm>>) dst(%dma_wait3A_426 : memref<128x64xf32, #tpu.memory_space<vmem>>)
      %dma_start3A_435 = arith.constant 0 : i32
      %dma_start3A_436 = arith.constant 0 : i32
      %dma_start3A_437 = tpu.memref_slice %arg8[%rem3A_422, %dma_start3A_435, %dma_start3A_436] : memref<6x128x64xf32, #tpu.memory_space<vmem>> -> memref<1x128x64xf32, #tpu.memory_space<vmem>>
      %dma_start3A_438 = tpu.memref_squeeze %dma_start3A_437 : memref<1x128x64xf32, #tpu.memory_space<vmem>> -> memref<128x64xf32, #tpu.memory_space<vmem>>
      %dma_start3A_439 = arith.constant 0 : i32
      %dma_start3A_440 = tpu.memref_slice %arg7[%while3A_420, %dma_start3A_439] : memref<79x128xi32, #tpu.memory_space<vmem>> -> memref<1x128xi32, #tpu.memory_space<vmem>>
      %dma_start3A_441 = tpu.memref_squeeze %dma_start3A_440 : memref<1x128xi32, #tpu.memory_space<vmem>> -> memref<128xi32, #tpu.memory_space<vmem>>
      %dma_start3A_442 = arith.constant 0 : i32
      %dma_start3A_443 = arith.constant 0 : i32
      %dma_start3A_444 = tpu.memref_slice %arg9[%dma_start3A_442, %dma_start3A_443] : memref<10240x64xf32, #tpu.memory_space<vmem_shared>> -> memref<10240x64xf32, #tpu.memory_space<vmem_shared>>
      %dma_start3A_445 = tpu.memref_slice %arg11[%rem3A_422] : memref<6x!tpu.dma_semaphore, #tpu.memory_space<semaphore_mem>> -> memref<1x!tpu.dma_semaphore, #tpu.memory_space<semaphore_mem>>
      %dma_start3A_446 = tpu.memref_squeeze %dma_start3A_445 : memref<1x!tpu.dma_semaphore, #tpu.memory_space<semaphore_mem>> -> memref<!tpu.dma_semaphore, #tpu.memory_space<semaphore_mem>>
      tpu.enqueue_indirect_dma source(%dma_start3A_438 : memref<128x64xf32, #tpu.memory_space<vmem>>) target(%dma_start3A_444 : memref<10240x64xf32, #tpu.memory_space<vmem_shared>>) offsets(%dma_start3A_441 : memref<128xi32, #tpu.memory_space<vmem>>) semaphore(%dma_start3A_446 : memref<!tpu.dma_semaphore, #tpu.memory_space<semaphore_mem>>) {add = true}
      %add3A_447 = arith.constant 6 : i32
      %add3A_448 = arith.addi %while3A_420, %add3A_447 : i32
      %sub3A_449 = arith.constant 1 : i32
      %sub3A_450 = arith.subi %add3A_448, %sub3A_449 : i32
      %lt3A_451 = arith.cmpi slt, %sub3A_450, %sub3A_47 : i32
      %convert_element_type3A = arith.extui %lt3A_451 : i1 to i32
      %cond3A = arith.constant 0 : i32
      %cond3A_452 = arith.cmpi ne, %convert_element_type3A, %cond3A : i32
      scf.if %cond3A_452 {
        %rem3A_453 = arith.constant 6 : i32
        %rem3A_454 = arith.remsi %sub3A_450, %rem3A_453 : i32
        %ge3A = arith.constant 1 : i32
        %ge3A_455 = arith.cmpi sge, %while3A_420, %ge3A : i32
        %convert_element_type3A_456 = arith.extui %ge3A_455 : i1 to i32
        %cond3A_457 = arith.constant 0 : i32
        %cond3A_458 = arith.cmpi ne, %convert_element_type3A_456, %cond3A_457 : i32
        scf.if %cond3A_458 {
          %sub3A_471 = arith.constant 1 : i32
          %sub3A_472 = arith.subi %while3A_420, %sub3A_471 : i32
          %dma_wait3A_473 = arith.constant 0 : i32
          %dma_wait3A_474 = arith.constant 0 : i32
          %dma_wait3A_475 = tpu.memref_slice %arg8[%rem3A_454, %dma_wait3A_473, %dma_wait3A_474] : memref<6x128x64xf32, #tpu.memory_space<vmem>> -> memref<1x128x64xf32, #tpu.memory_space<vmem>>
          %dma_wait3A_476 = tpu.memref_squeeze %dma_wait3A_475 : memref<1x128x64xf32, #tpu.memory_space<vmem>> -> memref<128x64xf32, #tpu.memory_space<vmem>>
          %dma_wait3A_477 = arith.constant 0 : i32
          %dma_wait3A_478 = tpu.memref_slice %arg7[%sub3A_472, %dma_wait3A_477] : memref<79x128xi32, #tpu.memory_space<vmem>> -> memref<1x128xi32, #tpu.memory_space<vmem>>
          %dma_wait3A_479 = tpu.memref_squeeze %dma_wait3A_478 : memref<1x128xi32, #tpu.memory_space<vmem>> -> memref<128xi32, #tpu.memory_space<vmem>>
          %dma_wait3A_480 = arith.constant 0 : i32
          %dma_wait3A_481 = arith.constant 0 : i32
          %dma_wait3A_482 = tpu.memref_slice %arg9[%dma_wait3A_480, %dma_wait3A_481] : memref<10240x64xf32, #tpu.memory_space<vmem_shared>> -> memref<10240x64xf32, #tpu.memory_space<vmem_shared>>
          %dma_wait3A_483 = tpu.memref_slice %arg11[%rem3A_454] : memref<6x!tpu.dma_semaphore, #tpu.memory_space<semaphore_mem>> -> memref<1x!tpu.dma_semaphore, #tpu.memory_space<semaphore_mem>>
          %dma_wait3A_484 = tpu.memref_squeeze %dma_wait3A_483 : memref<1x!tpu.dma_semaphore, #tpu.memory_space<semaphore_mem>> -> memref<!tpu.dma_semaphore, #tpu.memory_space<semaphore_mem>>
          tpu.wait_indirect_dma semaphore(%dma_wait3A_484 : memref<!tpu.dma_semaphore, #tpu.memory_space<semaphore_mem>>) src(%dma_wait3A_476 : memref<128x64xf32, #tpu.memory_space<vmem>>) dst(%dma_wait3A_482 : memref<10240x64xf32, #tpu.memory_space<vmem_shared>>)
        } else {
        }
        %dma_start3A_459 = arith.constant 0 : i32
        %dma_start3A_460 = arith.constant 0 : i32
        %dma_start3A_461 = tpu.memref_slice %arg8[%rem3A_454, %dma_start3A_459, %dma_start3A_460] : memref<6x128x64xf32, #tpu.memory_space<vmem>> -> memref<1x128x64xf32, #tpu.memory_space<vmem>>
        %dma_start3A_462 = tpu.memref_squeeze %dma_start3A_461 : memref<1x128x64xf32, #tpu.memory_space<vmem>> -> memref<128x64xf32, #tpu.memory_space<vmem>>
        %dma_start3A_463 = arith.constant 0 : i32
        %dma_start3A_464 = tpu.memref_slice %arg6[%sub3A_450, %dma_start3A_463] : memref<79x128xi32, #tpu.memory_space<vmem>> -> memref<1x128xi32, #tpu.memory_space<vmem>>
        %dma_start3A_465 = tpu.memref_squeeze %dma_start3A_464 : memref<1x128xi32, #tpu.memory_space<vmem>> -> memref<128xi32, #tpu.memory_space<vmem>>
        %dma_start3A_466 = arith.constant 0 : i32
        %dma_start3A_467 = arith.constant 0 : i32
        %dma_start3A_468 = tpu.memref_slice %arg4[%dma_start3A_466, %dma_start3A_467] : memref<10240x64xf32, #tpu.memory_space<hbm>> -> memref<10240x64xf32, #tpu.memory_space<hbm>>
        %dma_start3A_469 = tpu.memref_slice %arg10[%rem3A_454] : memref<6x!tpu.dma_semaphore, #tpu.memory_space<semaphore_mem>> -> memref<1x!tpu.dma_semaphore, #tpu.memory_space<semaphore_mem>>
        %dma_start3A_470 = tpu.memref_squeeze %dma_start3A_469 : memref<1x!tpu.dma_semaphore, #tpu.memory_space<semaphore_mem>> -> memref<!tpu.dma_semaphore, #tpu.memory_space<semaphore_mem>>
        tpu.enqueue_indirect_dma source(%dma_start3A_468 : memref<10240x64xf32, #tpu.memory_space<hbm>>) target(%dma_start3A_462 : memref<128x64xf32, #tpu.memory_space<vmem>>) offsets(%dma_start3A_465 : memref<128xi32, #tpu.memory_space<vmem>>) semaphore(%dma_start3A_470 : memref<!tpu.dma_semaphore, #tpu.memory_space<semaphore_mem>>)
      } else {
      }
    }
    %sub3A_134 = arith.constant 6 : i32
    %sub3A_135 = arith.subi %sub3A_47, %sub3A_134 : i32
    %add3A_136 = arith.constant 0 : i32
    %add3A_137 = arith.addi %sub3A_135, %add3A_136 : i32
    %jit3A_138 = arith.constant 6 : i32
    %eq3A = arith.constant 0 : i32
    %eq3A_139 = arith.cmpi eq, %jit3A_138, %eq3A : i32
    %jit3A_140 = arith.constant 1 : i32
    %select_n3A_141 = arith.select %eq3A_139, %jit3A_140, %jit3A_138 : i32
    %rem3A_142 = arith.remsi %add3A_137, %select_n3A_141 : i32
    %ne3A_143 = arith.constant 0 : i32
    %ne3A_144 = arith.cmpi ne, %rem3A_142, %ne3A_143 : i32
    %lt3A = arith.constant 0 : i32
    %lt3A_145 = arith.cmpi slt, %rem3A_142, %lt3A : i32
    %lt3A_146 = arith.constant 0 : i32
    %lt3A_147 = arith.cmpi slt, %select_n3A_141, %lt3A_146 : i32
    %ne3A_148 = arith.xori %lt3A_145, %lt3A_147 : i1
    %and3A_149 = arith.andi %ne3A_148, %ne3A_144 : i1
    %add3A_150 = arith.addi %rem3A_142, %select_n3A_141 : i32
    %select_n3A_151 = arith.select %and3A_149, %add3A_150, %rem3A_142 : i32
    %jit3A_152 = arith.constant 6 : i32
    %eq3A_153 = arith.constant 0 : i32
    %eq3A_154 = arith.cmpi eq, %jit3A_152, %eq3A_153 : i32
    %jit3A_155 = arith.constant 1 : i32
    %select_n3A_156 = arith.select %eq3A_154, %jit3A_155, %jit3A_152 : i32
    %rem3A_157 = arith.remsi %add3A_137, %select_n3A_156 : i32
    %ne3A_158 = arith.constant 0 : i32
    %ne3A_159 = arith.cmpi ne, %rem3A_157, %ne3A_158 : i32
    %lt3A_160 = arith.constant 0 : i32
    %lt3A_161 = arith.cmpi slt, %rem3A_157, %lt3A_160 : i32
    %lt3A_162 = arith.constant 0 : i32
    %lt3A_163 = arith.cmpi slt, %select_n3A_156, %lt3A_162 : i32
    %ne3A_164 = arith.xori %lt3A_161, %lt3A_163 : i1
    %and3A_165 = arith.andi %ne3A_164, %ne3A_159 : i1
    %add3A_166 = arith.addi %rem3A_157, %select_n3A_156 : i32
    %select_n3A_167 = arith.select %and3A_165, %add3A_166, %rem3A_157 : i32
    %dma_wait3A = arith.constant 0 : i32
    %dma_wait3A_168 = arith.constant 0 : i32
    %dma_wait3A_169 = tpu.memref_slice %arg8[%select_n3A_151, %dma_wait3A, %dma_wait3A_168] : memref<6x128x64xf32, #tpu.memory_space<vmem>> -> memref<1x128x64xf32, #tpu.memory_space<vmem>>
    %dma_wait3A_170 = tpu.memref_squeeze %dma_wait3A_169 : memref<1x128x64xf32, #tpu.memory_space<vmem>> -> memref<128x64xf32, #tpu.memory_space<vmem>>
    %dma_wait3A_171 = arith.constant 0 : i32
    %dma_wait3A_172 = tpu.memref_slice %arg7[%add3A_137, %dma_wait3A_171] : memref<79x128xi32, #tpu.memory_space<vmem>> -> memref<1x128xi32, #tpu.memory_space<vmem>>
    %dma_wait3A_173 = tpu.memref_squeeze %dma_wait3A_172 : memref<1x128xi32, #tpu.memory_space<vmem>> -> memref<128xi32, #tpu.memory_space<vmem>>
    %dma_wait3A_174 = arith.constant 0 : i32
    %dma_wait3A_175 = arith.constant 0 : i32
    %dma_wait3A_176 = tpu.memref_slice %arg9[%dma_wait3A_174, %dma_wait3A_175] : memref<10240x64xf32, #tpu.memory_space<vmem_shared>> -> memref<10240x64xf32, #tpu.memory_space<vmem_shared>>
    %dma_wait3A_177 = tpu.memref_slice %arg11[%select_n3A_167] : memref<6x!tpu.dma_semaphore, #tpu.memory_space<semaphore_mem>> -> memref<1x!tpu.dma_semaphore, #tpu.memory_space<semaphore_mem>>
    %dma_wait3A_178 = tpu.memref_squeeze %dma_wait3A_177 : memref<1x!tpu.dma_semaphore, #tpu.memory_space<semaphore_mem>> -> memref<!tpu.dma_semaphore, #tpu.memory_space<semaphore_mem>>
    tpu.wait_indirect_dma semaphore(%dma_wait3A_178 : memref<!tpu.dma_semaphore, #tpu.memory_space<semaphore_mem>>) src(%dma_wait3A_170 : memref<128x64xf32, #tpu.memory_space<vmem>>) dst(%dma_wait3A_176 : memref<10240x64xf32, #tpu.memory_space<vmem_shared>>)
    %sub3A_179 = arith.constant 6 : i32
    %sub3A_180 = arith.subi %sub3A_47, %sub3A_179 : i32
    %add3A_181 = arith.constant 1 : i32
    %add3A_182 = arith.addi %sub3A_180, %add3A_181 : i32
    %jit3A_183 = arith.constant 6 : i32
    %eq3A_184 = arith.constant 0 : i32
    %eq3A_185 = arith.cmpi eq, %jit3A_183, %eq3A_184 : i32
    %jit3A_186 = arith.constant 1 : i32
    %select_n3A_187 = arith.select %eq3A_185, %jit3A_186, %jit3A_183 : i32
    %rem3A_188 = arith.remsi %add3A_182, %select_n3A_187 : i32
    %ne3A_189 = arith.constant 0 : i32
    %ne3A_190 = arith.cmpi ne, %rem3A_188, %ne3A_189 : i32
    %lt3A_191 = arith.constant 0 : i32
    %lt3A_192 = arith.cmpi slt, %rem3A_188, %lt3A_191 : i32
    %lt3A_193 = arith.constant 0 : i32
    %lt3A_194 = arith.cmpi slt, %select_n3A_187, %lt3A_193 : i32
    %ne3A_195 = arith.xori %lt3A_192, %lt3A_194 : i1
    %and3A_196 = arith.andi %ne3A_195, %ne3A_190 : i1
    %add3A_197 = arith.addi %rem3A_188, %select_n3A_187 : i32
    %select_n3A_198 = arith.select %and3A_196, %add3A_197, %rem3A_188 : i32
    %jit3A_199 = arith.constant 6 : i32
    %eq3A_200 = arith.constant 0 : i32
    %eq3A_201 = arith.cmpi eq, %jit3A_199, %eq3A_200 : i32
    %jit3A_202 = arith.constant 1 : i32
    %select_n3A_203 = arith.select %eq3A_201, %jit3A_202, %jit3A_199 : i32
    %rem3A_204 = arith.remsi %add3A_182, %select_n3A_203 : i32
    %ne3A_205 = arith.constant 0 : i32
    %ne3A_206 = arith.cmpi ne, %rem3A_204, %ne3A_205 : i32
    %lt3A_207 = arith.constant 0 : i32
    %lt3A_208 = arith.cmpi slt, %rem3A_204, %lt3A_207 : i32
    %lt3A_209 = arith.constant 0 : i32
    %lt3A_210 = arith.cmpi slt, %select_n3A_203, %lt3A_209 : i32
    %ne3A_211 = arith.xori %lt3A_208, %lt3A_210 : i1
    %and3A_212 = arith.andi %ne3A_211, %ne3A_206 : i1
    %add3A_213 = arith.addi %rem3A_204, %select_n3A_203 : i32
    %select_n3A_214 = arith.select %and3A_212, %add3A_213, %rem3A_204 : i32
    %dma_wait3A_215 = arith.constant 0 : i32
    %dma_wait3A_216 = arith.constant 0 : i32
    %dma_wait3A_217 = tpu.memref_slice %arg8[%select_n3A_198, %dma_wait3A_215, %dma_wait3A_216] : memref<6x128x64xf32, #tpu.memory_space<vmem>> -> memref<1x128x64xf32, #tpu.memory_space<vmem>>
    %dma_wait3A_218 = tpu.memref_squeeze %dma_wait3A_217 : memref<1x128x64xf32, #tpu.memory_space<vmem>> -> memref<128x64xf32, #tpu.memory_space<vmem>>
    %dma_wait3A_219 = arith.constant 0 : i32
    %dma_wait3A_220 = tpu.memref_slice %arg7[%add3A_182, %dma_wait3A_219] : memref<79x128xi32, #tpu.memory_space<vmem>> -> memref<1x128xi32, #tpu.memory_space<vmem>>
    %dma_wait3A_221 = tpu.memref_squeeze %dma_wait3A_220 : memref<1x128xi32, #tpu.memory_space<vmem>> -> memref<128xi32, #tpu.memory_space<vmem>>
    %dma_wait3A_222 = arith.constant 0 : i32
    %dma_wait3A_223 = arith.constant 0 : i32
    %dma_wait3A_224 = tpu.memref_slice %arg9[%dma_wait3A_222, %dma_wait3A_223] : memref<10240x64xf32, #tpu.memory_space<vmem_shared>> -> memref<10240x64xf32, #tpu.memory_space<vmem_shared>>
    %dma_wait3A_225 = tpu.memref_slice %arg11[%select_n3A_214] : memref<6x!tpu.dma_semaphore, #tpu.memory_space<semaphore_mem>> -> memref<1x!tpu.dma_semaphore, #tpu.memory_space<semaphore_mem>>
    %dma_wait3A_226 = tpu.memref_squeeze %dma_wait3A_225 : memref<1x!tpu.dma_semaphore, #tpu.memory_space<semaphore_mem>> -> memref<!tpu.dma_semaphore, #tpu.memory_space<semaphore_mem>>
    tpu.wait_indirect_dma semaphore(%dma_wait3A_226 : memref<!tpu.dma_semaphore, #tpu.memory_space<semaphore_mem>>) src(%dma_wait3A_218 : memref<128x64xf32, #tpu.memory_space<vmem>>) dst(%dma_wait3A_224 : memref<10240x64xf32, #tpu.memory_space<vmem_shared>>)
    %sub3A_227 = arith.constant 6 : i32
    %sub3A_228 = arith.subi %sub3A_47, %sub3A_227 : i32
    %add3A_229 = arith.constant 2 : i32
    %add3A_230 = arith.addi %sub3A_228, %add3A_229 : i32
    %jit3A_231 = arith.constant 6 : i32
    %eq3A_232 = arith.constant 0 : i32
    %eq3A_233 = arith.cmpi eq, %jit3A_231, %eq3A_232 : i32
    %jit3A_234 = arith.constant 1 : i32
    %select_n3A_235 = arith.select %eq3A_233, %jit3A_234, %jit3A_231 : i32
    %rem3A_236 = arith.remsi %add3A_230, %select_n3A_235 : i32
    %ne3A_237 = arith.constant 0 : i32
    %ne3A_238 = arith.cmpi ne, %rem3A_236, %ne3A_237 : i32
    %lt3A_239 = arith.constant 0 : i32
    %lt3A_240 = arith.cmpi slt, %rem3A_236, %lt3A_239 : i32
    %lt3A_241 = arith.constant 0 : i32
    %lt3A_242 = arith.cmpi slt, %select_n3A_235, %lt3A_241 : i32
    %ne3A_243 = arith.xori %lt3A_240, %lt3A_242 : i1
    %and3A_244 = arith.andi %ne3A_243, %ne3A_238 : i1
    %add3A_245 = arith.addi %rem3A_236, %select_n3A_235 : i32
    %select_n3A_246 = arith.select %and3A_244, %add3A_245, %rem3A_236 : i32
    %jit3A_247 = arith.constant 6 : i32
    %eq3A_248 = arith.constant 0 : i32
    %eq3A_249 = arith.cmpi eq, %jit3A_247, %eq3A_248 : i32
    %jit3A_250 = arith.constant 1 : i32
    %select_n3A_251 = arith.select %eq3A_249, %jit3A_250, %jit3A_247 : i32
    %rem3A_252 = arith.remsi %add3A_230, %select_n3A_251 : i32
    %ne3A_253 = arith.constant 0 : i32
    %ne3A_254 = arith.cmpi ne, %rem3A_252, %ne3A_253 : i32
    %lt3A_255 = arith.constant 0 : i32
    %lt3A_256 = arith.cmpi slt, %rem3A_252, %lt3A_255 : i32
    %lt3A_257 = arith.constant 0 : i32
    %lt3A_258 = arith.cmpi slt, %select_n3A_251, %lt3A_257 : i32
    %ne3A_259 = arith.xori %lt3A_256, %lt3A_258 : i1
    %and3A_260 = arith.andi %ne3A_259, %ne3A_254 : i1
    %add3A_261 = arith.addi %rem3A_252, %select_n3A_251 : i32
    %select_n3A_262 = arith.select %and3A_260, %add3A_261, %rem3A_252 : i32
    %dma_wait3A_263 = arith.constant 0 : i32
    %dma_wait3A_264 = arith.constant 0 : i32
    %dma_wait3A_265 = tpu.memref_slice %arg8[%select_n3A_246, %dma_wait3A_263, %dma_wait3A_264] : memref<6x128x64xf32, #tpu.memory_space<vmem>> -> memref<1x128x64xf32, #tpu.memory_space<vmem>>
    %dma_wait3A_266 = tpu.memref_squeeze %dma_wait3A_265 : memref<1x128x64xf32, #tpu.memory_space<vmem>> -> memref<128x64xf32, #tpu.memory_space<vmem>>
    %dma_wait3A_267 = arith.constant 0 : i32
    %dma_wait3A_268 = tpu.memref_slice %arg7[%add3A_230, %dma_wait3A_267] : memref<79x128xi32, #tpu.memory_space<vmem>> -> memref<1x128xi32, #tpu.memory_space<vmem>>
    %dma_wait3A_269 = tpu.memref_squeeze %dma_wait3A_268 : memref<1x128xi32, #tpu.memory_space<vmem>> -> memref<128xi32, #tpu.memory_space<vmem>>
    %dma_wait3A_270 = arith.constant 0 : i32
    %dma_wait3A_271 = arith.constant 0 : i32
    %dma_wait3A_272 = tpu.memref_slice %arg9[%dma_wait3A_270, %dma_wait3A_271] : memref<10240x64xf32, #tpu.memory_space<vmem_shared>> -> memref<10240x64xf32, #tpu.memory_space<vmem_shared>>
    %dma_wait3A_273 = tpu.memref_slice %arg11[%select_n3A_262] : memref<6x!tpu.dma_semaphore, #tpu.memory_space<semaphore_mem>> -> memref<1x!tpu.dma_semaphore, #tpu.memory_space<semaphore_mem>>
    %dma_wait3A_274 = tpu.memref_squeeze %dma_wait3A_273 : memref<1x!tpu.dma_semaphore, #tpu.memory_space<semaphore_mem>> -> memref<!tpu.dma_semaphore, #tpu.memory_space<semaphore_mem>>
    tpu.wait_indirect_dma semaphore(%dma_wait3A_274 : memref<!tpu.dma_semaphore, #tpu.memory_space<semaphore_mem>>) src(%dma_wait3A_266 : memref<128x64xf32, #tpu.memory_space<vmem>>) dst(%dma_wait3A_272 : memref<10240x64xf32, #tpu.memory_space<vmem_shared>>)
    %sub3A_275 = arith.constant 6 : i32
    %sub3A_276 = arith.subi %sub3A_47, %sub3A_275 : i32
    %add3A_277 = arith.constant 3 : i32
    %add3A_278 = arith.addi %sub3A_276, %add3A_277 : i32
    %jit3A_279 = arith.constant 6 : i32
    %eq3A_280 = arith.constant 0 : i32
    %eq3A_281 = arith.cmpi eq, %jit3A_279, %eq3A_280 : i32
    %jit3A_282 = arith.constant 1 : i32
    %select_n3A_283 = arith.select %eq3A_281, %jit3A_282, %jit3A_279 : i32
    %rem3A_284 = arith.remsi %add3A_278, %select_n3A_283 : i32
    %ne3A_285 = arith.constant 0 : i32
    %ne3A_286 = arith.cmpi ne, %rem3A_284, %ne3A_285 : i32
    %lt3A_287 = arith.constant 0 : i32
    %lt3A_288 = arith.cmpi slt, %rem3A_284, %lt3A_287 : i32
    %lt3A_289 = arith.constant 0 : i32
    %lt3A_290 = arith.cmpi slt, %select_n3A_283, %lt3A_289 : i32
    %ne3A_291 = arith.xori %lt3A_288, %lt3A_290 : i1
    %and3A_292 = arith.andi %ne3A_291, %ne3A_286 : i1
    %add3A_293 = arith.addi %rem3A_284, %select_n3A_283 : i32
    %select_n3A_294 = arith.select %and3A_292, %add3A_293, %rem3A_284 : i32
    %jit3A_295 = arith.constant 6 : i32
    %eq3A_296 = arith.constant 0 : i32
    %eq3A_297 = arith.cmpi eq, %jit3A_295, %eq3A_296 : i32
    %jit3A_298 = arith.constant 1 : i32
    %select_n3A_299 = arith.select %eq3A_297, %jit3A_298, %jit3A_295 : i32
    %rem3A_300 = arith.remsi %add3A_278, %select_n3A_299 : i32
    %ne3A_301 = arith.constant 0 : i32
    %ne3A_302 = arith.cmpi ne, %rem3A_300, %ne3A_301 : i32
    %lt3A_303 = arith.constant 0 : i32
    %lt3A_304 = arith.cmpi slt, %rem3A_300, %lt3A_303 : i32
    %lt3A_305 = arith.constant 0 : i32
    %lt3A_306 = arith.cmpi slt, %select_n3A_299, %lt3A_305 : i32
    %ne3A_307 = arith.xori %lt3A_304, %lt3A_306 : i1
    %and3A_308 = arith.andi %ne3A_307, %ne3A_302 : i1
    %add3A_309 = arith.addi %rem3A_300, %select_n3A_299 : i32
    %select_n3A_310 = arith.select %and3A_308, %add3A_309, %rem3A_300 : i32
    %dma_wait3A_311 = arith.constant 0 : i32
    %dma_wait3A_312 = arith.constant 0 : i32
    %dma_wait3A_313 = tpu.memref_slice %arg8[%select_n3A_294, %dma_wait3A_311, %dma_wait3A_312] : memref<6x128x64xf32, #tpu.memory_space<vmem>> -> memref<1x128x64xf32, #tpu.memory_space<vmem>>
    %dma_wait3A_314 = tpu.memref_squeeze %dma_wait3A_313 : memref<1x128x64xf32, #tpu.memory_space<vmem>> -> memref<128x64xf32, #tpu.memory_space<vmem>>
    %dma_wait3A_315 = arith.constant 0 : i32
    %dma_wait3A_316 = tpu.memref_slice %arg7[%add3A_278, %dma_wait3A_315] : memref<79x128xi32, #tpu.memory_space<vmem>> -> memref<1x128xi32, #tpu.memory_space<vmem>>
    %dma_wait3A_317 = tpu.memref_squeeze %dma_wait3A_316 : memref<1x128xi32, #tpu.memory_space<vmem>> -> memref<128xi32, #tpu.memory_space<vmem>>
    %dma_wait3A_318 = arith.constant 0 : i32
    %dma_wait3A_319 = arith.constant 0 : i32
    %dma_wait3A_320 = tpu.memref_slice %arg9[%dma_wait3A_318, %dma_wait3A_319] : memref<10240x64xf32, #tpu.memory_space<vmem_shared>> -> memref<10240x64xf32, #tpu.memory_space<vmem_shared>>
    %dma_wait3A_321 = tpu.memref_slice %arg11[%select_n3A_310] : memref<6x!tpu.dma_semaphore, #tpu.memory_space<semaphore_mem>> -> memref<1x!tpu.dma_semaphore, #tpu.memory_space<semaphore_mem>>
    %dma_wait3A_322 = tpu.memref_squeeze %dma_wait3A_321 : memref<1x!tpu.dma_semaphore, #tpu.memory_space<semaphore_mem>> -> memref<!tpu.dma_semaphore, #tpu.memory_space<semaphore_mem>>
    tpu.wait_indirect_dma semaphore(%dma_wait3A_322 : memref<!tpu.dma_semaphore, #tpu.memory_space<semaphore_mem>>) src(%dma_wait3A_314 : memref<128x64xf32, #tpu.memory_space<vmem>>) dst(%dma_wait3A_320 : memref<10240x64xf32, #tpu.memory_space<vmem_shared>>)
    %sub3A_323 = arith.constant 6 : i32
    %sub3A_324 = arith.subi %sub3A_47, %sub3A_323 : i32
    %add3A_325 = arith.constant 4 : i32
    %add3A_326 = arith.addi %sub3A_324, %add3A_325 : i32
    %jit3A_327 = arith.constant 6 : i32
    %eq3A_328 = arith.constant 0 : i32
    %eq3A_329 = arith.cmpi eq, %jit3A_327, %eq3A_328 : i32
    %jit3A_330 = arith.constant 1 : i32
    %select_n3A_331 = arith.select %eq3A_329, %jit3A_330, %jit3A_327 : i32
    %rem3A_332 = arith.remsi %add3A_326, %select_n3A_331 : i32
    %ne3A_333 = arith.constant 0 : i32
    %ne3A_334 = arith.cmpi ne, %rem3A_332, %ne3A_333 : i32
    %lt3A_335 = arith.constant 0 : i32
    %lt3A_336 = arith.cmpi slt, %rem3A_332, %lt3A_335 : i32
    %lt3A_337 = arith.constant 0 : i32
    %lt3A_338 = arith.cmpi slt, %select_n3A_331, %lt3A_337 : i32
    %ne3A_339 = arith.xori %lt3A_336, %lt3A_338 : i1
    %and3A_340 = arith.andi %ne3A_339, %ne3A_334 : i1
    %add3A_341 = arith.addi %rem3A_332, %select_n3A_331 : i32
    %select_n3A_342 = arith.select %and3A_340, %add3A_341, %rem3A_332 : i32
    %jit3A_343 = arith.constant 6 : i32
    %eq3A_344 = arith.constant 0 : i32
    %eq3A_345 = arith.cmpi eq, %jit3A_343, %eq3A_344 : i32
    %jit3A_346 = arith.constant 1 : i32
    %select_n3A_347 = arith.select %eq3A_345, %jit3A_346, %jit3A_343 : i32
    %rem3A_348 = arith.remsi %add3A_326, %select_n3A_347 : i32
    %ne3A_349 = arith.constant 0 : i32
    %ne3A_350 = arith.cmpi ne, %rem3A_348, %ne3A_349 : i32
    %lt3A_351 = arith.constant 0 : i32
    %lt3A_352 = arith.cmpi slt, %rem3A_348, %lt3A_351 : i32
    %lt3A_353 = arith.constant 0 : i32
    %lt3A_354 = arith.cmpi slt, %select_n3A_347, %lt3A_353 : i32
    %ne3A_355 = arith.xori %lt3A_352, %lt3A_354 : i1
    %and3A_356 = arith.andi %ne3A_355, %ne3A_350 : i1
    %add3A_357 = arith.addi %rem3A_348, %select_n3A_347 : i32
    %select_n3A_358 = arith.select %and3A_356, %add3A_357, %rem3A_348 : i32
    %dma_wait3A_359 = arith.constant 0 : i32
    %dma_wait3A_360 = arith.constant 0 : i32
    %dma_wait3A_361 = tpu.memref_slice %arg8[%select_n3A_342, %dma_wait3A_359, %dma_wait3A_360] : memref<6x128x64xf32, #tpu.memory_space<vmem>> -> memref<1x128x64xf32, #tpu.memory_space<vmem>>
    %dma_wait3A_362 = tpu.memref_squeeze %dma_wait3A_361 : memref<1x128x64xf32, #tpu.memory_space<vmem>> -> memref<128x64xf32, #tpu.memory_space<vmem>>
    %dma_wait3A_363 = arith.constant 0 : i32
    %dma_wait3A_364 = tpu.memref_slice %arg7[%add3A_326, %dma_wait3A_363] : memref<79x128xi32, #tpu.memory_space<vmem>> -> memref<1x128xi32, #tpu.memory_space<vmem>>
    %dma_wait3A_365 = tpu.memref_squeeze %dma_wait3A_364 : memref<1x128xi32, #tpu.memory_space<vmem>> -> memref<128xi32, #tpu.memory_space<vmem>>
    %dma_wait3A_366 = arith.constant 0 : i32
    %dma_wait3A_367 = arith.constant 0 : i32
    %dma_wait3A_368 = tpu.memref_slice %arg9[%dma_wait3A_366, %dma_wait3A_367] : memref<10240x64xf32, #tpu.memory_space<vmem_shared>> -> memref<10240x64xf32, #tpu.memory_space<vmem_shared>>
    %dma_wait3A_369 = tpu.memref_slice %arg11[%select_n3A_358] : memref<6x!tpu.dma_semaphore, #tpu.memory_space<semaphore_mem>> -> memref<1x!tpu.dma_semaphore, #tpu.memory_space<semaphore_mem>>
    %dma_wait3A_370 = tpu.memref_squeeze %dma_wait3A_369 : memref<1x!tpu.dma_semaphore, #tpu.memory_space<semaphore_mem>> -> memref<!tpu.dma_semaphore, #tpu.memory_space<semaphore_mem>>
    tpu.wait_indirect_dma semaphore(%dma_wait3A_370 : memref<!tpu.dma_semaphore, #tpu.memory_space<semaphore_mem>>) src(%dma_wait3A_362 : memref<128x64xf32, #tpu.memory_space<vmem>>) dst(%dma_wait3A_368 : memref<10240x64xf32, #tpu.memory_space<vmem_shared>>)
    %sub3A_371 = arith.constant 6 : i32
    %sub3A_372 = arith.subi %sub3A_47, %sub3A_371 : i32
    %add3A_373 = arith.constant 5 : i32
    %add3A_374 = arith.addi %sub3A_372, %add3A_373 : i32
    %jit3A_375 = arith.constant 6 : i32
    %eq3A_376 = arith.constant 0 : i32
    %eq3A_377 = arith.cmpi eq, %jit3A_375, %eq3A_376 : i32
    %jit3A_378 = arith.constant 1 : i32
    %select_n3A_379 = arith.select %eq3A_377, %jit3A_378, %jit3A_375 : i32
    %rem3A_380 = arith.remsi %add3A_374, %select_n3A_379 : i32
    %ne3A_381 = arith.constant 0 : i32
    %ne3A_382 = arith.cmpi ne, %rem3A_380, %ne3A_381 : i32
    %lt3A_383 = arith.constant 0 : i32
    %lt3A_384 = arith.cmpi slt, %rem3A_380, %lt3A_383 : i32
    %lt3A_385 = arith.constant 0 : i32
    %lt3A_386 = arith.cmpi slt, %select_n3A_379, %lt3A_385 : i32
    %ne3A_387 = arith.xori %lt3A_384, %lt3A_386 : i1
    %and3A_388 = arith.andi %ne3A_387, %ne3A_382 : i1
    %add3A_389 = arith.addi %rem3A_380, %select_n3A_379 : i32
    %select_n3A_390 = arith.select %and3A_388, %add3A_389, %rem3A_380 : i32
    %jit3A_391 = arith.constant 6 : i32
    %eq3A_392 = arith.constant 0 : i32
    %eq3A_393 = arith.cmpi eq, %jit3A_391, %eq3A_392 : i32
    %jit3A_394 = arith.constant 1 : i32
    %select_n3A_395 = arith.select %eq3A_393, %jit3A_394, %jit3A_391 : i32
    %rem3A_396 = arith.remsi %add3A_374, %select_n3A_395 : i32
    %ne3A_397 = arith.constant 0 : i32
    %ne3A_398 = arith.cmpi ne, %rem3A_396, %ne3A_397 : i32
    %lt3A_399 = arith.constant 0 : i32
    %lt3A_400 = arith.cmpi slt, %rem3A_396, %lt3A_399 : i32
    %lt3A_401 = arith.constant 0 : i32
    %lt3A_402 = arith.cmpi slt, %select_n3A_395, %lt3A_401 : i32
    %ne3A_403 = arith.xori %lt3A_400, %lt3A_402 : i1
    %and3A_404 = arith.andi %ne3A_403, %ne3A_398 : i1
    %add3A_405 = arith.addi %rem3A_396, %select_n3A_395 : i32
    %select_n3A_406 = arith.select %and3A_404, %add3A_405, %rem3A_396 : i32
    %dma_wait3A_407 = arith.constant 0 : i32
    %dma_wait3A_408 = arith.constant 0 : i32
    %dma_wait3A_409 = tpu.memref_slice %arg8[%select_n3A_390, %dma_wait3A_407, %dma_wait3A_408] : memref<6x128x64xf32, #tpu.memory_space<vmem>> -> memref<1x128x64xf32, #tpu.memory_space<vmem>>
    %dma_wait3A_410 = tpu.memref_squeeze %dma_wait3A_409 : memref<1x128x64xf32, #tpu.memory_space<vmem>> -> memref<128x64xf32, #tpu.memory_space<vmem>>
    %dma_wait3A_411 = arith.constant 0 : i32
    %dma_wait3A_412 = tpu.memref_slice %arg7[%add3A_374, %dma_wait3A_411] : memref<79x128xi32, #tpu.memory_space<vmem>> -> memref<1x128xi32, #tpu.memory_space<vmem>>
    %dma_wait3A_413 = tpu.memref_squeeze %dma_wait3A_412 : memref<1x128xi32, #tpu.memory_space<vmem>> -> memref<128xi32, #tpu.memory_space<vmem>>
    %dma_wait3A_414 = arith.constant 0 : i32
    %dma_wait3A_415 = arith.constant 0 : i32
    %dma_wait3A_416 = tpu.memref_slice %arg9[%dma_wait3A_414, %dma_wait3A_415] : memref<10240x64xf32, #tpu.memory_space<vmem_shared>> -> memref<10240x64xf32, #tpu.memory_space<vmem_shared>>
    %dma_wait3A_417 = tpu.memref_slice %arg11[%select_n3A_406] : memref<6x!tpu.dma_semaphore, #tpu.memory_space<semaphore_mem>> -> memref<1x!tpu.dma_semaphore, #tpu.memory_space<semaphore_mem>>
    %dma_wait3A_418 = tpu.memref_squeeze %dma_wait3A_417 : memref<1x!tpu.dma_semaphore, #tpu.memory_space<semaphore_mem>> -> memref<!tpu.dma_semaphore, #tpu.memory_space<semaphore_mem>>
    tpu.wait_indirect_dma semaphore(%dma_wait3A_418 : memref<!tpu.dma_semaphore, #tpu.memory_space<semaphore_mem>>) src(%dma_wait3A_410 : memref<128x64xf32, #tpu.memory_space<vmem>>) dst(%dma_wait3A_416 : memref<10240x64xf32, #tpu.memory_space<vmem_shared>>)
    %barrier3A_419 = arith.constant 0 : index
    tpu.barrier barrier_id(%barrier3A_419)
    "tpu.region"() ({
      %run_scoped3A_420 = tpu.sem_alloc : memref<!tpu.dma_semaphore, #tpu.memory_space<semaphore_mem>>
      %dma_start3A_421 = arith.constant 0 : i32
      %dma_start3A_422 = tpu.memref_slice %arg5[%arg0, %mul3A_49, %dma_start3A_421] : memref<2x10240x64xf32, #tpu.memory_space<hbm>> -> memref<1x640x64xf32, #tpu.memory_space<hbm>>
      %dma_start3A_423 = tpu.memref_squeeze %dma_start3A_422 : memref<1x640x64xf32, #tpu.memory_space<hbm>> -> memref<640x64xf32, #tpu.memory_space<hbm>>
      %dma_start3A_424 = arith.constant 0 : i32
      %dma_start3A_425 = tpu.memref_slice %arg9[%mul3A_49, %dma_start3A_424] : memref<10240x64xf32, #tpu.memory_space<vmem_shared>> -> memref<640x64xf32, #tpu.memory_space<vmem_shared>>
      tpu.enqueue_dma source(%dma_start3A_425 : memref<640x64xf32, #tpu.memory_space<vmem_shared>>) target(%dma_start3A_423 : memref<640x64xf32, #tpu.memory_space<hbm>>) target_semaphore(%run_scoped3A_420 : memref<!tpu.dma_semaphore, #tpu.memory_space<semaphore_mem>>)
      %dma_wait3A_426 = arith.constant 0 : i32
      %dma_wait3A_427 = tpu.memref_slice %arg5[%arg0, %mul3A_49, %dma_wait3A_426] : memref<2x10240x64xf32, #tpu.memory_space<hbm>> -> memref<1x640x64xf32, #tpu.memory_space<hbm>>
      %dma_wait3A_428 = tpu.memref_squeeze %dma_wait3A_427 : memref<1x640x64xf32, #tpu.memory_space<hbm>> -> memref<640x64xf32, #tpu.memory_space<hbm>>
      %dma_wait3A_429 = arith.constant 0 : i32
      %dma_wait3A_430 = tpu.memref_slice %arg9[%mul3A_49, %dma_wait3A_429] : memref<10240x64xf32, #tpu.memory_space<vmem_shared>> -> memref<640x64xf32, #tpu.memory_space<vmem_shared>>
      tpu.wait_dma2 semaphore(%run_scoped3A_420 : memref<!tpu.dma_semaphore, #tpu.memory_space<semaphore_mem>>) src(%dma_wait3A_430 : memref<640x64xf32, #tpu.memory_space<vmem_shared>>) dst(%dma_wait3A_428 : memref<640x64xf32, #tpu.memory_space<hbm>>)
      tpu.yield
    }) : () -> ()
    return
  }
}

module attributes {stable_mosaic.version = 14 : i64} {
  func.func @_tc1a_body(%arg0: i32, %arg1: memref<5120x128xf32, #tpu.memory_space<vmem>>, %arg2: memref<128x64xf32, #tpu.memory_space<vmem>>, %arg3: memref<5120x64xf32, #tpu.memory_space<vmem>>) attributes {dimension_semantics = [#tpu.dimension_semantics<arbitrary>], iteration_bounds = array<i64: 2>, scalar_prefetch = 0 : i64, scratch_operands = 0 : i64, tpu.core_type = #tpu.core_type<tc>, window_params = [{transform_indices = @transform_0, window_bounds = array<i64: 5120, 128>}, {pipeline_mode = #tpu.pipeline_mode<synchronous>, transform_indices = @transform_1, window_bounds = array<i64: 128, 64>}, {transform_indices = @transform_2, window_bounds = array<i64: 5120, 64>}]} {
    %get3A = arith.constant 0 : index
    %get3A_0 = arith.constant 0 : index
    %get3A_1 = vector.load %arg1[%get3A, %get3A_0] : memref<5120x128xf32, #tpu.memory_space<vmem>>, vector<5120x128xf32>
    %get3A_2 = arith.constant 0 : index
    %get3A_3 = arith.constant 0 : index
    %get3A_4 = vector.load %arg2[%get3A_2, %get3A_3] : memref<128x64xf32, #tpu.memory_space<vmem>>, vector<128x64xf32>
    %dot_general3A = arith.constant dense<0.000000e+00> : vector<5120x64xf32>
    %dot_general3A_5 = tpu.matmul %get3A_1, %get3A_4, %dot_general3A {dimension_numbers = #tpu.dot_dimension_numbers<[1], [0], [0], [1], [0, 0, 1, 1], [], []>, transpose_lhs_hint = false} : vector<5120x128xf32>, vector<128x64xf32>, vector<5120x64xf32> -> vector<5120x64xf32>
    %swap3A = arith.constant 0 : index
    %swap3A_6 = arith.constant 0 : index
    %swap3A_7 = vector.load %arg3[%swap3A, %swap3A_6] : memref<5120x64xf32, #tpu.memory_space<vmem>>, vector<5120x64xf32>
    tpu.vector_store %arg3[%swap3A, %swap3A_6], %dot_general3A_5 {strides = array<i32>} : memref<5120x64xf32, #tpu.memory_space<vmem>>, vector<5120x64xf32>,
    return
  }
  func.func @transform_0(%arg0: i32) -> (i32, i32) {
    %c0_i32 = arith.constant 0 : i32
    %c0_i32_0 = arith.constant 0 : i32
    return %arg0, %c0_i32 : i32, i32
  }
  func.func @transform_1(%arg0: i32) -> (i32, i32) {
    %c0_i32 = arith.constant 0 : i32
    %c0_i32_0 = arith.constant 0 : i32
    %c0_i32_1 = arith.constant 0 : i32
    return %c0_i32, %c0_i32_0 : i32, i32
  }
  func.func @transform_2(%arg0: i32) -> (i32, i32) {
    %c0_i32 = arith.constant 0 : i32
    %c0_i32_0 = arith.constant 0 : i32
    return %arg0, %c0_i32 : i32, i32
  }
}

module attributes {stable_mosaic.version = 14 : i64} {
  func.func @_tc1b_body(%arg0: i32, %arg1: memref<5120x2xf32, #tpu.memory_space<vmem>>, %arg2: memref<5120x64xf32, #tpu.memory_space<vmem>>, %arg3: memref<5120x64xf32, #tpu.memory_space<vmem>>) attributes {dimension_semantics = [#tpu.dimension_semantics<arbitrary>], iteration_bounds = array<i64: 2>, scalar_prefetch = 0 : i64, scratch_operands = 0 : i64, tpu.core_type = #tpu.core_type<tc>, window_params = [{transform_indices = @transform_0, window_bounds = array<i64: 5120, 2>}, {transform_indices = @transform_1, window_bounds = array<i64: 5120, 64>}, {transform_indices = @transform_2, window_bounds = array<i64: 5120, 64>}]} {
    %get3A = arith.constant 0 : index
    %get3A_0 = arith.constant 0 : index
    %get3A_1 = vector.load %arg2[%get3A, %get3A_0] : memref<5120x64xf32, #tpu.memory_space<vmem>>, vector<5120x64xf32>
    %get3A_2 = arith.constant 0 : index
    %get3A_3 = arith.constant 0 : index
    %get3A_4 = vector.load %arg1[%get3A_2, %get3A_3] : memref<5120x2xf32, #tpu.memory_space<vmem>>, vector<5120x1xf32>
    %get3A_5 = arith.constant 0 : index
    %get3A_6 = arith.constant 1 : index
    %get3A_7 = vector.load %arg1[%get3A_5, %get3A_6] : memref<5120x2xf32, #tpu.memory_space<vmem>>, vector<5120x1xf32>
    %add3A = arith.addf %get3A_4, %get3A_7 : vector<5120x1xf32>
    %add3A_8 = arith.constant 1.000000e+00 : f32
    %add3A_9 = vector.broadcast %add3A_8 : f32 to vector<5120x1xf32>
    %add3A_10 = arith.addf %add3A, %add3A_9 : vector<5120x1xf32>
    %rsqrt3A = math.rsqrt %add3A_10 : vector<5120x1xf32>
    %mul3A = vector.broadcast %rsqrt3A : vector<5120x1xf32> to vector<5120x64xf32>
    %mul3A_11 = arith.mulf %get3A_1, %mul3A : vector<5120x64xf32>
    %swap3A = arith.constant 0 : index
    %swap3A_12 = arith.constant 0 : index
    %swap3A_13 = vector.load %arg3[%swap3A, %swap3A_12] : memref<5120x64xf32, #tpu.memory_space<vmem>>, vector<5120x64xf32>
    tpu.vector_store %arg3[%swap3A, %swap3A_12], %mul3A_11 {strides = array<i32>} : memref<5120x64xf32, #tpu.memory_space<vmem>>, vector<5120x64xf32>,
    return
  }
  func.func @transform_0(%arg0: i32) -> (i32, i32) {
    %c0_i32 = arith.constant 0 : i32
    %c0_i32_0 = arith.constant 0 : i32
    return %arg0, %c0_i32 : i32, i32
  }
  func.func @transform_1(%arg0: i32) -> (i32, i32) {
    %c0_i32 = arith.constant 0 : i32
    %c0_i32_0 = arith.constant 0 : i32
    return %arg0, %c0_i32 : i32, i32
  }
  func.func @transform_2(%arg0: i32) -> (i32, i32) {
    %c0_i32 = arith.constant 0 : i32
    %c0_i32_0 = arith.constant 0 : i32
    return %arg0, %c0_i32 : i32, i32
  }
}

module attributes {stable_mosaic.version = 14 : i64} {
  func.func @_tc2_body(%arg0: i32, %arg1: memref<2x5120x64xf32, #tpu.memory_space<vmem>>, %arg2: memref<5120x64xf32, #tpu.memory_space<vmem>>, %arg3: memref<5120x2xf32, #tpu.memory_space<vmem>>, %arg4: memref<1x64xf32, #tpu.memory_space<vmem>>, %arg5: memref<64x64xf32, #tpu.memory_space<vmem>>, %arg6: memref<5120x64xf32, #tpu.memory_space<vmem>>) attributes {dimension_semantics = [#tpu.dimension_semantics<arbitrary>], iteration_bounds = array<i64: 2>, scalar_prefetch = 0 : i64, scratch_operands = 0 : i64, tpu.core_type = #tpu.core_type<tc>, window_params = [{transform_indices = @transform_0, window_bounds = array<i64: 2, 5120, 64>}, {transform_indices = @transform_1, window_bounds = array<i64: 5120, 64>}, {transform_indices = @transform_2, window_bounds = array<i64: 5120, 2>}, {pipeline_mode = #tpu.pipeline_mode<synchronous>, transform_indices = @transform_3, window_bounds = array<i64: 1, 64>}, {pipeline_mode = #tpu.pipeline_mode<synchronous>, transform_indices = @transform_4, window_bounds = array<i64: 64, 64>}, {transform_indices = @transform_5, window_bounds = array<i64: 5120, 64>}]} {
    %get3A = arith.constant 0 : index
    %get3A_0 = arith.constant 0 : index
    %get3A_1 = vector.load %arg3[%get3A, %get3A_0] : memref<5120x2xf32, #tpu.memory_space<vmem>>, vector<5120x1xf32>
    %get3A_2 = arith.constant 0 : index
    %get3A_3 = arith.constant 1 : index
    %get3A_4 = vector.load %arg3[%get3A_2, %get3A_3] : memref<5120x2xf32, #tpu.memory_space<vmem>>, vector<5120x1xf32>
    %add3A = arith.addf %get3A_1, %get3A_4 : vector<5120x1xf32>
    %add3A_5 = arith.constant 1.000000e+00 : f32
    %add3A_6 = vector.broadcast %add3A_5 : f32 to vector<5120x1xf32>
    %add3A_7 = arith.addf %add3A, %add3A_6 : vector<5120x1xf32>
    %rsqrt3A = math.rsqrt %add3A_7 : vector<5120x1xf32>
    %get3A_8 = arith.constant 0 : index
    %get3A_9 = arith.constant 0 : index
    %get3A_10 = arith.constant 0 : index
    %get3A_11 = vector.load %arg1[%get3A_8, %get3A_9, %get3A_10] : memref<2x5120x64xf32, #tpu.memory_space<vmem>>, vector<1x5120x64xf32>
    %get3A_12 = vector.shape_cast %get3A_11 : vector<1x5120x64xf32> to vector<5120x64xf32>
    %get3A_13 = arith.constant 1 : index
    %get3A_14 = arith.constant 0 : index
    %get3A_15 = arith.constant 0 : index
    %get3A_16 = vector.load %arg1[%get3A_13, %get3A_14, %get3A_15] : memref<2x5120x64xf32, #tpu.memory_space<vmem>>, vector<1x5120x64xf32>
    %get3A_17 = vector.shape_cast %get3A_16 : vector<1x5120x64xf32> to vector<5120x64xf32>
    %add3A_18 = arith.addf %get3A_12, %get3A_17 : vector<5120x64xf32>
    %get3A_19 = arith.constant 0 : index
    %get3A_20 = arith.constant 0 : index
    %get3A_21 = vector.load %arg2[%get3A_19, %get3A_20] : memref<5120x64xf32, #tpu.memory_space<vmem>>, vector<5120x64xf32>
    %add3A_22 = arith.addf %add3A_18, %get3A_21 : vector<5120x64xf32>
    %mul3A = vector.broadcast %rsqrt3A : vector<5120x1xf32> to vector<5120x64xf32>
    %mul3A_23 = arith.mulf %add3A_22, %mul3A : vector<5120x64xf32>
    %get3A_24 = arith.constant 0 : index
    %get3A_25 = arith.constant 0 : index
    %get3A_26 = vector.load %arg4[%get3A_24, %get3A_25] : memref<1x64xf32, #tpu.memory_space<vmem>>, vector<1x64xf32>
    %add3A_27 = vector.broadcast %get3A_26 : vector<1x64xf32> to vector<5120x64xf32>
    %add3A_28 = arith.addf %mul3A_23, %add3A_27 : vector<5120x64xf32>
    %max3A = arith.constant 0.000000e+00 : f32
    %max3A_29 = vector.broadcast %max3A : f32 to vector<5120x64xf32>
    %max3A_30 = arith.maximumf %add3A_28, %max3A_29 : vector<5120x64xf32>
    %get3A_31 = arith.constant 0 : index
    %get3A_32 = arith.constant 0 : index
    %get3A_33 = vector.load %arg5[%get3A_31, %get3A_32] : memref<64x64xf32, #tpu.memory_space<vmem>>, vector<64x64xf32>
    %dot_general3A = arith.constant dense<0.000000e+00> : vector<5120x64xf32>
    %dot_general3A_34 = tpu.matmul %max3A_30, %get3A_33, %dot_general3A {dimension_numbers = #tpu.dot_dimension_numbers<[1], [0], [0], [1], [0, 0, 1, 1], [], []>, transpose_lhs_hint = false} : vector<5120x64xf32>, vector<64x64xf32>, vector<5120x64xf32> -> vector<5120x64xf32>
    %mul3A_35 = vector.broadcast %rsqrt3A : vector<5120x1xf32> to vector<5120x64xf32>
    %mul3A_36 = arith.mulf %dot_general3A_34, %mul3A_35 : vector<5120x64xf32>
    %swap3A = arith.constant 0 : index
    %swap3A_37 = arith.constant 0 : index
    %swap3A_38 = vector.load %arg6[%swap3A, %swap3A_37] : memref<5120x64xf32, #tpu.memory_space<vmem>>, vector<5120x64xf32>
    tpu.vector_store %arg6[%swap3A, %swap3A_37], %mul3A_36 {strides = array<i32>} : memref<5120x64xf32, #tpu.memory_space<vmem>>, vector<5120x64xf32>,
    return
  }
  func.func @transform_0(%arg0: i32) -> (i32, i32, i32) {
    %c0_i32 = arith.constant 0 : i32
    %c0_i32_0 = arith.constant 0 : i32
    %c0_i32_1 = arith.constant 0 : i32
    return %c0_i32, %arg0, %c0_i32_0 : i32, i32, i32
  }
  func.func @transform_1(%arg0: i32) -> (i32, i32) {
    %c0_i32 = arith.constant 0 : i32
    %c0_i32_0 = arith.constant 0 : i32
    return %arg0, %c0_i32 : i32, i32
  }
  func.func @transform_2(%arg0: i32) -> (i32, i32) {
    %c0_i32 = arith.constant 0 : i32
    %c0_i32_0 = arith.constant 0 : i32
    return %arg0, %c0_i32 : i32, i32
  }
  func.func @transform_3(%arg0: i32) -> (i32, i32) {
    %c0_i32 = arith.constant 0 : i32
    %c0_i32_0 = arith.constant 0 : i32
    %c0_i32_1 = arith.constant 0 : i32
    return %c0_i32, %c0_i32_0 : i32, i32
  }
  func.func @transform_4(%arg0: i32) -> (i32, i32) {
    %c0_i32 = arith.constant 0 : i32
    %c0_i32_0 = arith.constant 0 : i32
    %c0_i32_1 = arith.constant 0 : i32
    return %c0_i32, %c0_i32_0 : i32, i32
  }
  func.func @transform_5(%arg0: i32) -> (i32, i32) {
    %c0_i32 = arith.constant 0 : i32
    %c0_i32_0 = arith.constant 0 : i32
    return %arg0, %c0_i32 : i32, i32
  }
}

module attributes {stable_mosaic.version = 14 : i64} {
  func.func @_tc3_body(%arg0: i32, %arg1: memref<2x5120x64xf32, #tpu.memory_space<vmem>>, %arg2: memref<5120x64xf32, #tpu.memory_space<vmem>>, %arg3: memref<5120x2xf32, #tpu.memory_space<vmem>>, %arg4: memref<1x64xf32, #tpu.memory_space<vmem>>, %arg5: memref<64x16xf32, #tpu.memory_space<vmem>>, %arg6: memref<1x16xf32, #tpu.memory_space<vmem>>, %arg7: memref<5120x16xi32, #tpu.memory_space<vmem>>, %arg8: memref<5120x16xf32, #tpu.memory_space<vmem>>) attributes {dimension_semantics = [#tpu.dimension_semantics<arbitrary>], iteration_bounds = array<i64: 2>, scalar_prefetch = 0 : i64, scratch_operands = 0 : i64, tpu.core_type = #tpu.core_type<tc>, window_params = [{transform_indices = @transform_0, window_bounds = array<i64: 2, 5120, 64>}, {transform_indices = @transform_1, window_bounds = array<i64: 5120, 64>}, {transform_indices = @transform_2, window_bounds = array<i64: 5120, 2>}, {pipeline_mode = #tpu.pipeline_mode<synchronous>, transform_indices = @transform_3, window_bounds = array<i64: 1, 64>}, {pipeline_mode = #tpu.pipeline_mode<synchronous>, transform_indices = @transform_4, window_bounds = array<i64: 64, 16>}, {pipeline_mode = #tpu.pipeline_mode<synchronous>, transform_indices = @transform_5, window_bounds = array<i64: 1, 16>}, {transform_indices = @transform_6, window_bounds = array<i64: 5120, 16>}, {transform_indices = @transform_7, window_bounds = array<i64: 5120, 16>}]} {
    %get3A = arith.constant 0 : index
    %get3A_0 = arith.constant 0 : index
    %get3A_1 = arith.constant 0 : index
    %get3A_2 = vector.load %arg1[%get3A, %get3A_0, %get3A_1] : memref<2x5120x64xf32, #tpu.memory_space<vmem>>, vector<1x5120x64xf32>
    %get3A_3 = vector.shape_cast %get3A_2 : vector<1x5120x64xf32> to vector<5120x64xf32>
    %get3A_4 = arith.constant 1 : index
    %get3A_5 = arith.constant 0 : index
    %get3A_6 = arith.constant 0 : index
    %get3A_7 = vector.load %arg1[%get3A_4, %get3A_5, %get3A_6] : memref<2x5120x64xf32, #tpu.memory_space<vmem>>, vector<1x5120x64xf32>
    %get3A_8 = vector.shape_cast %get3A_7 : vector<1x5120x64xf32> to vector<5120x64xf32>
    %add3A = arith.addf %get3A_3, %get3A_8 : vector<5120x64xf32>
    %get3A_9 = arith.constant 0 : index
    %get3A_10 = arith.constant 0 : index
    %get3A_11 = vector.load %arg2[%get3A_9, %get3A_10] : memref<5120x64xf32, #tpu.memory_space<vmem>>, vector<5120x64xf32>
    %add3A_12 = arith.addf %add3A, %get3A_11 : vector<5120x64xf32>
    %get3A_13 = arith.constant 0 : index
    %get3A_14 = arith.constant 0 : index
    %get3A_15 = vector.load %arg3[%get3A_13, %get3A_14] : memref<5120x2xf32, #tpu.memory_space<vmem>>, vector<5120x1xf32>
    %get3A_16 = arith.constant 0 : index
    %get3A_17 = arith.constant 1 : index
    %get3A_18 = vector.load %arg3[%get3A_16, %get3A_17] : memref<5120x2xf32, #tpu.memory_space<vmem>>, vector<5120x1xf32>
    %add3A_19 = arith.addf %get3A_15, %get3A_18 : vector<5120x1xf32>
    %add3A_20 = arith.constant 1.000000e+00 : f32
    %add3A_21 = vector.broadcast %add3A_20 : f32 to vector<5120x1xf32>
    %add3A_22 = arith.addf %add3A_19, %add3A_21 : vector<5120x1xf32>
    %rsqrt3A = math.rsqrt %add3A_22 : vector<5120x1xf32>
    %mul3A = vector.broadcast %rsqrt3A : vector<5120x1xf32> to vector<5120x64xf32>
    %mul3A_23 = arith.mulf %add3A_12, %mul3A : vector<5120x64xf32>
    %get3A_24 = arith.constant 0 : index
    %get3A_25 = arith.constant 0 : index
    %get3A_26 = vector.load %arg4[%get3A_24, %get3A_25] : memref<1x64xf32, #tpu.memory_space<vmem>>, vector<1x64xf32>
    %add3A_27 = vector.broadcast %get3A_26 : vector<1x64xf32> to vector<5120x64xf32>
    %add3A_28 = arith.addf %mul3A_23, %add3A_27 : vector<5120x64xf32>
    %max3A = arith.constant 0.000000e+00 : f32
    %max3A_29 = vector.broadcast %max3A : f32 to vector<5120x64xf32>
    %max3A_30 = arith.maximumf %add3A_28, %max3A_29 : vector<5120x64xf32>
    %get3A_31 = arith.constant 0 : index
    %get3A_32 = arith.constant 0 : index
    %get3A_33 = vector.load %arg5[%get3A_31, %get3A_32] : memref<64x16xf32, #tpu.memory_space<vmem>>, vector<64x16xf32>
    %dot_general3A = arith.constant dense<0.000000e+00> : vector<5120x16xf32>
    %dot_general3A_34 = tpu.matmul %max3A_30, %get3A_33, %dot_general3A {dimension_numbers = #tpu.dot_dimension_numbers<[1], [0], [0], [1], [0, 0, 1, 1], [], []>, transpose_lhs_hint = false} : vector<5120x64xf32>, vector<64x16xf32>, vector<5120x16xf32> -> vector<5120x16xf32>
    %get3A_35 = arith.constant 0 : index
    %get3A_36 = arith.constant 0 : index
    %get3A_37 = vector.load %arg6[%get3A_35, %get3A_36] : memref<1x16xf32, #tpu.memory_space<vmem>>, vector<1x16xf32>
    %add3A_38 = vector.broadcast %get3A_37 : vector<1x16xf32> to vector<5120x16xf32>
    %add3A_39 = arith.addf %dot_general3A_34, %add3A_38 : vector<5120x16xf32>
    %get3A_40 = arith.constant 0 : index
    %get3A_41 = arith.constant 0 : index
    %get3A_42 = vector.load %arg7[%get3A_40, %get3A_41] : memref<5120x16xi32, #tpu.memory_space<vmem>>, vector<5120x16xi32>
    %gt3A = arith.constant 0 : i32
    %gt3A_43 = vector.broadcast %gt3A : i32 to vector<5120x16xi32>
    %gt3A_44 = arith.cmpi sgt, %get3A_42, %gt3A_43 : vector<5120x16xi32>
    %jit3A = arith.constant -3.40282347E+38 : f32
    %broadcast_in_dim3A = vector.broadcast %jit3A : f32 to vector<5120x16xf32>
    %select_n3A = arith.select %gt3A_44, %add3A_39, %broadcast_in_dim3A : vector<5120x16xi1>, vector<5120x16xf32>
    %swap3A = arith.constant 0 : index
    %swap3A_45 = arith.constant 0 : index
    %swap3A_46 = vector.load %arg8[%swap3A, %swap3A_45] : memref<5120x16xf32, #tpu.memory_space<vmem>>, vector<5120x16xf32>
    tpu.vector_store %arg8[%swap3A, %swap3A_45], %select_n3A {strides = array<i32>} : memref<5120x16xf32, #tpu.memory_space<vmem>>, vector<5120x16xf32>,
    return
  }
  func.func @transform_0(%arg0: i32) -> (i32, i32, i32) {
    %c0_i32 = arith.constant 0 : i32
    %c0_i32_0 = arith.constant 0 : i32
    %c0_i32_1 = arith.constant 0 : i32
    return %c0_i32, %arg0, %c0_i32_0 : i32, i32, i32
  }
  func.func @transform_1(%arg0: i32) -> (i32, i32) {
    %c0_i32 = arith.constant 0 : i32
    %c0_i32_0 = arith.constant 0 : i32
    return %arg0, %c0_i32 : i32, i32
  }
  func.func @transform_2(%arg0: i32) -> (i32, i32) {
    %c0_i32 = arith.constant 0 : i32
    %c0_i32_0 = arith.constant 0 : i32
    return %arg0, %c0_i32 : i32, i32
  }
  func.func @transform_3(%arg0: i32) -> (i32, i32) {
    %c0_i32 = arith.constant 0 : i32
    %c0_i32_0 = arith.constant 0 : i32
    %c0_i32_1 = arith.constant 0 : i32
    return %c0_i32, %c0_i32_0 : i32, i32
  }
  func.func @transform_4(%arg0: i32) -> (i32, i32) {
    %c0_i32 = arith.constant 0 : i32
    %c0_i32_0 = arith.constant 0 : i32
    %c0_i32_1 = arith.constant 0 : i32
    return %c0_i32, %c0_i32_0 : i32, i32
  }
  func.func @transform_5(%arg0: i32) -> (i32, i32) {
    %c0_i32 = arith.constant 0 : i32
    %c0_i32_0 = arith.constant 0 : i32
    %c0_i32_1 = arith.constant 0 : i32
    return %c0_i32, %c0_i32_0 : i32, i32
  }
  func.func @transform_6(%arg0: i32) -> (i32, i32) {
    %c0_i32 = arith.constant 0 : i32
    %c0_i32_0 = arith.constant 0 : i32
    return %arg0, %c0_i32 : i32, i32
  }
  func.func @transform_7(%arg0: i32) -> (i32, i32) {
    %c0_i32 = arith.constant 0 : i32
    %c0_i32_0 = arith.constant 0 : i32
    return %arg0, %c0_i32 : i32, i32
  }
}

</mosaic_0001>

<sc_bundles>
// kernel: kernel.12.cloned.1.call-start
scs
__scs_entry_jumppad:
0x0: {  	(pc) =	sbr.rel $0x88, $3  }
0x1: {  	(tag) =	ssettag $0x0;
	lr =	simm.s32 $0x1  }
0x2: {  	[smem:$0x3F98] =	sst lr;
	_ =	strace $0xD0000000  }
0x3: {  	_ = 	snop  }
0x4: {  	_ = 	snop  }
0x5: {  	_ = 	snop  }
0x6: {  	_ = 	snop  }
0x7: {  	_ = 	snop  }
__scs_overlays_trampoline_lowered:
0x8: {  	[smem:$0x3FA7] =	sst s0  }
0x9: {  	[smem:$0x3FA8] =	sst s1  }
0xa: {  	[smem:$0x3FA9] =	sst s2  }
0xb: {  	[smem:$0x3FAA] =	sst s3  }
0xc: {  	[smem:$0x3FAB] =	sst s4  }
0xd: {  	[smem:$0x3FAC] =	sst s5  }
0xe: {  	[smem:$0x3FAD] =	sst s6  }
0xf: {  	[smem:$0x3FAE] =	sst s7  }
0x10: {  	[smem:$0x3FAF] =	sst s8  }
0x11: {  	[smem:$0x3FB0] =	sst s9;
	s0 =	simm.s32 @!p0 $0x0  }
0x12: {  	s1 =	sld [smem:$0x3F96];
	s0 =	simm.s32 @p0 $0x1  }
0x13: {  	[smem:$0x3FB1] =	sst s0;
	s0 =	simm.s32 @!p1 $0x0  }
0x14: {  	s2 =	sld [smem:$0x3F95];
	s0 =	simm.s32 @p1 $0x1  }
0x15: {  	[smem:$0x3FB2] =	sst s0;
	s0 =	simm.s32 @!p2 $0x0  }
0x16: {  	s3 =	sld [smem:$0x3FDB];
	s0 =	simm.s32 @p2 $0x1  }
0x17: {  	s4 =	simm.s32 $0x1BF5;
	[smem:$0x3FB4] =	sst s0  }
0x18: {  	s0 =	sld [smem:$0x3F97];
	_ =	swait.ge [sflag:s4], $0x0  }
0x19: {  	s7 =	sld [smem:$0x3F98]  }
0x1a: {  	s8 =	sadd.s32 $0xFFFFE003, lr  }
0x1b: {  	s9 =	sadd.s32 $0xFFFFFEF7, lr;
	s5 =	simm.s32 $0xFFFFFFFF;
	p2 =	slt.u32 s8, $0xFFFFF086  }
0x1c: {  	p1 =	slt.u32 s9, $0xF7A;
	s5 =	simm.s32 @!p2 $0x0  }
0x1d: {  	s5 =	simm.s32 @p1 $0x1;
	p0 =	seq.s32 s7, s2  }
0x1e: {  	s7 =	smul.u32 @!p0 $0xF7A, s2;
	p2 =	seq.s32 @!p0 s5, $0x0  }
0x1f: {  	s9 =	smul.u32 $0xF7A, s1;
	s8 =	simm.s32 @!p0 $0x1BF5;
	p2 =	por !p2, p0  }
0x20: {  	[sflag:s8] =	ssyncset.s32 @!p0 $0xFFFFF086;
	s6 =	sadd.s32 @!p0 s3, s7;
	s7 =	simm.s32 @!p0 $0x108  }
0x21: {  	s3 =	sadd.s32 s3, s9;
	s6 =	sadd.s32 @!p0 $0x88, s6;
	s7 =	simm.s32 @p2 $0x1082  }
0x22: {  	[simem:s7], [sflag:s8] =	dma.local @!p0 [hbm:s6], $0xF7A  }
0x23: {  	s9 =	sor.u32 $0xD0000000, s2;
	s6 =	simm.s32 $0x108;
	_ =	swait.ge @!p0 [sflag:s8], $0x0  }
0x24: {  	s3 =	sadd.s32 $0x88, s3;
	s6 =	simm.s32 @!p1 $0x1082;
	[sflag:s4] =	ssyncset.s32 $0xFFFFF086  }
0x25: {  	[simem:s6], [sflag:s4] =	dma.local [hbm:s3], $0xF7A  }
0x26: {  	[smem:$0x3F98] =	sst s1;
	(tag) =	ssettag s2;
	_ =	strace s9  }
0x27: {  	s1 =	sld [smem:$0x3FA8]  }
0x28: {  	s2 =	sld [smem:$0x3FA9]  }
0x29: {  	s4 =	sld [smem:$0x3FAB]  }
0x2a: {  	p0 =	seq.s32 s5, $0x0;
	s5 =	sld [smem:$0x3FAC]  }
0x2b: {  	s6 =	sld [smem:$0x3FAD]  }
0x2c: {  	s7 =	sld [smem:$0x3FAE]  }
0x2d: {  	s3 =	simm.s32 $0x108;
	s8 =	sld [smem:$0x3FAF]  }
0x2e: {  	s3 =	simm.s32 @!p0 $0x1082;
	s9 =	sld [smem:$0x3FB0]  }
0x2f: {  	lr =	sadd.s32 s0, s3;
	s0 =	sld [smem:$0x3FA7]  }
0x30: {  	s3 =	sld [smem:$0x3FAA]  }
0x31: {  	[smem:$0x3FB3] =	sst s10  }
0x32: {  	s10 =	sld [smem:$0x3FB1];
	_ =	sdelay $0x3  }
0x33: {  	p0 =	seq.s32 s10, $0x1;
	s10 =	sld [smem:$0x3FB3];
	_ =	sdelay $0x3  }
0x34: {  	[smem:$0x3FB3] =	sst s10  }
0x35: {  	s10 =	sld [smem:$0x3FB2];
	_ =	sdelay $0x3  }
0x36: {  	p1 =	seq.s32 s10, $0x1;
	s10 =	sld [smem:$0x3FB3];
	_ =	sdelay $0x3  }
0x37: {  	[smem:$0x3FB3] =	sst s10  }
0x38: {  	s10 =	sld [smem:$0x3FB4]  }
0x39: {  	_ = 	snop;
	(pc) =	sbr.ind lr, $3  }
0x3a: {  	_ = 	snop  }
0x3b: {  	_ = 	snop  }
0x3c: {  	p2 =	seq.s32 s10, $0x1;
	s10 =	sld [smem:$0x3FB3]  }
0x3d: {  	_ =	shalt  }
0x3e: {  	_ =	shalt  }
0x3f: {  	_ =	shalt  }
0x40: {  	_ =	shalt  }
0x41: {  	_ =	shalt  }
0x42: {  	_ =	shalt  }
0x43: {  	_ =	shalt  }
0x44: {  	_ =	shalt  }
0x45: {  	_ =	shalt  }
0x46: {  	_ =	shalt  }
0x47: {  	_ =	shalt  }
0x48: {  	_ =	shalt  }
0x49: {  	_ =	shalt  }
0x4a: {  	_ =	shalt  }
0x4b: {  	_ =	shalt  }
0x4c: {  	_ =	shalt  }
0x4d: {  	_ =	shalt  }
0x4e: {  	_ =	shalt  }
0x4f: {  	_ =	shalt  }
0x50: {  	_ =	shalt  }
0x51: {  	_ =	shalt  }
0x52: {  	_ =	shalt  }
0x53: {  	_ =	shalt  }
0x54: {  	_ =	shalt  }
0x55: {  	_ =	shalt  }
0x56: {  	_ =	shalt  }
0x57: {  	_ =	shalt  }
0x58: {  	_ =	shalt  }
0x59: {  	_ =	shalt  }
0x5a: {  	_ =	shalt  }
0x5b: {  	_ =	shalt  }
0x5c: {  	_ =	shalt  }
0x5d: {  	_ =	shalt  }
0x5e: {  	_ =	shalt  }
0x5f: {  	_ =	shalt  }
0x60: {  	_ =	shalt  }
0x61: {  	_ =	shalt  }
0x62: {  	_ =	shalt  }
0x63: {  	_ =	shalt  }
0x64: {  	_ =	shalt  }
0x65: {  	_ =	shalt  }
0x66: {  	_ =	shalt  }
0x67: {  	_ =	shalt  }
0x68: {  	_ =	shalt  }
0x69: {  	_ =	shalt  }
0x6a: {  	_ =	shalt  }
0x6b: {  	_ =	shalt  }
0x6c: {  	_ =	shalt  }
0x6d: {  	_ =	shalt  }
0x6e: {  	_ =	shalt  }
0x6f: {  	_ =	shalt  }
0x70: {  	_ =	shalt  }
0x71: {  	_ =	shalt  }
0x72: {  	_ =	shalt  }
0x73: {  	_ =	shalt  }
0x74: {  	_ =	shalt  }
0x75: {  	_ =	shalt  }
0x76: {  	_ =	shalt  }
0x77: {  	_ =	shalt  }
0x78: {  	_ =	shalt  }
0x79: {  	_ =	shalt  }
0x7a: {  	_ =	shalt  }
0x7b: {  	_ =	shalt  }
0x7c: {  	_ =	shalt  }
0x7d: {  	_ =	shalt  }
0x7e: {  	_ =	shalt  }
0x7f: {  	_ =	shalt  }
0x80: {  	_ =	shalt  }
0x81: {  	_ =	shalt  }
0x82: {  	_ =	shalt  }
0x83: {  	_ =	shalt  }
0x84: {  	_ =	shalt  }
0x85: {  	_ =	shalt  }
0x86: {  	_ =	shalt  }
0x87: {  	_ =	shalt  }
.Lfunc_end0:
.L_simem_size_0:
called_computation.1_lowered:
.L_overlay_start_0:
0x88: {  	s2 =	sld [smem:$0x3FD9]  }
0x89: {  	s3 =	sld [smem:$0x3FFE];
	_ =	sdelay $0x1  }
0x8a: {  	s1 =	srdreg.scid  }
0x8b: {  	s0 =	sand.u32 $0x1, s1  }
0x8c: {  	s17 =	sshll.u32 s0, $0xA;
	s2 =	sadd.s32 s3, s2  }
0x8d: {  	s2 =	sadd.s32 s2, s17  }
0x8e: {  	[smem:$0x3FBF] =	sst s2  }
0x8f: {  	_ = 	snop  }
0x90: {  	s2 =	sld [smem:$0x3FD0];
	(tm) =	ssettm $0x1  }
0x91: {  	s18 =	sld [smem:$0x3FFB];
	_ =	sdelay $0x3  }
0x92: {  	_ =	strace s18  }
0x93: {  	s3 =	sld [smem:$0x3FFC];
	_ =	sdelay $0x3  }
0x94: {  	_ =	strace s3  }
0x95: {  	s3 =	sld [smem:$0x3FFD];
	_ =	sdelay $0x3  }
0x96: {  	_ =	strace s3  }
0x97: {  	_ =	strace $0x8FFFFFFF  }
0x98: {  	s19 =	sld [smem:$0x3FDB];
	_ =	sdelay $0x1  }
0x99: {  	s4 =	simm.s32 $_scs_section_size  }
0x9a: {  	s5 =	simm.s32 $_size__tile_overlayer_lowered;
	s6 =	simm.s32 $_tile_overlayer_lowered  }
0x9b: {  	s22 =	simm.s32 $0x1BFF;
	s21 =	sshll.u32 s6, $0x1;
	s3 =	sadd.s32 s4, s19  }
0x9c: {  	s7 =	simm.s32 $0x0;
	s20 =	sshll.u32 s5, $0x1;
	s5 =	sadd.s32 s21, s3  }
0x9d: {  	[timem:s7], [sflag:s22] =	dma.local [hbm:s5], s20  }
0x9e: {  	_ =	swait.ge [sflag:s22], s20  }
0x9f: {  	s4 =	ssub.s32 $0x0, s20;
	[sflag:s22] =	ssyncset.done $0x0  }
0xa0: {  	[sflag:s22] =	ssyncadd.s32 s4;
	_ =	sdelay $0x1  }
0xa1: {  	s23 =	simm.s32 $0x1B8B  }
0xa2: {  	_ =	swait.ge [sflag:s23], $0x1  }
0xa3: {  	[sflag:s23] =	ssyncset.done $0x0  }
0xa4: {  	s25 =	simm.s32 $0x1B8E;
	s24 =	sld [smem:$0x3FFE];
	[sflag:s23] =	ssyncadd.s32 $0xFFFFFFFF  }
0xa5: {  	s26 =	simm.s32 $execute0_lowered;
	[smem:$0x3FD2] =	sst s25  }
0xa6: {  	s5 =	sshll.u32 s26, $0x1;
	_ =	strace $0x80000049;
	[dreg:$0x1] =	wrdreg $0xFFFFFFFF  }
0xa7: {  	s28 =	simm.s32 $_size_execute0_lowered;
	s3 =	sadd.s32 s3, s5;
	[dreg:$0x0] =	wrdreg $0x0  }
0xa8: {  	s5 =	sshll.u32 s28, $0x1;
	[dreg:$0x2] =	wrdreg s3  }
0xa9: {  	[dreg:$0x3] =	wrdreg s5  }
0xaa: {  	[dreg:$0x4] =	wrdreg $0xC0  }
0xab: {  	_ =	task [dreg:s7], $0x5FFFF  }
0xac: {  	[dreg:$0x1] =	wrdreg $0xFFFFFFFF  }
0xad: {  	[dreg:$0x0] =	wrdreg $0x60  }
0xae: {  	[dreg:$0x2] =	wrdreg s24  }
0xaf: {  	[dreg:$0x3] =	wrdreg s2  }
0xb0: {  	[dreg:$0x4] =	wrdreg $0x10F000  }
0xb1: {  	[dreg:$0x5] =	wrdreg $0x9  }
0xb2: {  	_ =	task.clear_ibuf [dreg:s7], $0x6FFFF;
	_ =	strace $0x90000049  }
0xb3: {  	s29 =	simm.s32 $0x9;
	_ =	strace $0x8000004B  }
0xb4: {  	_ =	swait.ge [sflag:s29], $0x1  }
0xb5: {  	[sflag:s29] =	ssyncadd.s32 $0xFFFFFFFF  }
0xb6: {  	_ =	strace $0x9000004B  }
0xb7: {  	_ =	sfence  }
0xb8: {  	s30 =	sld [smem:$0x0];
	_ =	sdelay $0x2  }
0xb9: {  	s31 =	sshll.u32 s1, $0xD;
	s1 =	sshrl.u32 s1, $0x2  }
0xba: {  	s3 =	sand.u32 $0x4000, s31;
	s1 =	sadd.s32 s1, s30  }
0xbb: {  	s0 =	sor.u32 s3, s0;
	s1 =	sshll.u32 s1, $0x11  }
0xbc: {  	s0 =	sor.u32 s1, s0  }
0xbd: {  	s0 =	sadd.s32 $0x8F2B, s0  }
0xbe: {  	[sflag:s0] =	ssyncadd.remote.s32 $0x1  }
0xbf: {  	_ =	sfence.sel $0xFFFF  }
0xc0: {  	[dreg:$0x0] =	wrdreg $0xFFFFFFFF;
	(pc) =	sbr.abs _section_cstart, $3  }
0xc1: {  	[dreg:$0x1] =	wrdreg $0xFFFFFFFF  }
0xc2: {  	_ =	task.clear_ibuf [dreg:s7], $0x2FFFF;
	_ =	strace $0x9FFFFFFF  }
0xc3: {  	(tm) =	ssettm $0x7FFFFFFF  }
tec
execute0_lowered:
.L_overlay_start_1:
0x0: {  	(tag) =	ssettag $0x1  }
0x1: {  	s0 =	srdreg.scid  }
0x2: {  	s1 =	rddreg [dreg:$0x0];
	s4 =	stileid.u32  }
0x3: {  	s3 =	rddreg [dreg:$0x2];
	s21 =	simm.s32 $0x0;
	s29 =	simm.s32 $0x0  }
0x4: {  	s0 =	sand.u32 $0x1, s0;
	[smem:$0x7FF] =	sst s21;
	s7 =	smul.u32 $0xA000, s4  }
0x5: {  	s20 =	sshll.u32 s4, $0x6;
	s2 =	sshll.u32 s0, $0x4;
	s8 =	smul.u32 $0xA0000, s0  }
0x6: {  	_ =	strace $0x8000004A;
	s11 =	ssub.s32 $0x2, s0;
	s2 =	sor.u32 s4, s2  }
0x7: {  	s16 =	sshrl.u32 s11, $0x1;
	s23 =	sadd.s32 s7, s3;
	s2 =	smul.u32 $0x9C4, s2  }
0x8: {  	s4 =	sor.u32 $0x1C0D, s20;
	s8 =	sadd.s32 s7, s8;
	[dreg:$0x4] =	wrdreg s23  }
0x9: {  	[dreg:$0x5] =	wrdreg s4;
	s8 =	sshrl.u32 s8, $0x3;
	s5 =	sadd.s32 $0x9C4, s2  }
0xa: {  	s2 =	sshrl.u32 s2, $0x5;
	s0 =	sadd.s32 s8, s1;
	s5 =	sshrl.u32 s5, $0x5  }
0xb: {  	s6 =	sshll.u32 s2, $0x4;
	s0 =	sadd.s32 $0x29C00, s0;
	s5 =	ssub.s32 s5, s2  }
0xc: {  	s2 =	sadd.s32 s6, s1;
	s6 =	sadd.s32 $0x15C00, s1;
	s1 =	ssub.s32 s11, s16  }
0xd: {  	[dreg:$0x9] =	wrdreg s0;
	s9 =	sadd.s32 $0xFFFFFFFA, s5;
	s13 =	sadd.s32 $0xFFFFFFFB, s5  }
0xe: {  	s14 =	sadd.s32 $0xFFFFFFFC, s5;
	s31 =	sadd.s32 $0x2200, s2;
	s2 =	sadd.s32 $0xBE40, s2  }
0xf: {  	s10 =	sshll.u32 s9, $0x10;
	s17 =	sshll.u32 s13, $0x10;
	[dreg:$0x6] =	wrdreg s31  }
0x10: {  	s26 =	sshll.u32 s14, $0x10;
	[dreg:$0x7] =	wrdreg s2;
	s15 =	sshra.s32 s10, $0x10  }
0x11: {  	s31 =	smax.u32 s1, $0x1;
	s8 =	sshra.s32 s17, $0x10;
	s12 =	smul.u32 $0x2AAB, s15  }
0x12: {  	s30 =	sshra.s32 s26, $0x10;
	s17 =	sadd.s32 $0xFFFFFFFF, s5;
	s22 =	smul.u32 $0x2AAB, s8  }
0x13: {  	s8 =	smul.u32 $0x2AAB, s30;
	s18 =	sshrl.u32 s12, $0x1F;
	s19 =	sshrl.u32 s12, $0x10  }
0x14: {  	s24 =	sshrl.u32 s22, $0x1F;
	s11 =	sshrl.u32 s22, $0x10;
	s10 =	sadd.s32 s18, s19  }
0x15: {  	[dreg:$0xa] =	wrdreg s31;
	s25 =	sadd.s32 s24, s11;
	s10 =	smul.u32 $0x6, s10  }
0x16: {  	s24 =	sadd.s32 $0xFFFFFFFE, s5;
	s18 =	sshll.u32 s17, $0x10;
	s15 =	smul.u32 $0x6, s25  }
0x17: {  	s12 =	sshrl.u32 s8, $0x10;
	s25 =	sshll.u32 s24, $0x10;
	s18 =	sshra.s32 s18, $0x10  }
0x18: {  	s26 =	smul.u32 $0x2AAB, s18;
	s9 =	ssub.s32 s9, s10;
	s13 =	ssub.s32 s13, s15  }
0x19: {  	s10 =	sadd.s32 $0xFFFFFFFD, s5;
	s28 =	sshll.u32 s9, $0x10;
	s9 =	sshrl.u32 s8, $0x1F  }
0x1a: {  	s13 =	sshll.u32 s13, $0x10;
	s16 =	sshll.u32 s10, $0x10;
	s30 =	sshrl.u32 s26, $0x1F  }
0x1b: {  	s11 =	sshra.s32 s28, $0x10;
	s12 =	sadd.s32 s9, s12;
	s13 =	sshra.s32 s13, $0x10  }
0x1c: {  	s20 =	sshra.s32 s16, $0x10;
	p0 =	slt.s32 s11, $0x0;
	s2 =	sadd.s32 $0x6, s11  }
0x1d: {  	s12 =	smul.u32 $0x6, s12;
	s16 =	sadd.s32 $0x6, s13;
	s11 =	smov.u32 @p0 s2  }
0x1e: {  	p0 =	slt.s32 s13, $0x0;
	s2 =	smul.u32 $0x2AAB, s20;
	s20 =	simm.s32 $0x80  }
0x1f: {  	s12 =	ssub.s32 s14, s12;
	s22 =	sadd.s32 $0x7, s11;
	s13 =	smov.u32 @p0 s16  }
0x20: {  	s14 =	sshra.s32 s25, $0x10;
	[dreg:$0x8] =	wrdreg s22;
	s12 =	sshll.u32 s12, $0x10  }
0x21: {  	s23 =	sshrl.u32 s2, $0x1F;
	s2 =	sshrl.u32 s2, $0x10;
	s14 =	smul.u32 $0x2AAB, s14  }
0x22: {  	s2 =	sadd.s32 s23, s2;
	s19 =	sshra.s32 s12, $0x10;
	s12 =	sadd.s32 $0x7, s13  }
0x23: {  	s13 =	sshrl.u32 s26, $0x10;
	s2 =	smul.u32 $0x6, s2;
	p0 =	slt.s32 s19, $0x0  }
0x24: {  	s28 =	sshrl.u32 s14, $0x1F;
	s14 =	sshrl.u32 s14, $0x10;
	s13 =	sadd.s32 s30, s13  }
0x25: {  	s14 =	sadd.s32 s28, s14;
	s13 =	smul.u32 $0x6, s13;
	s2 =	ssub.s32 s10, s2  }
0x26: {  	s15 =	sadd.s32 $0x6, s19;
	s14 =	smul.u32 $0x6, s14;
	s2 =	sshll.u32 s2, $0x10  }
0x27: {  	s19 =	smov.u32 @p0 s15;
	s13 =	ssub.s32 s17, s13;
	s2 =	sshra.s32 s2, $0x10  }
0x28: {  	s14 =	ssub.s32 s24, s14;
	s13 =	sshll.u32 s13, $0x10;
	p0 =	slt.s32 s2, $0x0  }
0x29: {  	s15 =	sadd.s32 $0x6, s2;
	s14 =	sshll.u32 s14, $0x10;
	s16 =	sshra.s32 s13, $0x10  }
.Ltmp0:
0x2a: {  	s2 =	smov.u32 @p0 s15;
	s15 =	sshra.s32 s14, $0x10;
	(pc) =	sbr.rel .LBB2_1-.Ltmp0, $4  }
0x2b: {  	s13 =	sadd.s32 $0x7, s19;
	p0 =	slt.s32 s15, $0x0;
	s14 =	sadd.s32 $0x6, s15  }
0x2c: {  	s17 =	sadd.s32 $0x6, s16;
	s15 =	smov.u32 @p0 s14;
	p0 =	slt.s32 s16, $0x0  }
0x2d: {  	s19 =	simm.s32 $0xD;
	s14 =	sadd.s32 $0x7, s2;
	s16 =	smov.u32 @p0 s17  }
0x2e: {  	s15 =	sadd.s32 $0x7, s15;
	p0 =	slt.s32 s5, $0x1;
	s16 =	sadd.s32 $0x7, s16  }
.LBB2_4:
0x2f: {  	[tilespmem:s26], [sflag:s28] =	stream.indirect.gather @!p1 [hbm4b:s6+s25], $0x40, s0, s25, $0xb8;
	[tilespmem:$0x1AF00] =	vst v63  }
0x30: {  	s21 =	simm.s32 $0x0;
	s4 =	rddreg [dreg:$0x5]  }
.LBB2_5:
0x31: {  	s0 =	rddreg [dreg:$0x8]  }
0x32: {  	_ =	swait.ge [sflag:s0], $0x2000  }
0x33: {  	[sflag:s0] =	ssyncset.done $0x0  }
0x34: {  	[sflag:s0] =	ssyncadd.s32 $0xFFFFE000  }
0x35: {  	_ =	swait.ge [sflag:s12], $0x2000  }
0x36: {  	[sflag:s12] =	ssyncset.done $0x0  }
0x37: {  	[sflag:s12] =	ssyncadd.s32 $0xFFFFE000  }
0x38: {  	_ =	swait.ge [sflag:s13], $0x2000  }
0x39: {  	[sflag:s13] =	ssyncset.done $0x0  }
0x3a: {  	[sflag:s13] =	ssyncadd.s32 $0xFFFFE000  }
0x3b: {  	_ =	swait.ge [sflag:s14], $0x2000  }
0x3c: {  	[sflag:s14] =	ssyncset.done $0x0  }
0x3d: {  	[sflag:s14] =	ssyncadd.s32 $0xFFFFE000  }
0x3e: {  	_ =	swait.ge [sflag:s15], $0x2000  }
0x3f: {  	[sflag:s15] =	ssyncset.done $0x0  }
0x40: {  	[sflag:s15] =	ssyncadd.s32 $0xFFFFE000  }
0x41: {  	_ =	swait.ge [sflag:s16], $0x2000  }
0x42: {  	[sflag:s16] =	ssyncset.done $0x0  }
0x43: {  	[sflag:s16] =	ssyncadd.s32 $0xFFFFE000  }
0x44: {  	[bflag:$0x0] =	sbarrier.arrive $0xFFFF  }
0x45: {  	s28 =	rddreg [dreg:$0x9]  }
0x46: {  	[hbm:s28], [sflag:s4] =	dma.local [spmem:s30], $0x1400  }
0x47: {  	_ =	swait.ge [sflag:s19], $0x1400  }
0x48: {  	s29 =	sadd.s32 $0x1, s29;
	s31 =	rddreg [dreg:$0xa]  }
0x49: {  	p1 =	sne.s32 s29, s31  }
.Ltmp1:
0x4a: {  	_ = 	snop;
	(pc) =	sbr.rel @!p1 .LBB2_6-.Ltmp1, $3  }
0x4b: {  	_ =	sdelay $0x1  }
0x4c: {  	[sflag:s19] =	ssyncset.done $0x0  }
0x4d: {  	[sflag:s19] =	ssyncadd.s32 $0xFFFFEC00  }
.LBB2_1:
0x4e: {  	s0 =	rddreg [dreg:$0x4]  }
0x4f: {  	s10 =	rddreg [dreg:$0x1];
	s30 =	sshrl.u32 s0, $0x3  }
0x50: {  	[spmem:s30], [sflag:s4] =	dma.local [hbm:s10], $0x1400  }
0x51: {  	_ =	swait.ge [sflag:s19], $0x1400  }
0x52: {  	[sflag:s19] =	ssyncset.done $0x0  }
0x53: {  	s11 =	rddreg [dreg:$0x6];
	[sflag:s19] =	ssyncadd.s32 $0xFFFFEC00  }
0x54: {  	[tilespmem:s21], [sflag:$0xD] =	stream.linear.gather [hbm4b:s11+s21], $0x2780, $0x38;
	[tilespmem:$0x1AF00] =	vst v63  }
0x55: {  	_ =	swait.ge [sflag:s19], $0x2780  }
0x56: {  	[sflag:s19] =	ssyncset.done $0x0  }
0x57: {  	s24 =	simm.s32 $0x2780;
	s17 =	rddreg [dreg:$0x7];
	[sflag:s19] =	ssyncadd.s32 $0xFFFFD880  }
0x58: {  	[tilespmem:s24], [sflag:$0xD] =	stream.linear.gather [hbm4b:s17+s21], $0x2780, $0x38;
	[tilespmem:$0x1AF00] =	vst v63  }
0x59: {  	_ =	swait.ge [sflag:s19], $0x2780  }
0x5a: {  	[sflag:s19] =	ssyncset.done $0x0  }
0x5b: {  	[sflag:s19] =	ssyncadd.s32 $0xFFFFD880  }
0x5c: {  	s18 =	simm.s32 $0x4F00;
	[bflag:$0x0] =	sbarrier.arrive $0xFFFF  }
0x5d: {  	[tilespmem:s18], [sflag:$0x1] =	stream.indirect.gather [hbm4b:s6+s20], $0x40, s21, s20, $0xb8;
	[tilespmem:$0x1AF00] =	vst v63  }
0x5e: {  	s22 =	simm.s32 $0x6F00  }
0x5f: {  	[tilespmem:s22], [sflag:$0x2] =	stream.indirect.gather [hbm4b:s6+s20], $0x40, s20, s20, $0xb8;
	[tilespmem:$0x1AF00] =	vst v63  }
0x60: {  	s23 =	simm.s32 $0x100;
	s1 =	simm.s32 $0x8F00  }
0x61: {  	[tilespmem:s1], [sflag:$0x3] =	stream.indirect.gather [hbm4b:s6+s20], $0x40, s23, s20, $0xb8;
	[tilespmem:$0x1AF00] =	vst v63  }
.Ltmp2:
0x62: {  	_ = 	snop;
	(pc) =	sbr.rel @p0 .LBB2_5-.Ltmp2, $4  }
0x63: {  	s25 =	simm.s32 $0x180;
	s26 =	simm.s32 $0xAF00  }
0x64: {  	[tilespmem:s26], [sflag:$0x4] =	stream.indirect.gather [hbm4b:s6+s20], $0x40, s25, s20, $0xb8;
	[tilespmem:$0x1AF00] =	vst v63  }
0x65: {  	s28 =	simm.s32 $0x200;
	s31 =	simm.s32 $0xCF00  }
0x66: {  	[tilespmem:s31], [sflag:$0x5] =	stream.indirect.gather [hbm4b:s6+s20], $0x40, s28, s20, $0xb8;
	[tilespmem:$0x1AF00] =	vst v63  }
0x67: {  	s0 =	simm.s32 $0x0  }
0x68: {  	s2 =	simm.s32 $0x5;
	s31 =	simm.s32 $0x1;
	s21 =	smulhi.u32 $0xAAAAAAAB, s0  }
0x69: {  	p2 =	sgt.s32 s5, $0x1;
	s1 =	simm.s32 $0x6F00;
	s22 =	simm.s32 $0x2800  }
0x6a: {  	p1 =	sle.s32 s5, $0x5;
	s23 =	smulhi.u32 $0xAAAAAAAB, s2;
	s25 =	sshrl.u32 s21, $0x2  }
0x6b: {  	s0 =	simm.s32 $0x280;
	p3 =	por @!p1 $0x1, $0x1;
	s26 =	smul.u32 $0xFFFFFFE8, s25  }
0x6c: {  	s2 =	simm.s32 $0x10F00;
	p3 =	por p3, p1;
	s28 =	sshrl.u32 s23, $0x2  }
0x6d: {  	s21 =	simm.s32 $0x300;
	s7 =	smul.u32 $0xFFFFFFE8, s28;
	s26 =	sshra.s32 s26, $0x2  }
0x6e: {  	s23 =	simm.s32 $0x4;
	s25 =	smul.u32 $0xFFFD0000, s25;
	s26 =	sadd.s32 $0x0, s26  }
0x6f: {  	s28 =	smul.u32 $0xFFFD0000, s28;
	s7 =	sshra.s32 s7, $0x2;
	s9 =	sadd.s32 $0x1, s26  }
0x70: {  	s25 =	sshra.s32 s25, $0x2;
	s10 =	sadd.s32 $0xC, s7;
	_ =	swait.ge [sflag:s9], $0x2000  }
0x71: {  	s25 =	sadd.s32 $0x4F00, s25;
	s10 =	sadd.s32 @!p3 $0x0, s10;
	[sflag:s9] =	ssyncset.done $0x0  }
.Ltmp3:
0x72: {  	s18 =	sadd.s32 $0x7, s26;
	[sflag:s9] =	ssyncadd.s32 $0xFFFFE000;
	(pc) =	sbr.rel @!p2 .LBB2_4-.Ltmp3, $4  }
0x73: {  	[spmem:s3] =	stream.indirect.scatter.add.f32 [tilespmem:s25], [sflag:s18], $0x40, s24, s20, $0xb8;
	[tilespmem:$0x1AF00] =	vst v63  }
0x74: {  	s7 =	sadd.s32 $0x6, s7;
	s26 =	sshra.s32 s28, $0x2;
	_ =	swait.ge @!p3 [sflag:s10], $0x2000  }
0x75: {  	s28 =	sadd.s32 @!p1 $0x0, s7;
	s26 =	sadd.s32 $0xEF00, s26;
	[sflag:s10] =	ssyncset.done @!p3 $0x0  }
0x76: {  	s24 =	simm.s32 $0x6;
	s25 =	simm.s32 @!p1 $0x80;
	[sflag:s10] =	ssyncadd.s32 @!p3 $0xFFFFE000  }
.LBB2_3:
0x77: {  	[tilespmem:s26], [sflag:s28] =	stream.indirect.gather @!p1 [hbm4b:s6+s25], $0x40, s0, s25, $0xb8;
	[tilespmem:$0x1AF00] =	vst v63  }
0x78: {  	s7 =	smov.u32 s31;
	s9 =	smov.u32 s1;
	s10 =	smov.u32 s2  }
0x79: {  	s31 =	sadd.s32 $0x1, s31;
	s0 =	smov.u32 s21;
	s25 =	smov.u32 s22  }
0x7a: {  	s26 =	smov.u32 s23;
	p2 =	slt.s32 s31, s5  }
0x7b: {  	s1 =	sadd.s32 $0x2000, s1;
	s2 =	sadd.s32 $0x2000, s2;
	s28 =	smulhi.u32 $0xAAAAAAAB, s7  }
0x7c: {  	s21 =	sadd.s32 $0x80, s21;
	s22 =	sadd.s32 $0x80, s22;
	s17 =	smulhi.u32 $0xAAAAAAAB, s24  }
0x7d: {  	s23 =	sadd.s32 $0x4, s23;
	s24 =	sadd.s32 $0x1, s24;
	s28 =	sshrl.u32 s28, $0x2  }
0x7e: {  	s4 =	sshra.s32 s26, $0x2;
	s7 =	sadd.s32 $0x5, s7;
	s18 =	smul.u32 $0xFFFFFFE8, s28  }
0x7f: {  	s17 =	sshrl.u32 s17, $0x2;
	p1 =	sge.s32 s7, s5;
	s28 =	smul.u32 $0xFFFD0000, s28  }
0x80: {  	s8 =	smul.u32 $0xFFFFFFE8, s17;
	p3 =	seq.s32 @!p1 s26, $0x0;
	s18 =	sshra.s32 s18, $0x2  }
0x81: {  	s7 =	smul.u32 $0xFFFD0000, s17;
	p3 =	por p3, p1;
	s4 =	sadd.s32 s4, s18  }
0x82: {  	s8 =	sshra.s32 s8, $0x2;
	s11 =	sshra.s32 @!p3 s26, $0x2;
	s17 =	sadd.s32 $0x1, s4  }
0x83: {  	s28 =	sshra.s32 s28, $0x2;
	s18 =	sadd.s32 $0xC, s8;
	_ =	swait.ge [sflag:s17], $0x2000  }
0x84: {  	s9 =	sadd.s32 s28, s9;
	s11 =	sadd.s32 @!p3 s11, s18;
	[sflag:s17] =	ssyncset.done $0x0  }
.Ltmp4:
0x85: {  	s4 =	sadd.s32 $0x7, s4;
	[sflag:s17] =	ssyncadd.s32 $0xFFFFE000;
	(pc) =	sbr.rel @p2 .LBB2_3-.Ltmp4, $4  }
0x86: {  	[spmem:s3] =	stream.indirect.scatter.add.f32 [tilespmem:s9], [sflag:s4], $0x40, s25, s20, $0xb8;
	[tilespmem:$0x1AF00] =	vst v63  }
0x87: {  	s4 =	sshra.s32 s7, $0x2;
	s25 =	simm.s32 @!p1 $0x80;
	_ =	swait.ge @!p3 [sflag:s11], $0x2000  }
0x88: {  	s7 =	sadd.s32 $0x6, s8;
	s8 =	sshra.s32 @!p1 s26, $0x2;
	[sflag:s11] =	ssyncset.done @!p3 $0x0  }
0x89: {  	s26 =	sadd.s32 s4, s10;
	s28 =	sadd.s32 @!p1 s8, s7;
	[sflag:s11] =	ssyncadd.s32 @!p3 $0xFFFFE000  }
.Ltmp5:
0x8a: {  	_ = 	snop;
	(pc) =	sbr.rel .LBB2_4-.Ltmp5, $1  }
0x8b: {  	_ =	sdelay $0x3  }
.LBB2_6:
0x8c: {  	_ =	sfence.sel $0x180000  }
0x8d: {  	[bflag:$0x0] =	sbarrier.arrive $0xFFFF  }
0x8e: {  	_ =	strace $0x9000004A  }
0x8f: {  	s0 =	stileid.u32;
	[bflag:$0x2] =	sbarrier.arrive $0xFFFF  }
0x90: {  	p0 =	sne.s32 s0, $0x0;
	s0 =	rddreg [dreg:$0x3]  }
0x91: {  	s0 =	sadd.s32 @!p0 $0x100000, s0  }
0x92: {  	[sflag:s0] =	ssyncadd.tile.s32 @!p0 $0x1;
	_ =	shalt  }
.Lfunc_end2:
_tile_overlayer_lowered:
.L_overlay_start_2:
0x93: {  	(tag) =	ssettag $0x2  }
0x94: {  	s0 =	rddreg [dreg:$0x0];
	s2 =	stileid.u32  }
0x95: {  	s1 =	rddreg [dreg:$0x1];
	p0 =	sne.s32 s2, $0x0  }
0x96: {  	s3 =	rddreg [dreg:$0x2];
	[bflag:$0x3] =	sbarrier.arrive $0xFFFF;
	s2 =	simm.s32 @!p0 $0x1C0D  }
0x97: {  	[timem:s3], [sflag:s2] =	dma.local @!p0 [hbm:s0], s1  }
0x98: {  	s0 =	simm.s32 @!p0 $0xD  }
0x99: {  	_ =	swait.ge @!p0 [sflag:s0], s1  }
0x9a: {  	s1 =	ssub.s32 @!p0 $0x0, s1;
	[sflag:s0] =	ssyncset.done @!p0 $0x0  }
0x9b: {  	[sflag:s0] =	ssyncadd.s32 @!p0 s1  }
0x9c: {  	[bflag:$0x3] =	sbarrier.arrive $0xFFFF  }
0x9d: {  	_ =	shalt  }

// kernel: kernel.15.cloned.1.call-start
scs
__scs_entry_jumppad:
0x0: {  	(pc) =	sbr.rel $0x88, $3  }
0x1: {  	(tag) =	ssettag $0x0;
	lr =	simm.s32 $0x1  }
0x2: {  	[smem:$0x3F98] =	sst lr;
	_ =	strace $0xD0000000  }
0x3: {  	_ = 	snop  }
0x4: {  	_ = 	snop  }
0x5: {  	_ = 	snop  }
0x6: {  	_ = 	snop  }
0x7: {  	_ = 	snop  }
__scs_overlays_trampoline_lowered:
0x8: {  	[smem:$0x3FA7] =	sst s0  }
0x9: {  	[smem:$0x3FA8] =	sst s1  }
0xa: {  	[smem:$0x3FA9] =	sst s2  }
0xb: {  	[smem:$0x3FAA] =	sst s3  }
0xc: {  	[smem:$0x3FAB] =	sst s4  }
0xd: {  	[smem:$0x3FAC] =	sst s5  }
0xe: {  	[smem:$0x3FAD] =	sst s6  }
0xf: {  	[smem:$0x3FAE] =	sst s7  }
0x10: {  	[smem:$0x3FAF] =	sst s8  }
0x11: {  	[smem:$0x3FB0] =	sst s9;
	s0 =	simm.s32 @!p0 $0x0  }
0x12: {  	s1 =	sld [smem:$0x3F96];
	s0 =	simm.s32 @p0 $0x1  }
0x13: {  	[smem:$0x3FB1] =	sst s0;
	s0 =	simm.s32 @!p1 $0x0  }
0x14: {  	s2 =	sld [smem:$0x3F95];
	s0 =	simm.s32 @p1 $0x1  }
0x15: {  	[smem:$0x3FB2] =	sst s0;
	s0 =	simm.s32 @!p2 $0x0  }
0x16: {  	s3 =	sld [smem:$0x3FDB];
	s0 =	simm.s32 @p2 $0x1  }
0x17: {  	s4 =	simm.s32 $0x1BF5;
	[smem:$0x3FB4] =	sst s0  }
0x18: {  	s0 =	sld [smem:$0x3F97];
	_ =	swait.ge [sflag:s4], $0x0  }
0x19: {  	s7 =	sld [smem:$0x3F98]  }
0x1a: {  	s8 =	sadd.s32 $0xFFFFE003, lr  }
0x1b: {  	s9 =	sadd.s32 $0xFFFFFEF7, lr;
	s5 =	simm.s32 $0xFFFFFFFF;
	p2 =	slt.u32 s8, $0xFFFFF086  }
0x1c: {  	p1 =	slt.u32 s9, $0xF7A;
	s5 =	simm.s32 @!p2 $0x0  }
0x1d: {  	s5 =	simm.s32 @p1 $0x1;
	p0 =	seq.s32 s7, s2  }
0x1e: {  	s7 =	smul.u32 @!p0 $0xF7A, s2;
	p2 =	seq.s32 @!p0 s5, $0x0  }
0x1f: {  	s9 =	smul.u32 $0xF7A, s1;
	s8 =	simm.s32 @!p0 $0x1BF5;
	p2 =	por !p2, p0  }
0x20: {  	[sflag:s8] =	ssyncset.s32 @!p0 $0xFFFFF086;
	s6 =	sadd.s32 @!p0 s3, s7;
	s7 =	simm.s32 @!p0 $0x108  }
0x21: {  	s3 =	sadd.s32 s3, s9;
	s6 =	sadd.s32 @!p0 $0x88, s6;
	s7 =	simm.s32 @p2 $0x1082  }
0x22: {  	[simem:s7], [sflag:s8] =	dma.local @!p0 [hbm:s6], $0xF7A  }
0x23: {  	s9 =	sor.u32 $0xD0000000, s2;
	s6 =	simm.s32 $0x108;
	_ =	swait.ge @!p0 [sflag:s8], $0x0  }
0x24: {  	s3 =	sadd.s32 $0x88, s3;
	s6 =	simm.s32 @!p1 $0x1082;
	[sflag:s4] =	ssyncset.s32 $0xFFFFF086  }
0x25: {  	[simem:s6], [sflag:s4] =	dma.local [hbm:s3], $0xF7A  }
0x26: {  	[smem:$0x3F98] =	sst s1;
	(tag) =	ssettag s2;
	_ =	strace s9  }
0x27: {  	s1 =	sld [smem:$0x3FA8]  }
0x28: {  	s2 =	sld [smem:$0x3FA9]  }
0x29: {  	s4 =	sld [smem:$0x3FAB]  }
0x2a: {  	p0 =	seq.s32 s5, $0x0;
	s5 =	sld [smem:$0x3FAC]  }
0x2b: {  	s6 =	sld [smem:$0x3FAD]  }
0x2c: {  	s7 =	sld [smem:$0x3FAE]  }
0x2d: {  	s3 =	simm.s32 $0x108;
	s8 =	sld [smem:$0x3FAF]  }
0x2e: {  	s3 =	simm.s32 @!p0 $0x1082;
	s9 =	sld [smem:$0x3FB0]  }
0x2f: {  	lr =	sadd.s32 s0, s3;
	s0 =	sld [smem:$0x3FA7]  }
0x30: {  	s3 =	sld [smem:$0x3FAA]  }
0x31: {  	[smem:$0x3FB3] =	sst s10  }
0x32: {  	s10 =	sld [smem:$0x3FB1];
	_ =	sdelay $0x3  }
0x33: {  	p0 =	seq.s32 s10, $0x1;
	s10 =	sld [smem:$0x3FB3];
	_ =	sdelay $0x3  }
0x34: {  	[smem:$0x3FB3] =	sst s10  }
0x35: {  	s10 =	sld [smem:$0x3FB2];
	_ =	sdelay $0x3  }
0x36: {  	p1 =	seq.s32 s10, $0x1;
	s10 =	sld [smem:$0x3FB3];
	_ =	sdelay $0x3  }
0x37: {  	[smem:$0x3FB3] =	sst s10  }
0x38: {  	s10 =	sld [smem:$0x3FB4]  }
0x39: {  	_ = 	snop;
	(pc) =	sbr.ind lr, $3  }
0x3a: {  	_ = 	snop  }
0x3b: {  	_ = 	snop  }
0x3c: {  	p2 =	seq.s32 s10, $0x1;
	s10 =	sld [smem:$0x3FB3]  }
0x3d: {  	_ =	shalt  }
0x3e: {  	_ =	shalt  }
0x3f: {  	_ =	shalt  }
0x40: {  	_ =	shalt  }
0x41: {  	_ =	shalt  }
0x42: {  	_ =	shalt  }
0x43: {  	_ =	shalt  }
0x44: {  	_ =	shalt  }
0x45: {  	_ =	shalt  }
0x46: {  	_ =	shalt  }
0x47: {  	_ =	shalt  }
0x48: {  	_ =	shalt  }
0x49: {  	_ =	shalt  }
0x4a: {  	_ =	shalt  }
0x4b: {  	_ =	shalt  }
0x4c: {  	_ =	shalt  }
0x4d: {  	_ =	shalt  }
0x4e: {  	_ =	shalt  }
0x4f: {  	_ =	shalt  }
0x50: {  	_ =	shalt  }
0x51: {  	_ =	shalt  }
0x52: {  	_ =	shalt  }
0x53: {  	_ =	shalt  }
0x54: {  	_ =	shalt  }
0x55: {  	_ =	shalt  }
0x56: {  	_ =	shalt  }
0x57: {  	_ =	shalt  }
0x58: {  	_ =	shalt  }
0x59: {  	_ =	shalt  }
0x5a: {  	_ =	shalt  }
0x5b: {  	_ =	shalt  }
0x5c: {  	_ =	shalt  }
0x5d: {  	_ =	shalt  }
0x5e: {  	_ =	shalt  }
0x5f: {  	_ =	shalt  }
0x60: {  	_ =	shalt  }
0x61: {  	_ =	shalt  }
0x62: {  	_ =	shalt  }
0x63: {  	_ =	shalt  }
0x64: {  	_ =	shalt  }
0x65: {  	_ =	shalt  }
0x66: {  	_ =	shalt  }
0x67: {  	_ =	shalt  }
0x68: {  	_ =	shalt  }
0x69: {  	_ =	shalt  }
0x6a: {  	_ =	shalt  }
0x6b: {  	_ =	shalt  }
0x6c: {  	_ =	shalt  }
0x6d: {  	_ =	shalt  }
0x6e: {  	_ =	shalt  }
0x6f: {  	_ =	shalt  }
0x70: {  	_ =	shalt  }
0x71: {  	_ =	shalt  }
0x72: {  	_ =	shalt  }
0x73: {  	_ =	shalt  }
0x74: {  	_ =	shalt  }
0x75: {  	_ =	shalt  }
0x76: {  	_ =	shalt  }
0x77: {  	_ =	shalt  }
0x78: {  	_ =	shalt  }
0x79: {  	_ =	shalt  }
0x7a: {  	_ =	shalt  }
0x7b: {  	_ =	shalt  }
0x7c: {  	_ =	shalt  }
0x7d: {  	_ =	shalt  }
0x7e: {  	_ =	shalt  }
0x7f: {  	_ =	shalt  }
0x80: {  	_ =	shalt  }
0x81: {  	_ =	shalt  }
0x82: {  	_ =	shalt  }
0x83: {  	_ =	shalt  }
0x84: {  	_ =	shalt  }
0x85: {  	_ =	shalt  }
0x86: {  	_ =	shalt  }
0x87: {  	_ =	shalt  }
.Lfunc_end0:
.L_simem_size_0:
called_computation.2_lowered:
.L_overlay_start_0:
0x88: {  	s2 =	sld [smem:$0x3FD9]  }
0x89: {  	s3 =	sld [smem:$0x3FFE];
	_ =	sdelay $0x1  }
0x8a: {  	s1 =	srdreg.scid  }
0x8b: {  	s0 =	sand.u32 $0x1, s1  }
0x8c: {  	s17 =	sshll.u32 s0, $0xA;
	s2 =	sadd.s32 s3, s2  }
0x8d: {  	s2 =	sadd.s32 s2, s17  }
0x8e: {  	[smem:$0x3FBF] =	sst s2  }
0x8f: {  	_ = 	snop  }
0x90: {  	s2 =	sld [smem:$0x3FD0];
	(tm) =	ssettm $0x1  }
0x91: {  	s18 =	sld [smem:$0x3FFB];
	_ =	sdelay $0x3  }
0x92: {  	_ =	strace s18  }
0x93: {  	s3 =	sld [smem:$0x3FFC];
	_ =	sdelay $0x3  }
0x94: {  	_ =	strace s3  }
0x95: {  	s3 =	sld [smem:$0x3FFD];
	_ =	sdelay $0x3  }
0x96: {  	_ =	strace s3  }
0x97: {  	_ =	strace $0x8FFFFFFF  }
0x98: {  	s19 =	sld [smem:$0x3FDB];
	_ =	sdelay $0x1  }
0x99: {  	s4 =	simm.s32 $_scs_section_size  }
0x9a: {  	s5 =	simm.s32 $_size__tile_overlayer_lowered;
	s6 =	simm.s32 $_tile_overlayer_lowered  }
0x9b: {  	s22 =	simm.s32 $0x1BFF;
	s21 =	sshll.u32 s6, $0x1;
	s3 =	sadd.s32 s4, s19  }
0x9c: {  	s7 =	simm.s32 $0x0;
	s20 =	sshll.u32 s5, $0x1;
	s5 =	sadd.s32 s21, s3  }
0x9d: {  	[timem:s7], [sflag:s22] =	dma.local [hbm:s5], s20  }
0x9e: {  	_ =	swait.ge [sflag:s22], s20  }
0x9f: {  	s4 =	ssub.s32 $0x0, s20;
	[sflag:s22] =	ssyncset.done $0x0  }
0xa0: {  	[sflag:s22] =	ssyncadd.s32 s4;
	_ =	sdelay $0x1  }
0xa1: {  	s23 =	simm.s32 $0x1B8B  }
0xa2: {  	_ =	swait.ge [sflag:s23], $0x1  }
0xa3: {  	[sflag:s23] =	ssyncset.done $0x0  }
0xa4: {  	s25 =	simm.s32 $0x1B8E;
	s24 =	sld [smem:$0x3FFE];
	[sflag:s23] =	ssyncadd.s32 $0xFFFFFFFF  }
0xa5: {  	s26 =	simm.s32 $execute0_lowered;
	[smem:$0x3FD2] =	sst s25  }
0xa6: {  	s5 =	sshll.u32 s26, $0x1;
	_ =	strace $0x8000004C;
	[dreg:$0x1] =	wrdreg $0xFFFFFFFF  }
0xa7: {  	s28 =	simm.s32 $_size_execute0_lowered;
	s3 =	sadd.s32 s3, s5;
	[dreg:$0x0] =	wrdreg $0x0  }
0xa8: {  	s5 =	sshll.u32 s28, $0x1;
	[dreg:$0x2] =	wrdreg s3  }
0xa9: {  	[dreg:$0x3] =	wrdreg s5  }
0xaa: {  	[dreg:$0x4] =	wrdreg $0xC0  }
0xab: {  	_ =	task [dreg:s7], $0x5FFFF  }
0xac: {  	[dreg:$0x1] =	wrdreg $0xFFFFFFFF  }
0xad: {  	[dreg:$0x0] =	wrdreg $0x60  }
0xae: {  	[dreg:$0x2] =	wrdreg s24  }
0xaf: {  	[dreg:$0x3] =	wrdreg s2  }
0xb0: {  	[dreg:$0x4] =	wrdreg $0x10F000  }
0xb1: {  	[dreg:$0x5] =	wrdreg $0x9  }
0xb2: {  	_ =	task.clear_ibuf [dreg:s7], $0x6FFFF;
	_ =	strace $0x9000004C  }
0xb3: {  	s29 =	simm.s32 $0x9;
	_ =	strace $0x8000004E  }
0xb4: {  	_ =	swait.ge [sflag:s29], $0x1  }
0xb5: {  	[sflag:s29] =	ssyncadd.s32 $0xFFFFFFFF  }
0xb6: {  	_ =	strace $0x9000004E  }
0xb7: {  	_ =	sfence  }
0xb8: {  	s30 =	sld [smem:$0x0];
	_ =	sdelay $0x2  }
0xb9: {  	s31 =	sshll.u32 s1, $0xD;
	s1 =	sshrl.u32 s1, $0x2  }
0xba: {  	s3 =	sand.u32 $0x4000, s31;
	s1 =	sadd.s32 s1, s30  }
0xbb: {  	s0 =	sor.u32 s3, s0;
	s1 =	sshll.u32 s1, $0x11  }
0xbc: {  	s0 =	sor.u32 s1, s0  }
0xbd: {  	s0 =	sadd.s32 $0x8F2B, s0  }
0xbe: {  	[sflag:s0] =	ssyncadd.remote.s32 $0x1  }
0xbf: {  	_ =	sfence.sel $0xFFFF  }
0xc0: {  	[dreg:$0x0] =	wrdreg $0xFFFFFFFF;
	(pc) =	sbr.abs _section_cstart, $3  }
0xc1: {  	[dreg:$0x1] =	wrdreg $0xFFFFFFFF  }
0xc2: {  	_ =	task.clear_ibuf [dreg:s7], $0x2FFFF;
	_ =	strace $0x9FFFFFFF  }
0xc3: {  	(tm) =	ssettm $0x7FFFFFFF  }
tec
execute0_lowered:
.L_overlay_start_1:
0x0: {  	(tag) =	ssettag $0x1  }
0x1: {  	s0 =	srdreg.scid  }
0x2: {  	s1 =	rddreg [dreg:$0x0];
	s4 =	stileid.u32  }
0x3: {  	s3 =	rddreg [dreg:$0x2];
	s21 =	simm.s32 $0x0;
	s29 =	simm.s32 $0x0  }
0x4: {  	s0 =	sand.u32 $0x1, s0;
	[smem:$0x7FF] =	sst s21;
	s7 =	smul.u32 $0xA000, s4  }
0x5: {  	s20 =	sshll.u32 s4, $0x6;
	s2 =	sshll.u32 s0, $0x4;
	s8 =	smul.u32 $0xA0000, s0  }
0x6: {  	_ =	strace $0x8000004D;
	s11 =	ssub.s32 $0x2, s0;
	s2 =	sor.u32 s4, s2  }
0x7: {  	s16 =	sshrl.u32 s11, $0x1;
	s23 =	sadd.s32 s7, s3;
	s2 =	smul.u32 $0x9C4, s2  }
0x8: {  	s4 =	sor.u32 $0x1C0D, s20;
	s8 =	sadd.s32 s7, s8;
	[dreg:$0x4] =	wrdreg s23  }
0x9: {  	[dreg:$0x5] =	wrdreg s4;
	s8 =	sshrl.u32 s8, $0x3;
	s5 =	sadd.s32 $0x9C4, s2  }
0xa: {  	s2 =	sshrl.u32 s2, $0x5;
	s0 =	sadd.s32 s8, s1;
	s5 =	sshrl.u32 s5, $0x5  }
0xb: {  	s6 =	sshll.u32 s2, $0x4;
	s0 =	sadd.s32 $0x29C00, s0;
	s5 =	ssub.s32 s5, s2  }
0xc: {  	s2 =	sadd.s32 s6, s1;
	s6 =	sadd.s32 $0x15C00, s1;
	s1 =	ssub.s32 s11, s16  }
0xd: {  	[dreg:$0x9] =	wrdreg s0;
	s9 =	sadd.s32 $0xFFFFFFFA, s5;
	s13 =	sadd.s32 $0xFFFFFFFB, s5  }
0xe: {  	s14 =	sadd.s32 $0xFFFFFFFC, s5;
	s31 =	sadd.s32 $0x2200, s2;
	s2 =	sadd.s32 $0xBE40, s2  }
0xf: {  	s10 =	sshll.u32 s9, $0x10;
	s17 =	sshll.u32 s13, $0x10;
	[dreg:$0x6] =	wrdreg s31  }
0x10: {  	s26 =	sshll.u32 s14, $0x10;
	[dreg:$0x7] =	wrdreg s2;
	s15 =	sshra.s32 s10, $0x10  }
0x11: {  	s31 =	smax.u32 s1, $0x1;
	s8 =	sshra.s32 s17, $0x10;
	s12 =	smul.u32 $0x2AAB, s15  }
0x12: {  	s30 =	sshra.s32 s26, $0x10;
	s17 =	sadd.s32 $0xFFFFFFFF, s5;
	s22 =	smul.u32 $0x2AAB, s8  }
0x13: {  	s8 =	smul.u32 $0x2AAB, s30;
	s18 =	sshrl.u32 s12, $0x1F;
	s19 =	sshrl.u32 s12, $0x10  }
0x14: {  	s24 =	sshrl.u32 s22, $0x1F;
	s11 =	sshrl.u32 s22, $0x10;
	s10 =	sadd.s32 s18, s19  }
0x15: {  	[dreg:$0xa] =	wrdreg s31;
	s25 =	sadd.s32 s24, s11;
	s10 =	smul.u32 $0x6, s10  }
0x16: {  	s24 =	sadd.s32 $0xFFFFFFFE, s5;
	s18 =	sshll.u32 s17, $0x10;
	s15 =	smul.u32 $0x6, s25  }
0x17: {  	s12 =	sshrl.u32 s8, $0x10;
	s25 =	sshll.u32 s24, $0x10;
	s18 =	sshra.s32 s18, $0x10  }
0x18: {  	s26 =	smul.u32 $0x2AAB, s18;
	s9 =	ssub.s32 s9, s10;
	s13 =	ssub.s32 s13, s15  }
0x19: {  	s10 =	sadd.s32 $0xFFFFFFFD, s5;
	s28 =	sshll.u32 s9, $0x10;
	s9 =	sshrl.u32 s8, $0x1F  }
0x1a: {  	s13 =	sshll.u32 s13, $0x10;
	s16 =	sshll.u32 s10, $0x10;
	s30 =	sshrl.u32 s26, $0x1F  }
0x1b: {  	s11 =	sshra.s32 s28, $0x10;
	s12 =	sadd.s32 s9, s12;
	s13 =	sshra.s32 s13, $0x10  }
0x1c: {  	s20 =	sshra.s32 s16, $0x10;
	p0 =	slt.s32 s11, $0x0;
	s2 =	sadd.s32 $0x6, s11  }
0x1d: {  	s12 =	smul.u32 $0x6, s12;
	s16 =	sadd.s32 $0x6, s13;
	s11 =	smov.u32 @p0 s2  }
0x1e: {  	p0 =	slt.s32 s13, $0x0;
	s2 =	smul.u32 $0x2AAB, s20;
	s20 =	simm.s32 $0x80  }
0x1f: {  	s12 =	ssub.s32 s14, s12;
	s22 =	sadd.s32 $0x7, s11;
	s13 =	smov.u32 @p0 s16  }
0x20: {  	s14 =	sshra.s32 s25, $0x10;
	[dreg:$0x8] =	wrdreg s22;
	s12 =	sshll.u32 s12, $0x10  }
0x21: {  	s23 =	sshrl.u32 s2, $0x1F;
	s2 =	sshrl.u32 s2, $0x10;
	s14 =	smul.u32 $0x2AAB, s14  }
0x22: {  	s2 =	sadd.s32 s23, s2;
	s19 =	sshra.s32 s12, $0x10;
	s12 =	sadd.s32 $0x7, s13  }
0x23: {  	s13 =	sshrl.u32 s26, $0x10;
	s2 =	smul.u32 $0x6, s2;
	p0 =	slt.s32 s19, $0x0  }
0x24: {  	s28 =	sshrl.u32 s14, $0x1F;
	s14 =	sshrl.u32 s14, $0x10;
	s13 =	sadd.s32 s30, s13  }
0x25: {  	s14 =	sadd.s32 s28, s14;
	s13 =	smul.u32 $0x6, s13;
	s2 =	ssub.s32 s10, s2  }
0x26: {  	s15 =	sadd.s32 $0x6, s19;
	s14 =	smul.u32 $0x6, s14;
	s2 =	sshll.u32 s2, $0x10  }
0x27: {  	s19 =	smov.u32 @p0 s15;
	s13 =	ssub.s32 s17, s13;
	s2 =	sshra.s32 s2, $0x10  }
0x28: {  	s14 =	ssub.s32 s24, s14;
	s13 =	sshll.u32 s13, $0x10;
	p0 =	slt.s32 s2, $0x0  }
0x29: {  	s15 =	sadd.s32 $0x6, s2;
	s14 =	sshll.u32 s14, $0x10;
	s16 =	sshra.s32 s13, $0x10  }
.Ltmp0:
0x2a: {  	s2 =	smov.u32 @p0 s15;
	s15 =	sshra.s32 s14, $0x10;
	(pc) =	sbr.rel .LBB2_1-.Ltmp0, $4  }
0x2b: {  	s13 =	sadd.s32 $0x7, s19;
	p0 =	slt.s32 s15, $0x0;
	s14 =	sadd.s32 $0x6, s15  }
0x2c: {  	s17 =	sadd.s32 $0x6, s16;
	s15 =	smov.u32 @p0 s14;
	p0 =	slt.s32 s16, $0x0  }
0x2d: {  	s19 =	simm.s32 $0xD;
	s14 =	sadd.s32 $0x7, s2;
	s16 =	smov.u32 @p0 s17  }
0x2e: {  	s15 =	sadd.s32 $0x7, s15;
	p0 =	slt.s32 s5, $0x1;
	s16 =	sadd.s32 $0x7, s16  }
.LBB2_4:
0x2f: {  	[tilespmem:s26], [sflag:s28] =	stream.indirect.gather @!p1 [hbm4b:s6+s25], $0x40, s0, s25, $0xb8;
	[tilespmem:$0x1AF00] =	vst v63  }
0x30: {  	s21 =	simm.s32 $0x0;
	s4 =	rddreg [dreg:$0x5]  }
.LBB2_5:
0x31: {  	s0 =	rddreg [dreg:$0x8]  }
0x32: {  	_ =	swait.ge [sflag:s0], $0x2000  }
0x33: {  	[sflag:s0] =	ssyncset.done $0x0  }
0x34: {  	[sflag:s0] =	ssyncadd.s32 $0xFFFFE000  }
0x35: {  	_ =	swait.ge [sflag:s12], $0x2000  }
0x36: {  	[sflag:s12] =	ssyncset.done $0x0  }
0x37: {  	[sflag:s12] =	ssyncadd.s32 $0xFFFFE000  }
0x38: {  	_ =	swait.ge [sflag:s13], $0x2000  }
0x39: {  	[sflag:s13] =	ssyncset.done $0x0  }
0x3a: {  	[sflag:s13] =	ssyncadd.s32 $0xFFFFE000  }
0x3b: {  	_ =	swait.ge [sflag:s14], $0x2000  }
0x3c: {  	[sflag:s14] =	ssyncset.done $0x0  }
0x3d: {  	[sflag:s14] =	ssyncadd.s32 $0xFFFFE000  }
0x3e: {  	_ =	swait.ge [sflag:s15], $0x2000  }
0x3f: {  	[sflag:s15] =	ssyncset.done $0x0  }
0x40: {  	[sflag:s15] =	ssyncadd.s32 $0xFFFFE000  }
0x41: {  	_ =	swait.ge [sflag:s16], $0x2000  }
0x42: {  	[sflag:s16] =	ssyncset.done $0x0  }
0x43: {  	[sflag:s16] =	ssyncadd.s32 $0xFFFFE000  }
0x44: {  	[bflag:$0x0] =	sbarrier.arrive $0xFFFF  }
0x45: {  	s28 =	rddreg [dreg:$0x9]  }
0x46: {  	[hbm:s28], [sflag:s4] =	dma.local [spmem:s30], $0x1400  }
0x47: {  	_ =	swait.ge [sflag:s19], $0x1400  }
0x48: {  	s29 =	sadd.s32 $0x1, s29;
	s31 =	rddreg [dreg:$0xa]  }
0x49: {  	p1 =	sne.s32 s29, s31  }
.Ltmp1:
0x4a: {  	_ = 	snop;
	(pc) =	sbr.rel @!p1 .LBB2_6-.Ltmp1, $3  }
0x4b: {  	_ =	sdelay $0x1  }
0x4c: {  	[sflag:s19] =	ssyncset.done $0x0  }
0x4d: {  	[sflag:s19] =	ssyncadd.s32 $0xFFFFEC00  }
.LBB2_1:
0x4e: {  	s0 =	rddreg [dreg:$0x4]  }
0x4f: {  	s10 =	rddreg [dreg:$0x1];
	s30 =	sshrl.u32 s0, $0x3  }
0x50: {  	[spmem:s30], [sflag:s4] =	dma.local [hbm:s10], $0x1400  }
0x51: {  	_ =	swait.ge [sflag:s19], $0x1400  }
0x52: {  	[sflag:s19] =	ssyncset.done $0x0  }
0x53: {  	s11 =	rddreg [dreg:$0x6];
	[sflag:s19] =	ssyncadd.s32 $0xFFFFEC00  }
0x54: {  	[tilespmem:s21], [sflag:$0xD] =	stream.linear.gather [hbm4b:s11+s21], $0x2780, $0x38;
	[tilespmem:$0x1AF00] =	vst v63  }
0x55: {  	_ =	swait.ge [sflag:s19], $0x2780  }
0x56: {  	[sflag:s19] =	ssyncset.done $0x0  }
0x57: {  	s24 =	simm.s32 $0x2780;
	s17 =	rddreg [dreg:$0x7];
	[sflag:s19] =	ssyncadd.s32 $0xFFFFD880  }
0x58: {  	[tilespmem:s24], [sflag:$0xD] =	stream.linear.gather [hbm4b:s17+s21], $0x2780, $0x38;
	[tilespmem:$0x1AF00] =	vst v63  }
0x59: {  	_ =	swait.ge [sflag:s19], $0x2780  }
0x5a: {  	[sflag:s19] =	ssyncset.done $0x0  }
0x5b: {  	[sflag:s19] =	ssyncadd.s32 $0xFFFFD880  }
0x5c: {  	s18 =	simm.s32 $0x4F00;
	[bflag:$0x0] =	sbarrier.arrive $0xFFFF  }
0x5d: {  	[tilespmem:s18], [sflag:$0x1] =	stream.indirect.gather [hbm4b:s6+s20], $0x40, s21, s20, $0xb8;
	[tilespmem:$0x1AF00] =	vst v63  }
0x5e: {  	s22 =	simm.s32 $0x6F00  }
0x5f: {  	[tilespmem:s22], [sflag:$0x2] =	stream.indirect.gather [hbm4b:s6+s20], $0x40, s20, s20, $0xb8;
	[tilespmem:$0x1AF00] =	vst v63  }
0x60: {  	s23 =	simm.s32 $0x100;
	s1 =	simm.s32 $0x8F00  }
0x61: {  	[tilespmem:s1], [sflag:$0x3] =	stream.indirect.gather [hbm4b:s6+s20], $0x40, s23, s20, $0xb8;
	[tilespmem:$0x1AF00] =	vst v63  }
.Ltmp2:
0x62: {  	_ = 	snop;
	(pc) =	sbr.rel @p0 .LBB2_5-.Ltmp2, $4  }
0x63: {  	s25 =	simm.s32 $0x180;
	s26 =	simm.s32 $0xAF00  }
0x64: {  	[tilespmem:s26], [sflag:$0x4] =	stream.indirect.gather [hbm4b:s6+s20], $0x40, s25, s20, $0xb8;
	[tilespmem:$0x1AF00] =	vst v63  }
0x65: {  	s28 =	simm.s32 $0x200;
	s31 =	simm.s32 $0xCF00  }
0x66: {  	[tilespmem:s31], [sflag:$0x5] =	stream.indirect.gather [hbm4b:s6+s20], $0x40, s28, s20, $0xb8;
	[tilespmem:$0x1AF00] =	vst v63  }
0x67: {  	s0 =	simm.s32 $0x0  }
0x68: {  	s2 =	simm.s32 $0x5;
	s31 =	simm.s32 $0x1;
	s21 =	smulhi.u32 $0xAAAAAAAB, s0  }
0x69: {  	p2 =	sgt.s32 s5, $0x1;
	s1 =	simm.s32 $0x6F00;
	s22 =	simm.s32 $0x2800  }
0x6a: {  	p1 =	sle.s32 s5, $0x5;
	s23 =	smulhi.u32 $0xAAAAAAAB, s2;
	s25 =	sshrl.u32 s21, $0x2  }
0x6b: {  	s0 =	simm.s32 $0x280;
	p3 =	por @!p1 $0x1, $0x1;
	s26 =	smul.u32 $0xFFFFFFE8, s25  }
0x6c: {  	s2 =	simm.s32 $0x10F00;
	p3 =	por p3, p1;
	s28 =	sshrl.u32 s23, $0x2  }
0x6d: {  	s21 =	simm.s32 $0x300;
	s7 =	smul.u32 $0xFFFFFFE8, s28;
	s26 =	sshra.s32 s26, $0x2  }
0x6e: {  	s23 =	simm.s32 $0x4;
	s25 =	smul.u32 $0xFFFD0000, s25;
	s26 =	sadd.s32 $0x0, s26  }
0x6f: {  	s28 =	smul.u32 $0xFFFD0000, s28;
	s7 =	sshra.s32 s7, $0x2;
	s9 =	sadd.s32 $0x1, s26  }
0x70: {  	s25 =	sshra.s32 s25, $0x2;
	s10 =	sadd.s32 $0xC, s7;
	_ =	swait.ge [sflag:s9], $0x2000  }
0x71: {  	s25 =	sadd.s32 $0x4F00, s25;
	s10 =	sadd.s32 @!p3 $0x0, s10;
	[sflag:s9] =	ssyncset.done $0x0  }
.Ltmp3:
0x72: {  	s18 =	sadd.s32 $0x7, s26;
	[sflag:s9] =	ssyncadd.s32 $0xFFFFE000;
	(pc) =	sbr.rel @!p2 .LBB2_4-.Ltmp3, $4  }
0x73: {  	[spmem:s3] =	stream.indirect.scatter.add.f32 [tilespmem:s25], [sflag:s18], $0x40, s24, s20, $0xb8;
	[tilespmem:$0x1AF00] =	vst v63  }
0x74: {  	s7 =	sadd.s32 $0x6, s7;
	s26 =	sshra.s32 s28, $0x2;
	_ =	swait.ge @!p3 [sflag:s10], $0x2000  }
0x75: {  	s28 =	sadd.s32 @!p1 $0x0, s7;
	s26 =	sadd.s32 $0xEF00, s26;
	[sflag:s10] =	ssyncset.done @!p3 $0x0  }
0x76: {  	s24 =	simm.s32 $0x6;
	s25 =	simm.s32 @!p1 $0x80;
	[sflag:s10] =	ssyncadd.s32 @!p3 $0xFFFFE000  }
.LBB2_3:
0x77: {  	[tilespmem:s26], [sflag:s28] =	stream.indirect.gather @!p1 [hbm4b:s6+s25], $0x40, s0, s25, $0xb8;
	[tilespmem:$0x1AF00] =	vst v63  }
0x78: {  	s7 =	smov.u32 s31;
	s9 =	smov.u32 s1;
	s10 =	smov.u32 s2  }
0x79: {  	s31 =	sadd.s32 $0x1, s31;
	s0 =	smov.u32 s21;
	s25 =	smov.u32 s22  }
0x7a: {  	s26 =	smov.u32 s23;
	p2 =	slt.s32 s31, s5  }
0x7b: {  	s1 =	sadd.s32 $0x2000, s1;
	s2 =	sadd.s32 $0x2000, s2;
	s28 =	smulhi.u32 $0xAAAAAAAB, s7  }
0x7c: {  	s21 =	sadd.s32 $0x80, s21;
	s22 =	sadd.s32 $0x80, s22;
	s17 =	smulhi.u32 $0xAAAAAAAB, s24  }
0x7d: {  	s23 =	sadd.s32 $0x4, s23;
	s24 =	sadd.s32 $0x1, s24;
	s28 =	sshrl.u32 s28, $0x2  }
0x7e: {  	s4 =	sshra.s32 s26, $0x2;
	s7 =	sadd.s32 $0x5, s7;
	s18 =	smul.u32 $0xFFFFFFE8, s28  }
0x7f: {  	s17 =	sshrl.u32 s17, $0x2;
	p1 =	sge.s32 s7, s5;
	s28 =	smul.u32 $0xFFFD0000, s28  }
0x80: {  	s8 =	smul.u32 $0xFFFFFFE8, s17;
	p3 =	seq.s32 @!p1 s26, $0x0;
	s18 =	sshra.s32 s18, $0x2  }
0x81: {  	s7 =	smul.u32 $0xFFFD0000, s17;
	p3 =	por p3, p1;
	s4 =	sadd.s32 s4, s18  }
0x82: {  	s8 =	sshra.s32 s8, $0x2;
	s11 =	sshra.s32 @!p3 s26, $0x2;
	s17 =	sadd.s32 $0x1, s4  }
0x83: {  	s28 =	sshra.s32 s28, $0x2;
	s18 =	sadd.s32 $0xC, s8;
	_ =	swait.ge [sflag:s17], $0x2000  }
0x84: {  	s9 =	sadd.s32 s28, s9;
	s11 =	sadd.s32 @!p3 s11, s18;
	[sflag:s17] =	ssyncset.done $0x0  }
.Ltmp4:
0x85: {  	s4 =	sadd.s32 $0x7, s4;
	[sflag:s17] =	ssyncadd.s32 $0xFFFFE000;
	(pc) =	sbr.rel @p2 .LBB2_3-.Ltmp4, $4  }
0x86: {  	[spmem:s3] =	stream.indirect.scatter.add.f32 [tilespmem:s9], [sflag:s4], $0x40, s25, s20, $0xb8;
	[tilespmem:$0x1AF00] =	vst v63  }
0x87: {  	s4 =	sshra.s32 s7, $0x2;
	s25 =	simm.s32 @!p1 $0x80;
	_ =	swait.ge @!p3 [sflag:s11], $0x2000  }
0x88: {  	s7 =	sadd.s32 $0x6, s8;
	s8 =	sshra.s32 @!p1 s26, $0x2;
	[sflag:s11] =	ssyncset.done @!p3 $0x0  }
0x89: {  	s26 =	sadd.s32 s4, s10;
	s28 =	sadd.s32 @!p1 s8, s7;
	[sflag:s11] =	ssyncadd.s32 @!p3 $0xFFFFE000  }
.Ltmp5:
0x8a: {  	_ = 	snop;
	(pc) =	sbr.rel .LBB2_4-.Ltmp5, $1  }
0x8b: {  	_ =	sdelay $0x3  }
.LBB2_6:
0x8c: {  	_ =	sfence.sel $0x180000  }
0x8d: {  	[bflag:$0x0] =	sbarrier.arrive $0xFFFF  }
0x8e: {  	_ =	strace $0x9000004D  }
0x8f: {  	s0 =	stileid.u32;
	[bflag:$0x2] =	sbarrier.arrive $0xFFFF  }
0x90: {  	p0 =	sne.s32 s0, $0x0;
	s0 =	rddreg [dreg:$0x3]  }
0x91: {  	s0 =	sadd.s32 @!p0 $0x100000, s0  }
0x92: {  	[sflag:s0] =	ssyncadd.tile.s32 @!p0 $0x1;
	_ =	shalt  }
.Lfunc_end2:
_tile_overlayer_lowered:
.L_overlay_start_2:
0x93: {  	(tag) =	ssettag $0x2  }
0x94: {  	s0 =	rddreg [dreg:$0x0];
	s2 =	stileid.u32  }
0x95: {  	s1 =	rddreg [dreg:$0x1];
	p0 =	sne.s32 s2, $0x0  }
0x96: {  	s3 =	rddreg [dreg:$0x2];
	[bflag:$0x3] =	sbarrier.arrive $0xFFFF;
	s2 =	simm.s32 @!p0 $0x1C0D  }
0x97: {  	[timem:s3], [sflag:s2] =	dma.local @!p0 [hbm:s0], s1  }
0x98: {  	s0 =	simm.s32 @!p0 $0xD  }
0x99: {  	_ =	swait.ge @!p0 [sflag:s0], s1  }
0x9a: {  	s1 =	ssub.s32 @!p0 $0x0, s1;
	[sflag:s0] =	ssyncset.done @!p0 $0x0  }
0x9b: {  	[sflag:s0] =	ssyncadd.s32 @!p0 s1  }
0x9c: {  	[bflag:$0x3] =	sbarrier.arrive $0xFFFF  }
0x9d: {  	_ =	shalt  }

// kernel: kernel.9.cloned.1.call-start
scs
__scs_entry_jumppad:
0x0: {  	(pc) =	sbr.rel $0x88, $3  }
0x1: {  	(tag) =	ssettag $0x0;
	lr =	simm.s32 $0x1  }
0x2: {  	[smem:$0x3F98] =	sst lr;
	_ =	strace $0xD0000000  }
0x3: {  	_ = 	snop  }
0x4: {  	_ = 	snop  }
0x5: {  	_ = 	snop  }
0x6: {  	_ = 	snop  }
0x7: {  	_ = 	snop  }
__scs_overlays_trampoline_lowered:
0x8: {  	[smem:$0x3FA7] =	sst s0  }
0x9: {  	[smem:$0x3FA8] =	sst s1  }
0xa: {  	[smem:$0x3FA9] =	sst s2  }
0xb: {  	[smem:$0x3FAA] =	sst s3  }
0xc: {  	[smem:$0x3FAB] =	sst s4  }
0xd: {  	[smem:$0x3FAC] =	sst s5  }
0xe: {  	[smem:$0x3FAD] =	sst s6  }
0xf: {  	[smem:$0x3FAE] =	sst s7  }
0x10: {  	[smem:$0x3FAF] =	sst s8  }
0x11: {  	[smem:$0x3FB0] =	sst s9;
	s0 =	simm.s32 @!p0 $0x0  }
0x12: {  	s1 =	sld [smem:$0x3F96];
	s0 =	simm.s32 @p0 $0x1  }
0x13: {  	[smem:$0x3FB1] =	sst s0;
	s0 =	simm.s32 @!p1 $0x0  }
0x14: {  	s2 =	sld [smem:$0x3F95];
	s0 =	simm.s32 @p1 $0x1  }
0x15: {  	[smem:$0x3FB2] =	sst s0;
	s0 =	simm.s32 @!p2 $0x0  }
0x16: {  	s3 =	sld [smem:$0x3FDB];
	s0 =	simm.s32 @p2 $0x1  }
0x17: {  	s4 =	simm.s32 $0x1BF5;
	[smem:$0x3FB4] =	sst s0  }
0x18: {  	s0 =	sld [smem:$0x3F97];
	_ =	swait.ge [sflag:s4], $0x0  }
0x19: {  	s7 =	sld [smem:$0x3F98]  }
0x1a: {  	s8 =	sadd.s32 $0xFFFFE003, lr  }
0x1b: {  	s9 =	sadd.s32 $0xFFFFFEF7, lr;
	s5 =	simm.s32 $0xFFFFFFFF;
	p2 =	slt.u32 s8, $0xFFFFF086  }
0x1c: {  	p1 =	slt.u32 s9, $0xF7A;
	s5 =	simm.s32 @!p2 $0x0  }
0x1d: {  	s5 =	simm.s32 @p1 $0x1;
	p0 =	seq.s32 s7, s2  }
0x1e: {  	s7 =	smul.u32 @!p0 $0xF7A, s2;
	p2 =	seq.s32 @!p0 s5, $0x0  }
0x1f: {  	s9 =	smul.u32 $0xF7A, s1;
	s8 =	simm.s32 @!p0 $0x1BF5;
	p2 =	por !p2, p0  }
0x20: {  	[sflag:s8] =	ssyncset.s32 @!p0 $0xFFFFF086;
	s6 =	sadd.s32 @!p0 s3, s7;
	s7 =	simm.s32 @!p0 $0x108  }
0x21: {  	s3 =	sadd.s32 s3, s9;
	s6 =	sadd.s32 @!p0 $0x88, s6;
	s7 =	simm.s32 @p2 $0x1082  }
0x22: {  	[simem:s7], [sflag:s8] =	dma.local @!p0 [hbm:s6], $0xF7A  }
0x23: {  	s9 =	sor.u32 $0xD0000000, s2;
	s6 =	simm.s32 $0x108;
	_ =	swait.ge @!p0 [sflag:s8], $0x0  }
0x24: {  	s3 =	sadd.s32 $0x88, s3;
	s6 =	simm.s32 @!p1 $0x1082;
	[sflag:s4] =	ssyncset.s32 $0xFFFFF086  }
0x25: {  	[simem:s6], [sflag:s4] =	dma.local [hbm:s3], $0xF7A  }
0x26: {  	[smem:$0x3F98] =	sst s1;
	(tag) =	ssettag s2;
	_ =	strace s9  }
0x27: {  	s1 =	sld [smem:$0x3FA8]  }
0x28: {  	s2 =	sld [smem:$0x3FA9]  }
0x29: {  	s4 =	sld [smem:$0x3FAB]  }
0x2a: {  	p0 =	seq.s32 s5, $0x0;
	s5 =	sld [smem:$0x3FAC]  }
0x2b: {  	s6 =	sld [smem:$0x3FAD]  }
0x2c: {  	s7 =	sld [smem:$0x3FAE]  }
0x2d: {  	s3 =	simm.s32 $0x108;
	s8 =	sld [smem:$0x3FAF]  }
0x2e: {  	s3 =	simm.s32 @!p0 $0x1082;
	s9 =	sld [smem:$0x3FB0]  }
0x2f: {  	lr =	sadd.s32 s0, s3;
	s0 =	sld [smem:$0x3FA7]  }
0x30: {  	s3 =	sld [smem:$0x3FAA]  }
0x31: {  	[smem:$0x3FB3] =	sst s10  }
0x32: {  	s10 =	sld [smem:$0x3FB1];
	_ =	sdelay $0x3  }
0x33: {  	p0 =	seq.s32 s10, $0x1;
	s10 =	sld [smem:$0x3FB3];
	_ =	sdelay $0x3  }
0x34: {  	[smem:$0x3FB3] =	sst s10  }
0x35: {  	s10 =	sld [smem:$0x3FB2];
	_ =	sdelay $0x3  }
0x36: {  	p1 =	seq.s32 s10, $0x1;
	s10 =	sld [smem:$0x3FB3];
	_ =	sdelay $0x3  }
0x37: {  	[smem:$0x3FB3] =	sst s10  }
0x38: {  	s10 =	sld [smem:$0x3FB4]  }
0x39: {  	_ = 	snop;
	(pc) =	sbr.ind lr, $3  }
0x3a: {  	_ = 	snop  }
0x3b: {  	_ = 	snop  }
0x3c: {  	p2 =	seq.s32 s10, $0x1;
	s10 =	sld [smem:$0x3FB3]  }
0x3d: {  	_ =	shalt  }
0x3e: {  	_ =	shalt  }
0x3f: {  	_ =	shalt  }
0x40: {  	_ =	shalt  }
0x41: {  	_ =	shalt  }
0x42: {  	_ =	shalt  }
0x43: {  	_ =	shalt  }
0x44: {  	_ =	shalt  }
0x45: {  	_ =	shalt  }
0x46: {  	_ =	shalt  }
0x47: {  	_ =	shalt  }
0x48: {  	_ =	shalt  }
0x49: {  	_ =	shalt  }
0x4a: {  	_ =	shalt  }
0x4b: {  	_ =	shalt  }
0x4c: {  	_ =	shalt  }
0x4d: {  	_ =	shalt  }
0x4e: {  	_ =	shalt  }
0x4f: {  	_ =	shalt  }
0x50: {  	_ =	shalt  }
0x51: {  	_ =	shalt  }
0x52: {  	_ =	shalt  }
0x53: {  	_ =	shalt  }
0x54: {  	_ =	shalt  }
0x55: {  	_ =	shalt  }
0x56: {  	_ =	shalt  }
0x57: {  	_ =	shalt  }
0x58: {  	_ =	shalt  }
0x59: {  	_ =	shalt  }
0x5a: {  	_ =	shalt  }
0x5b: {  	_ =	shalt  }
0x5c: {  	_ =	shalt  }
0x5d: {  	_ =	shalt  }
0x5e: {  	_ =	shalt  }
0x5f: {  	_ =	shalt  }
0x60: {  	_ =	shalt  }
0x61: {  	_ =	shalt  }
0x62: {  	_ =	shalt  }
0x63: {  	_ =	shalt  }
0x64: {  	_ =	shalt  }
0x65: {  	_ =	shalt  }
0x66: {  	_ =	shalt  }
0x67: {  	_ =	shalt  }
0x68: {  	_ =	shalt  }
0x69: {  	_ =	shalt  }
0x6a: {  	_ =	shalt  }
0x6b: {  	_ =	shalt  }
0x6c: {  	_ =	shalt  }
0x6d: {  	_ =	shalt  }
0x6e: {  	_ =	shalt  }
0x6f: {  	_ =	shalt  }
0x70: {  	_ =	shalt  }
0x71: {  	_ =	shalt  }
0x72: {  	_ =	shalt  }
0x73: {  	_ =	shalt  }
0x74: {  	_ =	shalt  }
0x75: {  	_ =	shalt  }
0x76: {  	_ =	shalt  }
0x77: {  	_ =	shalt  }
0x78: {  	_ =	shalt  }
0x79: {  	_ =	shalt  }
0x7a: {  	_ =	shalt  }
0x7b: {  	_ =	shalt  }
0x7c: {  	_ =	shalt  }
0x7d: {  	_ =	shalt  }
0x7e: {  	_ =	shalt  }
0x7f: {  	_ =	shalt  }
0x80: {  	_ =	shalt  }
0x81: {  	_ =	shalt  }
0x82: {  	_ =	shalt  }
0x83: {  	_ =	shalt  }
0x84: {  	_ =	shalt  }
0x85: {  	_ =	shalt  }
0x86: {  	_ =	shalt  }
0x87: {  	_ =	shalt  }
.Lfunc_end0:
.L_simem_size_0:
called_computation_lowered:
.L_overlay_start_0:
0x88: {  	s2 =	sld [smem:$0x3FD9]  }
0x89: {  	s3 =	sld [smem:$0x3FFE];
	_ =	sdelay $0x1  }
0x8a: {  	s1 =	srdreg.scid  }
0x8b: {  	s0 =	sand.u32 $0x1, s1  }
0x8c: {  	s17 =	sshll.u32 s0, $0xA;
	s2 =	sadd.s32 s3, s2  }
0x8d: {  	s2 =	sadd.s32 s2, s17  }
0x8e: {  	[smem:$0x3FBF] =	sst s2  }
0x8f: {  	_ = 	snop  }
0x90: {  	s2 =	sld [smem:$0x3FD0];
	(tm) =	ssettm $0x1  }
0x91: {  	s18 =	sld [smem:$0x3FFB];
	_ =	sdelay $0x3  }
0x92: {  	_ =	strace s18  }
0x93: {  	s3 =	sld [smem:$0x3FFC];
	_ =	sdelay $0x3  }
0x94: {  	_ =	strace s3  }
0x95: {  	s3 =	sld [smem:$0x3FFD];
	_ =	sdelay $0x3  }
0x96: {  	_ =	strace s3  }
0x97: {  	_ =	strace $0x8FFFFFFF  }
0x98: {  	s19 =	sld [smem:$0x3FDB];
	_ =	sdelay $0x1  }
0x99: {  	s4 =	simm.s32 $_scs_section_size  }
0x9a: {  	s5 =	simm.s32 $_size__tile_overlayer_lowered;
	s6 =	simm.s32 $_tile_overlayer_lowered  }
0x9b: {  	s22 =	simm.s32 $0x1BFF;
	s21 =	sshll.u32 s6, $0x1;
	s3 =	sadd.s32 s4, s19  }
0x9c: {  	s7 =	simm.s32 $0x0;
	s20 =	sshll.u32 s5, $0x1;
	s5 =	sadd.s32 s21, s3  }
0x9d: {  	[timem:s7], [sflag:s22] =	dma.local [hbm:s5], s20  }
0x9e: {  	_ =	swait.ge [sflag:s22], s20  }
0x9f: {  	s4 =	ssub.s32 $0x0, s20;
	[sflag:s22] =	ssyncset.done $0x0  }
0xa0: {  	[sflag:s22] =	ssyncadd.s32 s4;
	_ =	sdelay $0x1  }
0xa1: {  	s23 =	simm.s32 $0x1B8B  }
0xa2: {  	_ =	swait.ge [sflag:s23], $0x1  }
0xa3: {  	[sflag:s23] =	ssyncset.done $0x0  }
0xa4: {  	s25 =	simm.s32 $0x1B8E;
	s24 =	sld [smem:$0x3FFE];
	[sflag:s23] =	ssyncadd.s32 $0xFFFFFFFF  }
0xa5: {  	s26 =	simm.s32 $execute0_lowered;
	[smem:$0x3FD2] =	sst s25  }
0xa6: {  	s5 =	sshll.u32 s26, $0x1;
	_ =	strace $0x80000046;
	[dreg:$0x1] =	wrdreg $0xFFFFFFFF  }
0xa7: {  	s28 =	simm.s32 $_size_execute0_lowered;
	s3 =	sadd.s32 s3, s5;
	[dreg:$0x0] =	wrdreg $0x0  }
0xa8: {  	s5 =	sshll.u32 s28, $0x1;
	[dreg:$0x2] =	wrdreg s3  }
0xa9: {  	[dreg:$0x3] =	wrdreg s5  }
0xaa: {  	[dreg:$0x4] =	wrdreg $0xC0  }
0xab: {  	_ =	task [dreg:s7], $0x5FFFF  }
0xac: {  	[dreg:$0x1] =	wrdreg $0xFFFFFFFF  }
0xad: {  	[dreg:$0x0] =	wrdreg $0x60  }
0xae: {  	[dreg:$0x2] =	wrdreg s24  }
0xaf: {  	[dreg:$0x3] =	wrdreg s2  }
0xb0: {  	[dreg:$0x4] =	wrdreg $0x28000  }
0xb1: {  	[dreg:$0x5] =	wrdreg $0x9  }
0xb2: {  	_ =	task.clear_ibuf [dreg:s7], $0x6FFFF;
	_ =	strace $0x90000046  }
0xb3: {  	s29 =	simm.s32 $0x9;
	_ =	strace $0x80000048  }
0xb4: {  	_ =	swait.ge [sflag:s29], $0x1  }
0xb5: {  	[sflag:s29] =	ssyncadd.s32 $0xFFFFFFFF  }
0xb6: {  	_ =	strace $0x90000048  }
0xb7: {  	_ =	sfence  }
0xb8: {  	s30 =	sld [smem:$0x0];
	_ =	sdelay $0x2  }
0xb9: {  	s31 =	sshll.u32 s1, $0xD;
	s1 =	sshrl.u32 s1, $0x2  }
0xba: {  	s3 =	sand.u32 $0x4000, s31;
	s1 =	sadd.s32 s1, s30  }
0xbb: {  	s0 =	sor.u32 s3, s0;
	s1 =	sshll.u32 s1, $0x11  }
0xbc: {  	s0 =	sor.u32 s1, s0  }
0xbd: {  	s0 =	sadd.s32 $0x8F2B, s0  }
0xbe: {  	[sflag:s0] =	ssyncadd.remote.s32 $0x1  }
0xbf: {  	_ =	sfence.sel $0xFFFF  }
0xc0: {  	[dreg:$0x0] =	wrdreg $0xFFFFFFFF;
	(pc) =	sbr.abs _section_cstart, $3  }
0xc1: {  	[dreg:$0x1] =	wrdreg $0xFFFFFFFF  }
0xc2: {  	_ =	task.clear_ibuf [dreg:s7], $0x2FFFF;
	_ =	strace $0x9FFFFFFF  }
0xc3: {  	(tm) =	ssettm $0x7FFFFFFF  }
tec
execute0_lowered:
.L_overlay_start_1:
0x0: {  	(tag) =	ssettag $0x1  }
0x1: {  	s6 =	rddreg [dreg:$0x0]  }
0x2: {  	s9 =	rddreg [dreg:$0x1]  }
0x3: {  	s0 =	srdreg.scid;
	s2 =	rddreg [dreg:$0x2];
	s3 =	simm.s32 $0x0  }
0x4: {  	s15 =	simm.s32 $0x0;
	s5 =	sand.u32 $0x1, s0;
	s0 =	stileid.u32  }
0x5: {  	[smem:$0x7FF] =	sst s3;
	s1 =	sshll.u32 s5, $0x4;
	s12 =	smul.u32 $0x280, s0  }
0x6: {  	s11 =	ssub.s32 $0x2, s5;
	s14 =	smul.u32 $0x2800, s5;
	s5 =	sadd.s32 $0x15C00, s6  }
0x7: {  	s29 =	sshll.u32 s0, $0x6;
	s1 =	sor.u32 s0, s1;
	s13 =	sshrl.u32 s11, $0x1  }
0x8: {  	s7 =	smul.u32 $0x9C4, s1;
	s1 =	rddreg [dreg:$0x3];
	_ =	strace $0x80000047  }
0x9: {  	s11 =	ssub.s32 s11, s13;
	s30 =	sadd.s32 s12, s14;
	s12 =	sadd.s32 s12, s2  }
0xa: {  	s13 =	simm.s32 $0x2780;
	s14 =	simm.s32 $0x80;
	s31 =	sshrl.u32 s30, $0x3  }
.Ltmp0:
0xb: {  	s8 =	sshrl.u32 s7, $0x5;
	s7 =	sadd.s32 $0x9C4, s7;
	(pc) =	sbr.rel .LBB2_1-.Ltmp0, $4  }
0xc: {  	s9 =	sadd.s32 s9, s31;
	s4 =	sshll.u32 s8, $0x4;
	s28 =	sshrl.u32 s7, $0x5  }
0xd: {  	s7 =	sor.u32 $0x1C01, s29;
	s10 =	sadd.s32 s4, s6;
	s4 =	sadd.s32 $0x15E00, s6  }
0xe: {  	s6 =	ssub.s32 s28, s8;
	s8 =	sadd.s32 $0xBE40, s10;
	s10 =	smax.u32 s11, $0x1  }
0xf: {  	p0 =	slt.s32 s6, $0x1;
	s11 =	sshrl.u32 s12, $0x3;
	s12 =	simm.s32 $0x1  }
.LBB2_4:
0x10: {  	[sflag:s12] =	ssyncadd.s32 $0xFFFFFF80  }
.LBB2_5:
0x11: {  	s15 =	sadd.s32 $0x1, s15  }
0x12: {  	p1 =	sne.s32 s15, s10  }
.Ltmp1:
0x13: {  	[bflag:$0x0] =	sbarrier.arrive $0xFFFF;
	(pc) =	sbr.rel @!p1 .LBB2_6-.Ltmp1, $4  }
0x14: {  	[hbm:s9], [sflag:s7] =	dma.local [spmem:s11], $0x50  }
0x15: {  	_ =	swait.ge [sflag:s12], $0x50  }
0x16: {  	[sflag:s12] =	ssyncset.done $0x0  }
0x17: {  	[sflag:s12] =	ssyncadd.s32 $0xFFFFFFB0  }
.LBB2_1:
0x18: {  	[spmem:s11], [sflag:s7] =	dma.local [hbm:s5], $0x50  }
0x19: {  	_ =	swait.ge [sflag:s12], $0x50  }
0x1a: {  	[sflag:s12] =	ssyncset.done $0x0  }
0x1b: {  	[sflag:s12] =	ssyncadd.s32 $0xFFFFFFB0  }
0x1c: {  	[tilespmem:s13], [sflag:$0x1] =	stream.linear.gather [hbm4b:s4+s3], $0x80, $0x38;
	[tilespmem:$0x2A80] =	vst v63  }
0x1d: {  	_ =	swait.ge [sflag:s12], $0x80  }
0x1e: {  	[sflag:s12] =	ssyncset.done $0x0  }
0x1f: {  	[sflag:s12] =	ssyncadd.s32 $0xFFFFFF80  }
0x20: {  	[tilespmem:s3], [sflag:$0x1] =	stream.linear.gather [hbm4b:s8+s3], $0x2780, $0x38;
	[tilespmem:$0x2A80] =	vst v63  }
.Ltmp2:
0x21: {  	_ =	swait.ge [sflag:s12], $0x2780;
	(pc) =	sbr.rel @p0 .LBB2_5-.Ltmp2, $3  }
0x22: {  	[sflag:s12] =	ssyncset.done $0x0  }
0x23: {  	[sflag:s12] =	ssyncadd.s32 $0xFFFFD880  }
0x24: {  	[bflag:$0x0] =	sbarrier.arrive $0xFFFF;
	_ =	sdelay $0x1  }
0x25: {  	s16 =	sadd.s32 $0x1, s3  }
0x26: {  	p1 =	slt.s32 s16, s6  }
.Ltmp3:
0x27: {  	_ = 	snop;
	(pc) =	sbr.rel @!p1 .LBB2_4-.Ltmp3, $4  }
0x28: {  	_ = 	snop  }
0x29: {  	[spmem:s2] =	stream.indirect.scatter.add.f32 [tilespmem:s13], [sflag:$0x1], $0x1, s3, s14, $0xb8;
	[tilespmem:$0x2A80] =	vst v63  }
0x2a: {  	_ =	swait.ge [sflag:s12], $0x80  }
0x2b: {  	s17 =	simm.s32 $0x0;
	[sflag:s12] =	ssyncset.done $0x0  }
.LBB2_3:
0x2c: {  	s16 =	sadd.s32 $0x1, s16  }
0x2d: {  	[sflag:s12] =	ssyncadd.s32 $0xFFFFFF80;
	s17 =	sadd.s32 $0x80, s17;
	p1 =	slt.s32 s16, s6  }
.Ltmp4:
0x2e: {  	(pc) =	sbr.rel @p1 .LBB2_3-.Ltmp4, $4  }
0x2f: {  	_ = 	snop  }
0x30: {  	[spmem:s2] =	stream.indirect.scatter.add.f32 [tilespmem:s13], [sflag:$0x1], $0x1, s17, s14, $0xb8;
	[tilespmem:$0x2A80] =	vst v63  }
0x31: {  	_ =	swait.ge [sflag:s12], $0x80  }
0x32: {  	[sflag:s12] =	ssyncset.done $0x0  }
.Ltmp5:
0x33: {  	_ = 	snop;
	(pc) =	sbr.rel .LBB2_4-.Ltmp5, $1  }
0x34: {  	_ =	sdelay $0x3  }
.LBB2_6:
0x35: {  	_ =	sfence.sel $0x180000  }
0x36: {  	[bflag:$0x0] =	sbarrier.arrive $0xFFFF  }
0x37: {  	p0 =	sne.s32 s0, $0x0;
	_ =	strace $0x90000047  }
0x38: {  	s0 =	sadd.s32 @!p0 $0x100000, s1;
	[bflag:$0x2] =	sbarrier.arrive $0xFFFF  }
0x39: {  	[sflag:s0] =	ssyncadd.tile.s32 @!p0 $0x1;
	_ =	shalt  }
.Lfunc_end2:
_tile_overlayer_lowered:
.L_overlay_start_2:
0x3a: {  	(tag) =	ssettag $0x2  }
0x3b: {  	s0 =	rddreg [dreg:$0x0];
	s2 =	stileid.u32  }
0x3c: {  	s1 =	rddreg [dreg:$0x1];
	p0 =	sne.s32 s2, $0x0  }
0x3d: {  	s3 =	rddreg [dreg:$0x2];
	[bflag:$0x3] =	sbarrier.arrive $0xFFFF;
	s2 =	simm.s32 @!p0 $0x1C01  }
0x3e: {  	[timem:s3], [sflag:s2] =	dma.local @!p0 [hbm:s0], s1  }
0x3f: {  	s0 =	simm.s32 @!p0 $0x1  }
0x40: {  	_ =	swait.ge @!p0 [sflag:s0], s1  }
0x41: {  	s1 =	ssub.s32 @!p0 $0x0, s1;
	[sflag:s0] =	ssyncset.done @!p0 $0x0  }
0x42: {  	[sflag:s0] =	ssyncadd.s32 @!p0 s1  }
0x43: {  	[bflag:$0x3] =	sbarrier.arrive $0xFFFF  }
0x44: {  	_ =	shalt  }

</sc_bundles>
